<compile_context>
chip_gen: v7x
topology: tpu7x:2x2x1
jax: 0.10.2.dev20260603
libtpu: 0.0.44.dev20260713+nightly
codegen_flags: <defaults>
</compile_context>

<pallas_src>
import functools

import jax
import jax.numpy as jnp
from jax import lax
from jax.experimental import pallas as pl
from jax.experimental.pallas import tpu as pltpu
from jax.experimental.pallas import tpu_sc as plsc

L, B, V, D = 50, 4096, 100000, 64
SIM_SCALE = 5.0
NC, NS = 2, 16
NW = NC * NS
BPW = B // NW
NL = D // 16
NSLOT = 4
NSTEP = 2 * L


def _sqrt16(x):
  i = plsc.bitcast(x, jnp.int32)
  y = plsc.bitcast(jnp.int32(0x5F3759DF) - lax.shift_right_logical(i, 1),
                   jnp.float32)
  for _ in range(3):
    y = y * (1.5 - 0.5 * x * y * y)
  return x * y


def _sc_avg_sim(table, ids1, ids2, lens1, lens2):
  mesh = plsc.VectorSubcoreMesh(core_axis_name="c", subcore_axis_name="s")

  @functools.partial(
      pl.kernel,
      out_type=jax.ShapeDtypeStruct((B,), jnp.float32),
      mesh=mesh,
      compiler_params=pltpu.CompilerParams(
          use_tc_tiling_on_sc=False, needs_layout_passes=False),
      scratch_types=[
          pltpu.VMEM((L, BPW), jnp.int32),
          pltpu.VMEM((L, BPW), jnp.int32),
          [pltpu.VMEM((BPW, D), jnp.float32)] * NSLOT,
          pltpu.VMEM((BPW, D), jnp.float32),
          pltpu.VMEM((BPW, D), jnp.float32),
          pltpu.VMEM((BPW,), jnp.int32),
          pltpu.VMEM((BPW,), jnp.int32),
          pltpu.VMEM((BPW,), jnp.float32),
          [pltpu.SemaphoreType.DMA] * NSLOT,
      ],
  )
  def k(table_hbm, ids1_hbm, ids2_hbm, lens1_hbm, lens2_hbm, out_hbm,
        ids1_v, ids2_v, rows, s1_v, s2_v, len1_v, len2_v, out_v, sems):
    wid = lax.axis_index("s") * NC + lax.axis_index("c")
    base = wid * BPW
    pltpu.sync_copy(ids1_hbm.at[:, pl.ds(base, BPW)], ids1_v)
    pltpu.sync_copy(ids2_hbm.at[:, pl.ds(base, BPW)], ids2_v)
    ids_v = (ids1_v, ids2_v)
    acc_v = (s1_v, s2_v)

    def fire(t, slot):
      sent = slot % 2
      pltpu.async_copy(
          table_hbm.at[ids_v[sent].at[t // 2]], rows[slot], sems[slot])

    for slot in range(NSLOT - 1):
      fire(jnp.int32(slot), slot)
    pltpu.sync_copy(lens1_hbm.at[pl.ds(base, BPW)], len1_v)
    pltpu.sync_copy(lens2_hbm.at[pl.ds(base, BPW)], len2_v)
    zero = jnp.zeros((16,), jnp.float32)

    def zbody(i, carry):
      for bb in range(4):
        b = i * 4 + bb
        for d in range(NL):
          s1_v[b, pl.ds(16 * d, 16)] = zero
          s2_v[b, pl.ds(16 * d, 16)] = zero
      return carry

    lax.fori_loop(0, BPW // 4, zbody, 0)

    def step(i, carry):
      for slot in range(NSLOT):
        t = i * NSLOT + slot
        sent = slot % 2
        pltpu.make_async_copy(
            table_hbm.at[ids_v[sent].at[t // 2]], rows[slot],
            sems[slot]).wait()

        @pl.when(t + NSLOT - 1 < NSTEP)
        def _():
          fire(t + NSLOT - 1, (slot + NSLOT - 1) % NSLOT)

        rv = rows[slot]
        acc = acc_v[sent]

        def abody(ib, c):
          for bb in range(4):
            b = ib * 4 + bb
            for d in range(NL):
              plsc.addupdate(
                  acc.at[b, pl.ds(16 * d, 16)], rv[b, pl.ds(16 * d, 16)])
          return c

        lax.fori_loop(0, BPW // 4, abody, 0)
      return carry

    lax.fori_loop(0, NSTEP // NSLOT, step, 0)

    lane = lax.iota(jnp.int32, 16)

    def ebody(g, carry):
      dotv = zero
      n1v = zero
      n2v = zero
      for j in range(16):
        b = g * 16 + j
        a = [s1_v[b, pl.ds(16 * d, 16)] for d in range(NL)]
        c = [s2_v[b, pl.ds(16 * d, 16)] for d in range(NL)]
        dp = a[0] * c[0] + a[1] * c[1] + a[2] * c[2] + a[3] * c[3]
        p1 = a[0] * a[0] + a[1] * a[1] + a[2] * a[2] + a[3] * a[3]
        p2 = c[0] * c[0] + c[1] * c[1] + c[2] * c[2] + c[3] * c[3]
        m = lane == j
        dotv = jnp.where(m, jnp.sum(dp), dotv)
        n1v = jnp.where(m, jnp.sum(p1), n1v)
        n2v = jnp.where(m, jnp.sum(p2), n2v)
      l1 = len1_v[pl.ds(g * 16, 16)].astype(jnp.float32)
      l2 = len2_v[pl.ds(g * 16, 16)].astype(jnp.float32)
      eps = 1e-8
      n1 = jnp.maximum(_sqrt16(n1v) / l1, eps)
      n2 = jnp.maximum(_sqrt16(n2v) / l2, eps)
      out_v[pl.ds(g * 16, 16)] = dotv / (l1 * l2 * n1 * n2) * SIM_SCALE
      return carry

    lax.fori_loop(0, BPW // 16, ebody, 0)
    pltpu.sync_copy(out_v, out_hbm.at[pl.ds(base, BPW)])

  return k(table, ids1, ids2, lens1, lens2)


_TCOLS = 2048


def _tc_expand(tt):

  def body(x_ref, eye_ref, o_ref):
    o_ref[:, :D] = lax.dot_general(
        x_ref[...], eye_ref[...], (((0,), (0,)), ((), ())),
        preferred_element_type=jnp.float32)

  eye = jnp.eye(D, dtype=jnp.float32)
  return pl.pallas_call(
      body,
      grid=(pl.cdiv(V, _TCOLS),),
      in_specs=[
          pl.BlockSpec((D, _TCOLS), lambda g: (0, g)),
          pl.BlockSpec((D, D), lambda g: (0, 0)),
      ],
      out_specs=pl.BlockSpec((_TCOLS, 2 * D), lambda g: (g, 0)),
      out_shape=jax.ShapeDtypeStruct((V, 2 * D), jnp.float32),
  )(tt, eye)


def kernel(sent1_ids, sent2_ids, sent1_lens, sent2_lens, embedding_table):
  tablep = _tc_expand(embedding_table.T).reshape(2 * V, D)
  return _sc_avg_sim(tablep,
                     (sent1_ids * 2).astype(jnp.int32),
                     (sent2_ids * 2).astype(jnp.int32),
                     sent1_lens.astype(jnp.int32),
                     sent2_lens.astype(jnp.int32))

# --- scband reference (transcript-rebuilt; emitter-appended) ---
"""Pipeline reference for scband-avg-sim-19430432047420 (READ-ONLY COPY).

The authoritative reference and input builder live on the scoring server;
editing this copy changes nothing except your own understanding.
"""

import jax, jax.numpy as jnp
import numpy as np

L, B, V, D = 50, 4096, 100000, 64
SIM_SCALE = 5.0


def setup_inputs(seed: int = 0) -> dict:
    key = jax.random.key(seed)
    k1, k2, k3, k4, k5 = jax.random.split(key, 5)
    sent1_ids = jax.random.randint(k1, (L, B), 0, V, dtype=jnp.int64) if jax.config.jax_enable_x64 else jax.random.randint(k1, (L, B), 0, V).astype(jnp.int32)
    sent2_ids = jax.random.randint(k2, (L, B), 0, V).astype(sent1_ids.dtype)
    # lengths in [1, L] to avoid divide-by-zero (mimics actual sentence lengths)
    sent1_lens = jax.random.randint(k3, (B,), 1, L + 1).astype(sent1_ids.dtype)
    sent2_lens = jax.random.randint(k4, (B,), 1, L + 1).astype(sent1_ids.dtype)
    embedding_table = jax.random.normal(k5, (V, D), dtype=jnp.float32)
    return {
        "sent1_ids": sent1_ids,
        "sent2_ids": sent2_ids,
        "sent1_lens": sent1_lens,
        "sent2_lens": sent2_lens,
        "embedding_table": embedding_table,
    }


def reference(sent1_ids, sent2_ids, sent1_lens, sent2_lens, embedding_table):
    # embedding lookup: [L, B] -> [L, B, D]
    sent1_embeds = jnp.take(embedding_table, sent1_ids, axis=0)
    sent2_embeds = jnp.take(embedding_table, sent2_ids, axis=0)
    # word-average over sequence dim (dim=0), divided by true lengths
    lens1 = sent1_lens.astype(jnp.float32).reshape(B, 1)
    lens2 = sent2_lens.astype(jnp.float32).reshape(B, 1)
    sent1_avg = jnp.sum(sent1_embeds, axis=0) / lens1  # [B, D]
    sent2_avg = jnp.sum(sent2_embeds, axis=0) / lens2  # [B, D]
    # cosine similarity along last dim, torch semantics (eps=1e-8)
    eps = 1e-8
    dot = jnp.sum(sent1_avg * sent2_avg, axis=-1)
    n1 = jnp.maximum(jnp.sqrt(jnp.sum(sent1_avg * sent1_avg, axis=-1)), eps)
    n2 = jnp.maximum(jnp.sqrt(jnp.sum(sent2_avg * sent2_avg, axis=-1)), eps)
    scores = dot / (n1 * n2)
    return scores * SIM_SCALE

if __name__ == "__main__":
    import jax
    _d = setup_inputs()
    print(jax.jit(kernel)(*tuple(_d.values())))

</pallas_src>

<mosaic_0001>
#map = affine_map<(d0, d1) -> (0, 0)>
#map1 = affine_map<(d0, d1) -> (0)>
module attributes {stable_mosaic.version = 14 : i64} {
  func.func @k(%arg0: i32, %arg1: i32, %arg2: memref<200000x64xf32, #tpu.memory_space<hbm>>, %arg3: memref<50x4096xi32, #tpu.memory_space<hbm>>, %arg4: memref<50x4096xi32, #tpu.memory_space<hbm>>, %arg5: memref<4096xi32, #tpu.memory_space<hbm>>, %arg6: memref<4096xi32, #tpu.memory_space<hbm>>, %arg7: memref<4096xf32, #tpu.memory_space<hbm>>, %arg8: memref<50x128xi32, #tpu.memory_space<vmem>>, %arg9: memref<50x128xi32, #tpu.memory_space<vmem>>, %arg10: memref<128x64xf32, #tpu.memory_space<vmem>>, %arg11: memref<128x64xf32, #tpu.memory_space<vmem>>, %arg12: memref<128x64xf32, #tpu.memory_space<vmem>>, %arg13: memref<128x64xf32, #tpu.memory_space<vmem>>, %arg14: memref<128x64xf32, #tpu.memory_space<vmem>>, %arg15: memref<128x64xf32, #tpu.memory_space<vmem>>, %arg16: memref<128xi32, #tpu.memory_space<vmem>>, %arg17: memref<128xi32, #tpu.memory_space<vmem>>, %arg18: memref<128xf32, #tpu.memory_space<vmem>>, %arg19: memref<!tpu.dma_semaphore, #tpu.memory_space<semaphore_mem>>, %arg20: memref<!tpu.dma_semaphore, #tpu.memory_space<semaphore_mem>>, %arg21: memref<!tpu.dma_semaphore, #tpu.memory_space<semaphore_mem>>, %arg22: memref<!tpu.dma_semaphore, #tpu.memory_space<semaphore_mem>>) attributes {dimension_semantics = [#tpu.dimension_semantics<core_parallel>, #tpu.dimension_semantics<subcore_parallel>], iteration_bounds = array<i64: 2, 16>, scalar_prefetch = 0 : i64, scratch_operands = 15 : i64, tpu.core_type = #tpu.core_type<sc_vector_subcore>, window_params = [{transform_indices = #map}, {transform_indices = #map}, {transform_indices = #map}, {transform_indices = #map1}, {transform_indices = #map1}, {transform_indices = #map1}]} {
    %mul3A = arith.constant 2 : i32
    %mul3A_0 = arith.muli %arg1, %mul3A : i32
    %add3A = arith.addi %mul3A_0, %arg0 : i32
    %mul3A_1 = arith.constant 128 : i32
    %mul3A_2 = arith.muli %add3A, %mul3A_1 : i32
    "tpu.region"() ({
      %run_scoped3A = tpu.sem_alloc : memref<!tpu.dma_semaphore, #tpu.memory_space<semaphore_mem>>
      %dma_start3A_105 = arith.constant 0 : i32
      %dma_start3A_106 = tpu.memref_slice %arg3[%dma_start3A_105, %mul3A_2] : memref<50x4096xi32, #tpu.memory_space<hbm>> -> memref<50x128xi32, #tpu.memory_space<hbm>>
      %dma_start3A_107 = arith.constant 0 : i32
      %dma_start3A_108 = tpu.memref_slice %arg3[%dma_start3A_107, %mul3A_2] : memref<50x4096xi32, #tpu.memory_space<hbm>> -> memref<50x128xi32, #tpu.memory_space<hbm>>
      tpu.enqueue_dma source(%dma_start3A_108 : memref<50x128xi32, #tpu.memory_space<hbm>>) target(%arg8 : memref<50x128xi32, #tpu.memory_space<vmem>>) target_semaphore(%run_scoped3A : memref<!tpu.dma_semaphore, #tpu.memory_space<semaphore_mem>>)
      %dma_wait3A = arith.constant 0 : i32
      %dma_wait3A_109 = tpu.memref_slice %arg3[%dma_wait3A, %mul3A_2] : memref<50x4096xi32, #tpu.memory_space<hbm>> -> memref<50x128xi32, #tpu.memory_space<hbm>>
      %dma_wait3A_110 = arith.constant 0 : i32
      %dma_wait3A_111 = tpu.memref_slice %arg3[%dma_wait3A_110, %mul3A_2] : memref<50x4096xi32, #tpu.memory_space<hbm>> -> memref<50x128xi32, #tpu.memory_space<hbm>>
      tpu.wait_dma2 semaphore(%run_scoped3A : memref<!tpu.dma_semaphore, #tpu.memory_space<semaphore_mem>>) src(%dma_wait3A_111 : memref<50x128xi32, #tpu.memory_space<hbm>>) dst(%arg8 : memref<50x128xi32, #tpu.memory_space<vmem>>)
      tpu.yield
    }) : () -> ()
    "tpu.region"() ({
      %run_scoped3A = tpu.sem_alloc : memref<!tpu.dma_semaphore, #tpu.memory_space<semaphore_mem>>
      %dma_start3A_105 = arith.constant 0 : i32
      %dma_start3A_106 = tpu.memref_slice %arg4[%dma_start3A_105, %mul3A_2] : memref<50x4096xi32, #tpu.memory_space<hbm>> -> memref<50x128xi32, #tpu.memory_space<hbm>>
      %dma_start3A_107 = arith.constant 0 : i32
      %dma_start3A_108 = tpu.memref_slice %arg4[%dma_start3A_107, %mul3A_2] : memref<50x4096xi32, #tpu.memory_space<hbm>> -> memref<50x128xi32, #tpu.memory_space<hbm>>
      tpu.enqueue_dma source(%dma_start3A_108 : memref<50x128xi32, #tpu.memory_space<hbm>>) target(%arg9 : memref<50x128xi32, #tpu.memory_space<vmem>>) target_semaphore(%run_scoped3A : memref<!tpu.dma_semaphore, #tpu.memory_space<semaphore_mem>>)
      %dma_wait3A = arith.constant 0 : i32
      %dma_wait3A_109 = tpu.memref_slice %arg4[%dma_wait3A, %mul3A_2] : memref<50x4096xi32, #tpu.memory_space<hbm>> -> memref<50x128xi32, #tpu.memory_space<hbm>>
      %dma_wait3A_110 = arith.constant 0 : i32
      %dma_wait3A_111 = tpu.memref_slice %arg4[%dma_wait3A_110, %mul3A_2] : memref<50x4096xi32, #tpu.memory_space<hbm>> -> memref<50x128xi32, #tpu.memory_space<hbm>>
      tpu.wait_dma2 semaphore(%run_scoped3A : memref<!tpu.dma_semaphore, #tpu.memory_space<semaphore_mem>>) src(%dma_wait3A_111 : memref<50x128xi32, #tpu.memory_space<hbm>>) dst(%arg9 : memref<50x128xi32, #tpu.memory_space<vmem>>)
      tpu.yield
    }) : () -> ()
    %jit3A = arith.constant 0 : i32
    %jit3A_3 = arith.constant 2 : i32
    %div3A = arith.divsi %jit3A, %jit3A_3 : i32
    %sign3A = arith.constant 0 : i32
    %sign3A_4 = arith.cmpi sgt, %jit3A, %sign3A : i32
    %sign3A_5 = arith.extui %sign3A_4 : i1 to i32
    %sign3A_6 = arith.constant 0 : i32
    %sign3A_7 = arith.cmpi slt, %jit3A, %sign3A_6 : i32
    %sign3A_8 = arith.extui %sign3A_7 : i1 to i32
    %sign3A_9 = arith.subi %sign3A_5, %sign3A_8 : i32
    %sign3A_10 = arith.constant 0 : i32
    %sign3A_11 = arith.cmpi sgt, %jit3A_3, %sign3A_10 : i32
    %sign3A_12 = arith.extui %sign3A_11 : i1 to i32
    %sign3A_13 = arith.constant 0 : i32
    %sign3A_14 = arith.cmpi slt, %jit3A_3, %sign3A_13 : i32
    %sign3A_15 = arith.extui %sign3A_14 : i1 to i32
    %sign3A_16 = arith.subi %sign3A_12, %sign3A_15 : i32
    %ne3A = arith.cmpi ne, %sign3A_9, %sign3A_16 : i32
    %rem3A = arith.remsi %jit3A, %jit3A_3 : i32
    %ne3A_17 = arith.constant 0 : i32
    %ne3A_18 = arith.cmpi ne, %rem3A, %ne3A_17 : i32
    %and3A = arith.andi %ne3A, %ne3A_18 : i1
    %sub3A = arith.constant 1 : i32
    %sub3A_19 = arith.subi %div3A, %sub3A : i32
    %select_n3A = arith.select %and3A, %sub3A_19, %div3A : i32
    %dma_start3A = arith.constant 0 : i32
    %dma_start3A_20 = tpu.memref_slice %arg8[%select_n3A, %dma_start3A] : memref<50x128xi32, #tpu.memory_space<vmem>> -> memref<1x128xi32, #tpu.memory_space<vmem>>
    %dma_start3A_21 = tpu.memref_squeeze %dma_start3A_20 : memref<1x128xi32, #tpu.memory_space<vmem>> -> memref<128xi32, #tpu.memory_space<vmem>>
    %dma_start3A_22 = arith.constant 0 : i32
    %dma_start3A_23 = arith.constant 0 : i32
    %dma_start3A_24 = tpu.memref_slice %arg2[%dma_start3A_22, %dma_start3A_23] : memref<200000x64xf32, #tpu.memory_space<hbm>> -> memref<200000x64xf32, #tpu.memory_space<hbm>>
    tpu.enqueue_indirect_dma source(%dma_start3A_24 : memref<200000x64xf32, #tpu.memory_space<hbm>>) target(%arg10 : memref<128x64xf32, #tpu.memory_space<vmem>>) offsets(%dma_start3A_21 : memref<128xi32, #tpu.memory_space<vmem>>) semaphore(%arg19 : memref<!tpu.dma_semaphore, #tpu.memory_space<semaphore_mem>>)
    %jit3A_25 = arith.constant 1 : i32
    %jit3A_26 = arith.constant 2 : i32
    %div3A_27 = arith.divsi %jit3A_25, %jit3A_26 : i32
    %sign3A_28 = arith.constant 0 : i32
    %sign3A_29 = arith.cmpi sgt, %jit3A_25, %sign3A_28 : i32
    %sign3A_30 = arith.extui %sign3A_29 : i1 to i32
    %sign3A_31 = arith.constant 0 : i32
    %sign3A_32 = arith.cmpi slt, %jit3A_25, %sign3A_31 : i32
    %sign3A_33 = arith.extui %sign3A_32 : i1 to i32
    %sign3A_34 = arith.subi %sign3A_30, %sign3A_33 : i32
    %sign3A_35 = arith.constant 0 : i32
    %sign3A_36 = arith.cmpi sgt, %jit3A_26, %sign3A_35 : i32
    %sign3A_37 = arith.extui %sign3A_36 : i1 to i32
    %sign3A_38 = arith.constant 0 : i32
    %sign3A_39 = arith.cmpi slt, %jit3A_26, %sign3A_38 : i32
    %sign3A_40 = arith.extui %sign3A_39 : i1 to i32
    %sign3A_41 = arith.subi %sign3A_37, %sign3A_40 : i32
    %ne3A_42 = arith.cmpi ne, %sign3A_34, %sign3A_41 : i32
    %rem3A_43 = arith.remsi %jit3A_25, %jit3A_26 : i32
    %ne3A_44 = arith.constant 0 : i32
    %ne3A_45 = arith.cmpi ne, %rem3A_43, %ne3A_44 : i32
    %and3A_46 = arith.andi %ne3A_42, %ne3A_45 : i1
    %sub3A_47 = arith.constant 1 : i32
    %sub3A_48 = arith.subi %div3A_27, %sub3A_47 : i32
    %select_n3A_49 = arith.select %and3A_46, %sub3A_48, %div3A_27 : i32
    %dma_start3A_50 = arith.constant 0 : i32
    %dma_start3A_51 = tpu.memref_slice %arg9[%select_n3A_49, %dma_start3A_50] : memref<50x128xi32, #tpu.memory_space<vmem>> -> memref<1x128xi32, #tpu.memory_space<vmem>>
    %dma_start3A_52 = tpu.memref_squeeze %dma_start3A_51 : memref<1x128xi32, #tpu.memory_space<vmem>> -> memref<128xi32, #tpu.memory_space<vmem>>
    %dma_start3A_53 = arith.constant 0 : i32
    %dma_start3A_54 = arith.constant 0 : i32
    %dma_start3A_55 = tpu.memref_slice %arg2[%dma_start3A_53, %dma_start3A_54] : memref<200000x64xf32, #tpu.memory_space<hbm>> -> memref<200000x64xf32, #tpu.memory_space<hbm>>
    tpu.enqueue_indirect_dma source(%dma_start3A_55 : memref<200000x64xf32, #tpu.memory_space<hbm>>) target(%arg11 : memref<128x64xf32, #tpu.memory_space<vmem>>) offsets(%dma_start3A_52 : memref<128xi32, #tpu.memory_space<vmem>>) semaphore(%arg20 : memref<!tpu.dma_semaphore, #tpu.memory_space<semaphore_mem>>)
    %jit3A_56 = arith.constant 2 : i32
    %jit3A_57 = arith.constant 2 : i32
    %div3A_58 = arith.divsi %jit3A_56, %jit3A_57 : i32
    %sign3A_59 = arith.constant 0 : i32
    %sign3A_60 = arith.cmpi sgt, %jit3A_56, %sign3A_59 : i32
    %sign3A_61 = arith.extui %sign3A_60 : i1 to i32
    %sign3A_62 = arith.constant 0 : i32
    %sign3A_63 = arith.cmpi slt, %jit3A_56, %sign3A_62 : i32
    %sign3A_64 = arith.extui %sign3A_63 : i1 to i32
    %sign3A_65 = arith.subi %sign3A_61, %sign3A_64 : i32
    %sign3A_66 = arith.constant 0 : i32
    %sign3A_67 = arith.cmpi sgt, %jit3A_57, %sign3A_66 : i32
    %sign3A_68 = arith.extui %sign3A_67 : i1 to i32
    %sign3A_69 = arith.constant 0 : i32
    %sign3A_70 = arith.cmpi slt, %jit3A_57, %sign3A_69 : i32
    %sign3A_71 = arith.extui %sign3A_70 : i1 to i32
    %sign3A_72 = arith.subi %sign3A_68, %sign3A_71 : i32
    %ne3A_73 = arith.cmpi ne, %sign3A_65, %sign3A_72 : i32
    %rem3A_74 = arith.remsi %jit3A_56, %jit3A_57 : i32
    %ne3A_75 = arith.constant 0 : i32
    %ne3A_76 = arith.cmpi ne, %rem3A_74, %ne3A_75 : i32
    %and3A_77 = arith.andi %ne3A_73, %ne3A_76 : i1
    %sub3A_78 = arith.constant 1 : i32
    %sub3A_79 = arith.subi %div3A_58, %sub3A_78 : i32
    %select_n3A_80 = arith.select %and3A_77, %sub3A_79, %div3A_58 : i32
    %dma_start3A_81 = arith.constant 0 : i32
    %dma_start3A_82 = tpu.memref_slice %arg8[%select_n3A_80, %dma_start3A_81] : memref<50x128xi32, #tpu.memory_space<vmem>> -> memref<1x128xi32, #tpu.memory_space<vmem>>
    %dma_start3A_83 = tpu.memref_squeeze %dma_start3A_82 : memref<1x128xi32, #tpu.memory_space<vmem>> -> memref<128xi32, #tpu.memory_space<vmem>>
    %dma_start3A_84 = arith.constant 0 : i32
    %dma_start3A_85 = arith.constant 0 : i32
    %dma_start3A_86 = tpu.memref_slice %arg2[%dma_start3A_84, %dma_start3A_85] : memref<200000x64xf32, #tpu.memory_space<hbm>> -> memref<200000x64xf32, #tpu.memory_space<hbm>>
    tpu.enqueue_indirect_dma source(%dma_start3A_86 : memref<200000x64xf32, #tpu.memory_space<hbm>>) target(%arg12 : memref<128x64xf32, #tpu.memory_space<vmem>>) offsets(%dma_start3A_83 : memref<128xi32, #tpu.memory_space<vmem>>) semaphore(%arg21 : memref<!tpu.dma_semaphore, #tpu.memory_space<semaphore_mem>>)
    "tpu.region"() ({
      %run_scoped3A = tpu.sem_alloc : memref<!tpu.dma_semaphore, #tpu.memory_space<semaphore_mem>>
      %dma_start3A_105 = tpu.memref_slice %arg5[%mul3A_2] : memref<4096xi32, #tpu.memory_space<hbm>> -> memref<128xi32, #tpu.memory_space<hbm>>
      %dma_start3A_106 = tpu.memref_slice %arg5[%mul3A_2] : memref<4096xi32, #tpu.memory_space<hbm>> -> memref<128xi32, #tpu.memory_space<hbm>>
      tpu.enqueue_dma source(%dma_start3A_106 : memref<128xi32, #tpu.memory_space<hbm>>) target(%arg16 : memref<128xi32, #tpu.memory_space<vmem>>) target_semaphore(%run_scoped3A : memref<!tpu.dma_semaphore, #tpu.memory_space<semaphore_mem>>)
      %dma_wait3A = tpu.memref_slice %arg5[%mul3A_2] : memref<4096xi32, #tpu.memory_space<hbm>> -> memref<128xi32, #tpu.memory_space<hbm>>
      %dma_wait3A_107 = tpu.memref_slice %arg5[%mul3A_2] : memref<4096xi32, #tpu.memory_space<hbm>> -> memref<128xi32, #tpu.memory_space<hbm>>
      tpu.wait_dma2 semaphore(%run_scoped3A : memref<!tpu.dma_semaphore, #tpu.memory_space<semaphore_mem>>) src(%dma_wait3A_107 : memref<128xi32, #tpu.memory_space<hbm>>) dst(%arg16 : memref<128xi32, #tpu.memory_space<vmem>>)
      tpu.yield
    }) : () -> ()
    "tpu.region"() ({
      %run_scoped3A = tpu.sem_alloc : memref<!tpu.dma_semaphore, #tpu.memory_space<semaphore_mem>>
      %dma_start3A_105 = tpu.memref_slice %arg6[%mul3A_2] : memref<4096xi32, #tpu.memory_space<hbm>> -> memref<128xi32, #tpu.memory_space<hbm>>
      %dma_start3A_106 = tpu.memref_slice %arg6[%mul3A_2] : memref<4096xi32, #tpu.memory_space<hbm>> -> memref<128xi32, #tpu.memory_space<hbm>>
      tpu.enqueue_dma source(%dma_start3A_106 : memref<128xi32, #tpu.memory_space<hbm>>) target(%arg17 : memref<128xi32, #tpu.memory_space<vmem>>) target_semaphore(%run_scoped3A : memref<!tpu.dma_semaphore, #tpu.memory_space<semaphore_mem>>)
      %dma_wait3A = tpu.memref_slice %arg6[%mul3A_2] : memref<4096xi32, #tpu.memory_space<hbm>> -> memref<128xi32, #tpu.memory_space<hbm>>
      %dma_wait3A_107 = tpu.memref_slice %arg6[%mul3A_2] : memref<4096xi32, #tpu.memory_space<hbm>> -> memref<128xi32, #tpu.memory_space<hbm>>
      tpu.wait_dma2 semaphore(%run_scoped3A : memref<!tpu.dma_semaphore, #tpu.memory_space<semaphore_mem>>) src(%dma_wait3A_107 : memref<128xi32, #tpu.memory_space<hbm>>) dst(%arg17 : memref<128xi32, #tpu.memory_space<vmem>>)
      tpu.yield
    }) : () -> ()
    %broadcast_in_dim3A = arith.constant 0.000000e+00 : f32
    %broadcast_in_dim3A_87 = vector.broadcast %broadcast_in_dim3A : f32 to vector<16xf32>
    %scan3A = arith.constant 0 : i32
    %scan3A_88 = arith.constant 0 : i32
    %scan3A_89 = arith.constant 32 : i32
    %scan3A_90 = arith.addi %scan3A_88, %scan3A_89 : i32
    %scan3A_91 = arith.constant 1 : i32
    scf.for %scan3A_105 = %scan3A_88 to %scan3A_90 step %scan3A_91  : i32 {
      %mul3A_106 = arith.constant 4 : i32
      %mul3A_107 = arith.muli %scan3A_105, %mul3A_106 : i32
      %add3A_108 = arith.constant 0 : i32
      %add3A_109 = arith.addi %mul3A_107, %add3A_108 : i32
      %swap3A = arith.index_cast %add3A_109 : i32 to index
      %swap3A_110 = arith.constant 0 : index
      %swap3A_111 = tpu.vector_load %arg14[%swap3A, %swap3A_110] {strides = array<i32>} : memref<128x64xf32, #tpu.memory_space<vmem>>, vector<16xf32>,
      tpu.vector_store %arg14[%swap3A, %swap3A_110], %broadcast_in_dim3A_87 {strides = array<i32>} : memref<128x64xf32, #tpu.memory_space<vmem>>, vector<16xf32>,
      %swap3A_112 = arith.index_cast %add3A_109 : i32 to index
      %swap3A_113 = arith.constant 0 : index
      %swap3A_114 = tpu.vector_load %arg15[%swap3A_112, %swap3A_113] {strides = array<i32>} : memref<128x64xf32, #tpu.memory_space<vmem>>, vector<16xf32>,
      tpu.vector_store %arg15[%swap3A_112, %swap3A_113], %broadcast_in_dim3A_87 {strides = array<i32>} : memref<128x64xf32, #tpu.memory_space<vmem>>, vector<16xf32>,
      %swap3A_115 = arith.index_cast %add3A_109 : i32 to index
      %swap3A_116 = arith.constant 16 : index
      %swap3A_117 = tpu.vector_load %arg14[%swap3A_115, %swap3A_116] {strides = array<i32>} : memref<128x64xf32, #tpu.memory_space<vmem>>, vector<16xf32>,
      tpu.vector_store %arg14[%swap3A_115, %swap3A_116], %broadcast_in_dim3A_87 {strides = array<i32>} : memref<128x64xf32, #tpu.memory_space<vmem>>, vector<16xf32>,
      %swap3A_118 = arith.index_cast %add3A_109 : i32 to index
      %swap3A_119 = arith.constant 16 : index
      %swap3A_120 = tpu.vector_load %arg15[%swap3A_118, %swap3A_119] {strides = array<i32>} : memref<128x64xf32, #tpu.memory_space<vmem>>, vector<16xf32>,
      tpu.vector_store %arg15[%swap3A_118, %swap3A_119], %broadcast_in_dim3A_87 {strides = array<i32>} : memref<128x64xf32, #tpu.memory_space<vmem>>, vector<16xf32>,
      %swap3A_121 = arith.index_cast %add3A_109 : i32 to index
      %swap3A_122 = arith.constant 32 : index
      %swap3A_123 = tpu.vector_load %arg14[%swap3A_121, %swap3A_122] {strides = array<i32>} : memref<128x64xf32, #tpu.memory_space<vmem>>, vector<16xf32>,
      tpu.vector_store %arg14[%swap3A_121, %swap3A_122], %broadcast_in_dim3A_87 {strides = array<i32>} : memref<128x64xf32, #tpu.memory_space<vmem>>, vector<16xf32>,
      %swap3A_124 = arith.index_cast %add3A_109 : i32 to index
      %swap3A_125 = arith.constant 32 : index
      %swap3A_126 = tpu.vector_load %arg15[%swap3A_124, %swap3A_125] {strides = array<i32>} : memref<128x64xf32, #tpu.memory_space<vmem>>, vector<16xf32>,
      tpu.vector_store %arg15[%swap3A_124, %swap3A_125], %broadcast_in_dim3A_87 {strides = array<i32>} : memref<128x64xf32, #tpu.memory_space<vmem>>, vector<16xf32>,
      %swap3A_127 = arith.index_cast %add3A_109 : i32 to index
      %swap3A_128 = arith.constant 48 : index
      %swap3A_129 = tpu.vector_load %arg14[%swap3A_127, %swap3A_128] {strides = array<i32>} : memref<128x64xf32, #tpu.memory_space<vmem>>, vector<16xf32>,
      tpu.vector_store %arg14[%swap3A_127, %swap3A_128], %broadcast_in_dim3A_87 {strides = array<i32>} : memref<128x64xf32, #tpu.memory_space<vmem>>, vector<16xf32>,
      %swap3A_130 = arith.index_cast %add3A_109 : i32 to index
      %swap3A_131 = arith.constant 48 : index
      %swap3A_132 = tpu.vector_load %arg15[%swap3A_130, %swap3A_131] {strides = array<i32>} : memref<128x64xf32, #tpu.memory_space<vmem>>, vector<16xf32>,
      tpu.vector_store %arg15[%swap3A_130, %swap3A_131], %broadcast_in_dim3A_87 {strides = array<i32>} : memref<128x64xf32, #tpu.memory_space<vmem>>, vector<16xf32>,
      %mul3A_133 = arith.constant 4 : i32
      %mul3A_134 = arith.muli %scan3A_105, %mul3A_133 : i32
      %add3A_135 = arith.constant 1 : i32
      %add3A_136 = arith.addi %mul3A_134, %add3A_135 : i32
      %swap3A_137 = arith.index_cast %add3A_136 : i32 to index
      %swap3A_138 = arith.constant 0 : index
      %swap3A_139 = tpu.vector_load %arg14[%swap3A_137, %swap3A_138] {strides = array<i32>} : memref<128x64xf32, #tpu.memory_space<vmem>>, vector<16xf32>,
      tpu.vector_store %arg14[%swap3A_137, %swap3A_138], %broadcast_in_dim3A_87 {strides = array<i32>} : memref<128x64xf32, #tpu.memory_space<vmem>>, vector<16xf32>,
      %swap3A_140 = arith.index_cast %add3A_136 : i32 to index
      %swap3A_141 = arith.constant 0 : index
      %swap3A_142 = tpu.vector_load %arg15[%swap3A_140, %swap3A_141] {strides = array<i32>} : memref<128x64xf32, #tpu.memory_space<vmem>>, vector<16xf32>,
      tpu.vector_store %arg15[%swap3A_140, %swap3A_141], %broadcast_in_dim3A_87 {strides = array<i32>} : memref<128x64xf32, #tpu.memory_space<vmem>>, vector<16xf32>,
      %swap3A_143 = arith.index_cast %add3A_136 : i32 to index
      %swap3A_144 = arith.constant 16 : index
      %swap3A_145 = tpu.vector_load %arg14[%swap3A_143, %swap3A_144] {strides = array<i32>} : memref<128x64xf32, #tpu.memory_space<vmem>>, vector<16xf32>,
      tpu.vector_store %arg14[%swap3A_143, %swap3A_144], %broadcast_in_dim3A_87 {strides = array<i32>} : memref<128x64xf32, #tpu.memory_space<vmem>>, vector<16xf32>,
      %swap3A_146 = arith.index_cast %add3A_136 : i32 to index
      %swap3A_147 = arith.constant 16 : index
      %swap3A_148 = tpu.vector_load %arg15[%swap3A_146, %swap3A_147] {strides = array<i32>} : memref<128x64xf32, #tpu.memory_space<vmem>>, vector<16xf32>,
      tpu.vector_store %arg15[%swap3A_146, %swap3A_147], %broadcast_in_dim3A_87 {strides = array<i32>} : memref<128x64xf32, #tpu.memory_space<vmem>>, vector<16xf32>,
      %swap3A_149 = arith.index_cast %add3A_136 : i32 to index
      %swap3A_150 = arith.constant 32 : index
      %swap3A_151 = tpu.vector_load %arg14[%swap3A_149, %swap3A_150] {strides = array<i32>} : memref<128x64xf32, #tpu.memory_space<vmem>>, vector<16xf32>,
      tpu.vector_store %arg14[%swap3A_149, %swap3A_150], %broadcast_in_dim3A_87 {strides = array<i32>} : memref<128x64xf32, #tpu.memory_space<vmem>>, vector<16xf32>,
      %swap3A_152 = arith.index_cast %add3A_136 : i32 to index
      %swap3A_153 = arith.constant 32 : index
      %swap3A_154 = tpu.vector_load %arg15[%swap3A_152, %swap3A_153] {strides = array<i32>} : memref<128x64xf32, #tpu.memory_space<vmem>>, vector<16xf32>,
      tpu.vector_store %arg15[%swap3A_152, %swap3A_153], %broadcast_in_dim3A_87 {strides = array<i32>} : memref<128x64xf32, #tpu.memory_space<vmem>>, vector<16xf32>,
      %swap3A_155 = arith.index_cast %add3A_136 : i32 to index
      %swap3A_156 = arith.constant 48 : index
      %swap3A_157 = tpu.vector_load %arg14[%swap3A_155, %swap3A_156] {strides = array<i32>} : memref<128x64xf32, #tpu.memory_space<vmem>>, vector<16xf32>,
      tpu.vector_store %arg14[%swap3A_155, %swap3A_156], %broadcast_in_dim3A_87 {strides = array<i32>} : memref<128x64xf32, #tpu.memory_space<vmem>>, vector<16xf32>,
      %swap3A_158 = arith.index_cast %add3A_136 : i32 to index
      %swap3A_159 = arith.constant 48 : index
      %swap3A_160 = tpu.vector_load %arg15[%swap3A_158, %swap3A_159] {strides = array<i32>} : memref<128x64xf32, #tpu.memory_space<vmem>>, vector<16xf32>,
      tpu.vector_store %arg15[%swap3A_158, %swap3A_159], %broadcast_in_dim3A_87 {strides = array<i32>} : memref<128x64xf32, #tpu.memory_space<vmem>>, vector<16xf32>,
      %mul3A_161 = arith.constant 4 : i32
      %mul3A_162 = arith.muli %scan3A_105, %mul3A_161 : i32
      %add3A_163 = arith.constant 2 : i32
      %add3A_164 = arith.addi %mul3A_162, %add3A_163 : i32
      %swap3A_165 = arith.index_cast %add3A_164 : i32 to index
      %swap3A_166 = arith.constant 0 : index
      %swap3A_167 = tpu.vector_load %arg14[%swap3A_165, %swap3A_166] {strides = array<i32>} : memref<128x64xf32, #tpu.memory_space<vmem>>, vector<16xf32>,
      tpu.vector_store %arg14[%swap3A_165, %swap3A_166], %broadcast_in_dim3A_87 {strides = array<i32>} : memref<128x64xf32, #tpu.memory_space<vmem>>, vector<16xf32>,
      %swap3A_168 = arith.index_cast %add3A_164 : i32 to index
      %swap3A_169 = arith.constant 0 : index
      %swap3A_170 = tpu.vector_load %arg15[%swap3A_168, %swap3A_169] {strides = array<i32>} : memref<128x64xf32, #tpu.memory_space<vmem>>, vector<16xf32>,
      tpu.vector_store %arg15[%swap3A_168, %swap3A_169], %broadcast_in_dim3A_87 {strides = array<i32>} : memref<128x64xf32, #tpu.memory_space<vmem>>, vector<16xf32>,
      %swap3A_171 = arith.index_cast %add3A_164 : i32 to index
      %swap3A_172 = arith.constant 16 : index
      %swap3A_173 = tpu.vector_load %arg14[%swap3A_171, %swap3A_172] {strides = array<i32>} : memref<128x64xf32, #tpu.memory_space<vmem>>, vector<16xf32>,
      tpu.vector_store %arg14[%swap3A_171, %swap3A_172], %broadcast_in_dim3A_87 {strides = array<i32>} : memref<128x64xf32, #tpu.memory_space<vmem>>, vector<16xf32>,
      %swap3A_174 = arith.index_cast %add3A_164 : i32 to index
      %swap3A_175 = arith.constant 16 : index
      %swap3A_176 = tpu.vector_load %arg15[%swap3A_174, %swap3A_175] {strides = array<i32>} : memref<128x64xf32, #tpu.memory_space<vmem>>, vector<16xf32>,
      tpu.vector_store %arg15[%swap3A_174, %swap3A_175], %broadcast_in_dim3A_87 {strides = array<i32>} : memref<128x64xf32, #tpu.memory_space<vmem>>, vector<16xf32>,
      %swap3A_177 = arith.index_cast %add3A_164 : i32 to index
      %swap3A_178 = arith.constant 32 : index
      %swap3A_179 = tpu.vector_load %arg14[%swap3A_177, %swap3A_178] {strides = array<i32>} : memref<128x64xf32, #tpu.memory_space<vmem>>, vector<16xf32>,
      tpu.vector_store %arg14[%swap3A_177, %swap3A_178], %broadcast_in_dim3A_87 {strides = array<i32>} : memref<128x64xf32, #tpu.memory_space<vmem>>, vector<16xf32>,
      %swap3A_180 = arith.index_cast %add3A_164 : i32 to index
      %swap3A_181 = arith.constant 32 : index
      %swap3A_182 = tpu.vector_load %arg15[%swap3A_180, %swap3A_181] {strides = array<i32>} : memref<128x64xf32, #tpu.memory_space<vmem>>, vector<16xf32>,
      tpu.vector_store %arg15[%swap3A_180, %swap3A_181], %broadcast_in_dim3A_87 {strides = array<i32>} : memref<128x64xf32, #tpu.memory_space<vmem>>, vector<16xf32>,
      %swap3A_183 = arith.index_cast %add3A_164 : i32 to index
      %swap3A_184 = arith.constant 48 : index
      %swap3A_185 = tpu.vector_load %arg14[%swap3A_183, %swap3A_184] {strides = array<i32>} : memref<128x64xf32, #tpu.memory_space<vmem>>, vector<16xf32>,
      tpu.vector_store %arg14[%swap3A_183, %swap3A_184], %broadcast_in_dim3A_87 {strides = array<i32>} : memref<128x64xf32, #tpu.memory_space<vmem>>, vector<16xf32>,
      %swap3A_186 = arith.index_cast %add3A_164 : i32 to index
      %swap3A_187 = arith.constant 48 : index
      %swap3A_188 = tpu.vector_load %arg15[%swap3A_186, %swap3A_187] {strides = array<i32>} : memref<128x64xf32, #tpu.memory_space<vmem>>, vector<16xf32>,
      tpu.vector_store %arg15[%swap3A_186, %swap3A_187], %broadcast_in_dim3A_87 {strides = array<i32>} : memref<128x64xf32, #tpu.memory_space<vmem>>, vector<16xf32>,
      %mul3A_189 = arith.constant 4 : i32
      %mul3A_190 = arith.muli %scan3A_105, %mul3A_189 : i32
      %add3A_191 = arith.constant 3 : i32
      %add3A_192 = arith.addi %mul3A_190, %add3A_191 : i32
      %swap3A_193 = arith.index_cast %add3A_192 : i32 to index
      %swap3A_194 = arith.constant 0 : index
      %swap3A_195 = tpu.vector_load %arg14[%swap3A_193, %swap3A_194] {strides = array<i32>} : memref<128x64xf32, #tpu.memory_space<vmem>>, vector<16xf32>,
      tpu.vector_store %arg14[%swap3A_193, %swap3A_194], %broadcast_in_dim3A_87 {strides = array<i32>} : memref<128x64xf32, #tpu.memory_space<vmem>>, vector<16xf32>,
      %swap3A_196 = arith.index_cast %add3A_192 : i32 to index
      %swap3A_197 = arith.constant 0 : index
      %swap3A_198 = tpu.vector_load %arg15[%swap3A_196, %swap3A_197] {strides = array<i32>} : memref<128x64xf32, #tpu.memory_space<vmem>>, vector<16xf32>,
      tpu.vector_store %arg15[%swap3A_196, %swap3A_197], %broadcast_in_dim3A_87 {strides = array<i32>} : memref<128x64xf32, #tpu.memory_space<vmem>>, vector<16xf32>,
      %swap3A_199 = arith.index_cast %add3A_192 : i32 to index
      %swap3A_200 = arith.constant 16 : index
      %swap3A_201 = tpu.vector_load %arg14[%swap3A_199, %swap3A_200] {strides = array<i32>} : memref<128x64xf32, #tpu.memory_space<vmem>>, vector<16xf32>,
      tpu.vector_store %arg14[%swap3A_199, %swap3A_200], %broadcast_in_dim3A_87 {strides = array<i32>} : memref<128x64xf32, #tpu.memory_space<vmem>>, vector<16xf32>,
      %swap3A_202 = arith.index_cast %add3A_192 : i32 to index
      %swap3A_203 = arith.constant 16 : index
      %swap3A_204 = tpu.vector_load %arg15[%swap3A_202, %swap3A_203] {strides = array<i32>} : memref<128x64xf32, #tpu.memory_space<vmem>>, vector<16xf32>,
      tpu.vector_store %arg15[%swap3A_202, %swap3A_203], %broadcast_in_dim3A_87 {strides = array<i32>} : memref<128x64xf32, #tpu.memory_space<vmem>>, vector<16xf32>,
      %swap3A_205 = arith.index_cast %add3A_192 : i32 to index
      %swap3A_206 = arith.constant 32 : index
      %swap3A_207 = tpu.vector_load %arg14[%swap3A_205, %swap3A_206] {strides = array<i32>} : memref<128x64xf32, #tpu.memory_space<vmem>>, vector<16xf32>,
      tpu.vector_store %arg14[%swap3A_205, %swap3A_206], %broadcast_in_dim3A_87 {strides = array<i32>} : memref<128x64xf32, #tpu.memory_space<vmem>>, vector<16xf32>,
      %swap3A_208 = arith.index_cast %add3A_192 : i32 to index
      %swap3A_209 = arith.constant 32 : index
      %swap3A_210 = tpu.vector_load %arg15[%swap3A_208, %swap3A_209] {strides = array<i32>} : memref<128x64xf32, #tpu.memory_space<vmem>>, vector<16xf32>,
      tpu.vector_store %arg15[%swap3A_208, %swap3A_209], %broadcast_in_dim3A_87 {strides = array<i32>} : memref<128x64xf32, #tpu.memory_space<vmem>>, vector<16xf32>,
      %swap3A_211 = arith.index_cast %add3A_192 : i32 to index
      %swap3A_212 = arith.constant 48 : index
      %swap3A_213 = tpu.vector_load %arg14[%swap3A_211, %swap3A_212] {strides = array<i32>} : memref<128x64xf32, #tpu.memory_space<vmem>>, vector<16xf32>,
      tpu.vector_store %arg14[%swap3A_211, %swap3A_212], %broadcast_in_dim3A_87 {strides = array<i32>} : memref<128x64xf32, #tpu.memory_space<vmem>>, vector<16xf32>,
      %swap3A_214 = arith.index_cast %add3A_192 : i32 to index
      %swap3A_215 = arith.constant 48 : index
      %swap3A_216 = tpu.vector_load %arg15[%swap3A_214, %swap3A_215] {strides = array<i32>} : memref<128x64xf32, #tpu.memory_space<vmem>>, vector<16xf32>,
      tpu.vector_store %arg15[%swap3A_214, %swap3A_215], %broadcast_in_dim3A_87 {strides = array<i32>} : memref<128x64xf32, #tpu.memory_space<vmem>>, vector<16xf32>,
    }
    %scan3A_92 = arith.constant 32 : i32
    %scan3A_93 = arith.constant 0 : i32
    %scan3A_94 = arith.constant 0 : i32
    %scan3A_95 = arith.constant 25 : i32
    %scan3A_96 = arith.addi %scan3A_94, %scan3A_95 : i32
    %scan3A_97 = arith.constant 1 : i32
    scf.for %scan3A_105 = %scan3A_94 to %scan3A_96 step %scan3A_97  : i32 {
      %mul3A_106 = arith.constant 4 : i32
      %mul3A_107 = arith.muli %scan3A_105, %mul3A_106 : i32
      %add3A_108 = arith.constant 0 : i32
      %add3A_109 = arith.addi %mul3A_107, %add3A_108 : i32
      %jit3A_110 = arith.constant 2 : i32
      %div3A_111 = arith.divsi %add3A_109, %jit3A_110 : i32
      %sign3A_112 = arith.constant 0 : i32
      %sign3A_113 = arith.cmpi sgt, %add3A_109, %sign3A_112 : i32
      %sign3A_114 = arith.extui %sign3A_113 : i1 to i32
      %sign3A_115 = arith.constant 0 : i32
      %sign3A_116 = arith.cmpi slt, %add3A_109, %sign3A_115 : i32
      %sign3A_117 = arith.extui %sign3A_116 : i1 to i32
      %sign3A_118 = arith.subi %sign3A_114, %sign3A_117 : i32
      %sign3A_119 = arith.constant 0 : i32
      %sign3A_120 = arith.cmpi sgt, %jit3A_110, %sign3A_119 : i32
      %sign3A_121 = arith.extui %sign3A_120 : i1 to i32
      %sign3A_122 = arith.constant 0 : i32
      %sign3A_123 = arith.cmpi slt, %jit3A_110, %sign3A_122 : i32
      %sign3A_124 = arith.extui %sign3A_123 : i1 to i32
      %sign3A_125 = arith.subi %sign3A_121, %sign3A_124 : i32
      %ne3A_126 = arith.cmpi ne, %sign3A_118, %sign3A_125 : i32
      %rem3A_127 = arith.remsi %add3A_109, %jit3A_110 : i32
      %ne3A_128 = arith.constant 0 : i32
      %ne3A_129 = arith.cmpi ne, %rem3A_127, %ne3A_128 : i32
      %and3A_130 = arith.andi %ne3A_126, %ne3A_129 : i1
      %sub3A_131 = arith.constant 1 : i32
      %sub3A_132 = arith.subi %div3A_111, %sub3A_131 : i32
      %select_n3A_133 = arith.select %and3A_130, %sub3A_132, %div3A_111 : i32
      %dma_wait3A = arith.constant 0 : i32
      %dma_wait3A_134 = tpu.memref_slice %arg8[%select_n3A_133, %dma_wait3A] : memref<50x128xi32, #tpu.memory_space<vmem>> -> memref<1x128xi32, #tpu.memory_space<vmem>>
      %dma_wait3A_135 = tpu.memref_squeeze %dma_wait3A_134 : memref<1x128xi32, #tpu.memory_space<vmem>> -> memref<128xi32, #tpu.memory_space<vmem>>
      %dma_wait3A_136 = arith.constant 0 : i32
      %dma_wait3A_137 = arith.constant 0 : i32
      %dma_wait3A_138 = tpu.memref_slice %arg2[%dma_wait3A_136, %dma_wait3A_137] : memref<200000x64xf32, #tpu.memory_space<hbm>> -> memref<200000x64xf32, #tpu.memory_space<hbm>>
      tpu.wait_indirect_dma semaphore(%arg19 : memref<!tpu.dma_semaphore, #tpu.memory_space<semaphore_mem>>) src(%dma_wait3A_138 : memref<200000x64xf32, #tpu.memory_space<hbm>>) dst(%arg10 : memref<128x64xf32, #tpu.memory_space<vmem>>)
      %add3A_139 = arith.constant 4 : i32
      %add3A_140 = arith.addi %add3A_109, %add3A_139 : i32
      %sub3A_141 = arith.constant 1 : i32
      %sub3A_142 = arith.subi %add3A_140, %sub3A_141 : i32
      %lt3A = arith.constant 100 : i32
      %lt3A_143 = arith.cmpi slt, %sub3A_142, %lt3A : i32
      %convert_element_type3A = arith.extui %lt3A_143 : i1 to i32
      %cond3A = arith.constant 0 : i32
      %cond3A_144 = arith.cmpi ne, %convert_element_type3A, %cond3A : i32
      scf.if %cond3A_144 {
        %add3A_298 = arith.constant 4 : i32
        %add3A_299 = arith.addi %add3A_109, %add3A_298 : i32
        %sub3A_300 = arith.constant 1 : i32
        %sub3A_301 = arith.subi %add3A_299, %sub3A_300 : i32
        %jit3A_302 = arith.constant 2 : i32
        %div3A_303 = arith.divsi %sub3A_301, %jit3A_302 : i32
        %sign3A_304 = arith.constant 0 : i32
        %sign3A_305 = arith.cmpi sgt, %sub3A_301, %sign3A_304 : i32
        %sign3A_306 = arith.extui %sign3A_305 : i1 to i32
        %sign3A_307 = arith.constant 0 : i32
        %sign3A_308 = arith.cmpi slt, %sub3A_301, %sign3A_307 : i32
        %sign3A_309 = arith.extui %sign3A_308 : i1 to i32
        %sign3A_310 = arith.subi %sign3A_306, %sign3A_309 : i32
        %sign3A_311 = arith.constant 0 : i32
        %sign3A_312 = arith.cmpi sgt, %jit3A_302, %sign3A_311 : i32
        %sign3A_313 = arith.extui %sign3A_312 : i1 to i32
        %sign3A_314 = arith.constant 0 : i32
        %sign3A_315 = arith.cmpi slt, %jit3A_302, %sign3A_314 : i32
        %sign3A_316 = arith.extui %sign3A_315 : i1 to i32
        %sign3A_317 = arith.subi %sign3A_313, %sign3A_316 : i32
        %ne3A_318 = arith.cmpi ne, %sign3A_310, %sign3A_317 : i32
        %rem3A_319 = arith.remsi %sub3A_301, %jit3A_302 : i32
        %ne3A_320 = arith.constant 0 : i32
        %ne3A_321 = arith.cmpi ne, %rem3A_319, %ne3A_320 : i32
        %and3A_322 = arith.andi %ne3A_318, %ne3A_321 : i1
        %sub3A_323 = arith.constant 1 : i32
        %sub3A_324 = arith.subi %div3A_303, %sub3A_323 : i32
        %select_n3A_325 = arith.select %and3A_322, %sub3A_324, %div3A_303 : i32
        %dma_start3A_326 = arith.constant 0 : i32
        %dma_start3A_327 = tpu.memref_slice %arg9[%select_n3A_325, %dma_start3A_326] : memref<50x128xi32, #tpu.memory_space<vmem>> -> memref<1x128xi32, #tpu.memory_space<vmem>>
        %dma_start3A_328 = tpu.memref_squeeze %dma_start3A_327 : memref<1x128xi32, #tpu.memory_space<vmem>> -> memref<128xi32, #tpu.memory_space<vmem>>
        %dma_start3A_329 = arith.constant 0 : i32
        %dma_start3A_330 = arith.constant 0 : i32
        %dma_start3A_331 = tpu.memref_slice %arg2[%dma_start3A_329, %dma_start3A_330] : memref<200000x64xf32, #tpu.memory_space<hbm>> -> memref<200000x64xf32, #tpu.memory_space<hbm>>
        tpu.enqueue_indirect_dma source(%dma_start3A_331 : memref<200000x64xf32, #tpu.memory_space<hbm>>) target(%arg13 : memref<128x64xf32, #tpu.memory_space<vmem>>) offsets(%dma_start3A_328 : memref<128xi32, #tpu.memory_space<vmem>>) semaphore(%arg22 : memref<!tpu.dma_semaphore, #tpu.memory_space<semaphore_mem>>)
      } else {
      }
      %scan3A_145 = arith.constant 0 : i32
      %scan3A_146 = arith.constant 0 : i32
      %scan3A_147 = arith.constant 32 : i32
      %scan3A_148 = arith.addi %scan3A_146, %scan3A_147 : i32
      %scan3A_149 = arith.constant 1 : i32
      scf.for %scan3A_298 = %scan3A_146 to %scan3A_148 step %scan3A_149  : i32 {
        %mul3A_299 = arith.constant 4 : i32
        %mul3A_300 = arith.muli %scan3A_298, %mul3A_299 : i32
        %add3A_301 = arith.constant 0 : i32
        %add3A_302 = arith.addi %mul3A_300, %add3A_301 : i32
        %get3A = arith.index_cast %add3A_302 : i32 to index
        %get3A_303 = arith.constant 0 : index
        %get3A_304 = tpu.vector_load %arg10[%get3A, %get3A_303] {strides = array<i32>} : memref<128x64xf32, #tpu.memory_space<vmem>>, vector<16xf32>,
        %swap3A = arith.index_cast %add3A_302 : i32 to index
        %swap3A_305 = arith.constant 0 : index
        %swap3A_306 = tpu.vector_load %arg14[%swap3A, %swap3A_305] {strides = array<i32>} : memref<128x64xf32, #tpu.memory_space<vmem>>, vector<16xf32>,
        tpu.vector_store %arg14[%swap3A, %swap3A_305], %get3A_304 {add = true, strides = array<i32>} : memref<128x64xf32, #tpu.memory_space<vmem>>, vector<16xf32>,
        %get3A_307 = arith.index_cast %add3A_302 : i32 to index
        %get3A_308 = arith.constant 16 : index
        %get3A_309 = tpu.vector_load %arg10[%get3A_307, %get3A_308] {strides = array<i32>} : memref<128x64xf32, #tpu.memory_space<vmem>>, vector<16xf32>,
        %swap3A_310 = arith.index_cast %add3A_302 : i32 to index
        %swap3A_311 = arith.constant 16 : index
        %swap3A_312 = tpu.vector_load %arg14[%swap3A_310, %swap3A_311] {strides = array<i32>} : memref<128x64xf32, #tpu.memory_space<vmem>>, vector<16xf32>,
        tpu.vector_store %arg14[%swap3A_310, %swap3A_311], %get3A_309 {add = true, strides = array<i32>} : memref<128x64xf32, #tpu.memory_space<vmem>>, vector<16xf32>,
        %get3A_313 = arith.index_cast %add3A_302 : i32 to index
        %get3A_314 = arith.constant 32 : index
        %get3A_315 = tpu.vector_load %arg10[%get3A_313, %get3A_314] {strides = array<i32>} : memref<128x64xf32, #tpu.memory_space<vmem>>, vector<16xf32>,
        %swap3A_316 = arith.index_cast %add3A_302 : i32 to index
        %swap3A_317 = arith.constant 32 : index
        %swap3A_318 = tpu.vector_load %arg14[%swap3A_316, %swap3A_317] {strides = array<i32>} : memref<128x64xf32, #tpu.memory_space<vmem>>, vector<16xf32>,
        tpu.vector_store %arg14[%swap3A_316, %swap3A_317], %get3A_315 {add = true, strides = array<i32>} : memref<128x64xf32, #tpu.memory_space<vmem>>, vector<16xf32>,
        %get3A_319 = arith.index_cast %add3A_302 : i32 to index
        %get3A_320 = arith.constant 48 : index
        %get3A_321 = tpu.vector_load %arg10[%get3A_319, %get3A_320] {strides = array<i32>} : memref<128x64xf32, #tpu.memory_space<vmem>>, vector<16xf32>,
        %swap3A_322 = arith.index_cast %add3A_302 : i32 to index
        %swap3A_323 = arith.constant 48 : index
        %swap3A_324 = tpu.vector_load %arg14[%swap3A_322, %swap3A_323] {strides = array<i32>} : memref<128x64xf32, #tpu.memory_space<vmem>>, vector<16xf32>,
        tpu.vector_store %arg14[%swap3A_322, %swap3A_323], %get3A_321 {add = true, strides = array<i32>} : memref<128x64xf32, #tpu.memory_space<vmem>>, vector<16xf32>,
        %mul3A_325 = arith.constant 4 : i32
        %mul3A_326 = arith.muli %scan3A_298, %mul3A_325 : i32
        %add3A_327 = arith.constant 1 : i32
        %add3A_328 = arith.addi %mul3A_326, %add3A_327 : i32
        %get3A_329 = arith.index_cast %add3A_328 : i32 to index
        %get3A_330 = arith.constant 0 : index
        %get3A_331 = tpu.vector_load %arg10[%get3A_329, %get3A_330] {strides = array<i32>} : memref<128x64xf32, #tpu.memory_space<vmem>>, vector<16xf32>,
        %swap3A_332 = arith.index_cast %add3A_328 : i32 to index
        %swap3A_333 = arith.constant 0 : index
        %swap3A_334 = tpu.vector_load %arg14[%swap3A_332, %swap3A_333] {strides = array<i32>} : memref<128x64xf32, #tpu.memory_space<vmem>>, vector<16xf32>,
        tpu.vector_store %arg14[%swap3A_332, %swap3A_333], %get3A_331 {add = true, strides = array<i32>} : memref<128x64xf32, #tpu.memory_space<vmem>>, vector<16xf32>,
        %get3A_335 = arith.index_cast %add3A_328 : i32 to index
        %get3A_336 = arith.constant 16 : index
        %get3A_337 = tpu.vector_load %arg10[%get3A_335, %get3A_336] {strides = array<i32>} : memref<128x64xf32, #tpu.memory_space<vmem>>, vector<16xf32>,
        %swap3A_338 = arith.index_cast %add3A_328 : i32 to index
        %swap3A_339 = arith.constant 16 : index
        %swap3A_340 = tpu.vector_load %arg14[%swap3A_338, %swap3A_339] {strides = array<i32>} : memref<128x64xf32, #tpu.memory_space<vmem>>, vector<16xf32>,
        tpu.vector_store %arg14[%swap3A_338, %swap3A_339], %get3A_337 {add = true, strides = array<i32>} : memref<128x64xf32, #tpu.memory_space<vmem>>, vector<16xf32>,
        %get3A_341 = arith.index_cast %add3A_328 : i32 to index
        %get3A_342 = arith.constant 32 : index
        %get3A_343 = tpu.vector_load %arg10[%get3A_341, %get3A_342] {strides = array<i32>} : memref<128x64xf32, #tpu.memory_space<vmem>>, vector<16xf32>,
        %swap3A_344 = arith.index_cast %add3A_328 : i32 to index
        %swap3A_345 = arith.constant 32 : index
        %swap3A_346 = tpu.vector_load %arg14[%swap3A_344, %swap3A_345] {strides = array<i32>} : memref<128x64xf32, #tpu.memory_space<vmem>>, vector<16xf32>,
        tpu.vector_store %arg14[%swap3A_344, %swap3A_345], %get3A_343 {add = true, strides = array<i32>} : memref<128x64xf32, #tpu.memory_space<vmem>>, vector<16xf32>,
        %get3A_347 = arith.index_cast %add3A_328 : i32 to index
        %get3A_348 = arith.constant 48 : index
        %get3A_349 = tpu.vector_load %arg10[%get3A_347, %get3A_348] {strides = array<i32>} : memref<128x64xf32, #tpu.memory_space<vmem>>, vector<16xf32>,
        %swap3A_350 = arith.index_cast %add3A_328 : i32 to index
        %swap3A_351 = arith.constant 48 : index
        %swap3A_352 = tpu.vector_load %arg14[%swap3A_350, %swap3A_351] {strides = array<i32>} : memref<128x64xf32, #tpu.memory_space<vmem>>, vector<16xf32>,
        tpu.vector_store %arg14[%swap3A_350, %swap3A_351], %get3A_349 {add = true, strides = array<i32>} : memref<128x64xf32, #tpu.memory_space<vmem>>, vector<16xf32>,
        %mul3A_353 = arith.constant 4 : i32
        %mul3A_354 = arith.muli %scan3A_298, %mul3A_353 : i32
        %add3A_355 = arith.constant 2 : i32
        %add3A_356 = arith.addi %mul3A_354, %add3A_355 : i32
        %get3A_357 = arith.index_cast %add3A_356 : i32 to index
        %get3A_358 = arith.constant 0 : index
        %get3A_359 = tpu.vector_load %arg10[%get3A_357, %get3A_358] {strides = array<i32>} : memref<128x64xf32, #tpu.memory_space<vmem>>, vector<16xf32>,
        %swap3A_360 = arith.index_cast %add3A_356 : i32 to index
        %swap3A_361 = arith.constant 0 : index
        %swap3A_362 = tpu.vector_load %arg14[%swap3A_360, %swap3A_361] {strides = array<i32>} : memref<128x64xf32, #tpu.memory_space<vmem>>, vector<16xf32>,
        tpu.vector_store %arg14[%swap3A_360, %swap3A_361], %get3A_359 {add = true, strides = array<i32>} : memref<128x64xf32, #tpu.memory_space<vmem>>, vector<16xf32>,
        %get3A_363 = arith.index_cast %add3A_356 : i32 to index
        %get3A_364 = arith.constant 16 : index
        %get3A_365 = tpu.vector_load %arg10[%get3A_363, %get3A_364] {strides = array<i32>} : memref<128x64xf32, #tpu.memory_space<vmem>>, vector<16xf32>,
        %swap3A_366 = arith.index_cast %add3A_356 : i32 to index
        %swap3A_367 = arith.constant 16 : index
        %swap3A_368 = tpu.vector_load %arg14[%swap3A_366, %swap3A_367] {strides = array<i32>} : memref<128x64xf32, #tpu.memory_space<vmem>>, vector<16xf32>,
        tpu.vector_store %arg14[%swap3A_366, %swap3A_367], %get3A_365 {add = true, strides = array<i32>} : memref<128x64xf32, #tpu.memory_space<vmem>>, vector<16xf32>,
        %get3A_369 = arith.index_cast %add3A_356 : i32 to index
        %get3A_370 = arith.constant 32 : index
        %get3A_371 = tpu.vector_load %arg10[%get3A_369, %get3A_370] {strides = array<i32>} : memref<128x64xf32, #tpu.memory_space<vmem>>, vector<16xf32>,
        %swap3A_372 = arith.index_cast %add3A_356 : i32 to index
        %swap3A_373 = arith.constant 32 : index
        %swap3A_374 = tpu.vector_load %arg14[%swap3A_372, %swap3A_373] {strides = array<i32>} : memref<128x64xf32, #tpu.memory_space<vmem>>, vector<16xf32>,
        tpu.vector_store %arg14[%swap3A_372, %swap3A_373], %get3A_371 {add = true, strides = array<i32>} : memref<128x64xf32, #tpu.memory_space<vmem>>, vector<16xf32>,
        %get3A_375 = arith.index_cast %add3A_356 : i32 to index
        %get3A_376 = arith.constant 48 : index
        %get3A_377 = tpu.vector_load %arg10[%get3A_375, %get3A_376] {strides = array<i32>} : memref<128x64xf32, #tpu.memory_space<vmem>>, vector<16xf32>,
        %swap3A_378 = arith.index_cast %add3A_356 : i32 to index
        %swap3A_379 = arith.constant 48 : index
        %swap3A_380 = tpu.vector_load %arg14[%swap3A_378, %swap3A_379] {strides = array<i32>} : memref<128x64xf32, #tpu.memory_space<vmem>>, vector<16xf32>,
        tpu.vector_store %arg14[%swap3A_378, %swap3A_379], %get3A_377 {add = true, strides = array<i32>} : memref<128x64xf32, #tpu.memory_space<vmem>>, vector<16xf32>,
        %mul3A_381 = arith.constant 4 : i32
        %mul3A_382 = arith.muli %scan3A_298, %mul3A_381 : i32
        %add3A_383 = arith.constant 3 : i32
        %add3A_384 = arith.addi %mul3A_382, %add3A_383 : i32
        %get3A_385 = arith.index_cast %add3A_384 : i32 to index
        %get3A_386 = arith.constant 0 : index
        %get3A_387 = tpu.vector_load %arg10[%get3A_385, %get3A_386] {strides = array<i32>} : memref<128x64xf32, #tpu.memory_space<vmem>>, vector<16xf32>,
        %swap3A_388 = arith.index_cast %add3A_384 : i32 to index
        %swap3A_389 = arith.constant 0 : index
        %swap3A_390 = tpu.vector_load %arg14[%swap3A_388, %swap3A_389] {strides = array<i32>} : memref<128x64xf32, #tpu.memory_space<vmem>>, vector<16xf32>,
        tpu.vector_store %arg14[%swap3A_388, %swap3A_389], %get3A_387 {add = true, strides = array<i32>} : memref<128x64xf32, #tpu.memory_space<vmem>>, vector<16xf32>,
        %get3A_391 = arith.index_cast %add3A_384 : i32 to index
        %get3A_392 = arith.constant 16 : index
        %get3A_393 = tpu.vector_load %arg10[%get3A_391, %get3A_392] {strides = array<i32>} : memref<128x64xf32, #tpu.memory_space<vmem>>, vector<16xf32>,
        %swap3A_394 = arith.index_cast %add3A_384 : i32 to index
        %swap3A_395 = arith.constant 16 : index
        %swap3A_396 = tpu.vector_load %arg14[%swap3A_394, %swap3A_395] {strides = array<i32>} : memref<128x64xf32, #tpu.memory_space<vmem>>, vector<16xf32>,
        tpu.vector_store %arg14[%swap3A_394, %swap3A_395], %get3A_393 {add = true, strides = array<i32>} : memref<128x64xf32, #tpu.memory_space<vmem>>, vector<16xf32>,
        %get3A_397 = arith.index_cast %add3A_384 : i32 to index
        %get3A_398 = arith.constant 32 : index
        %get3A_399 = tpu.vector_load %arg10[%get3A_397, %get3A_398] {strides = array<i32>} : memref<128x64xf32, #tpu.memory_space<vmem>>, vector<16xf32>,
        %swap3A_400 = arith.index_cast %add3A_384 : i32 to index
        %swap3A_401 = arith.constant 32 : index
        %swap3A_402 = tpu.vector_load %arg14[%swap3A_400, %swap3A_401] {strides = array<i32>} : memref<128x64xf32, #tpu.memory_space<vmem>>, vector<16xf32>,
        tpu.vector_store %arg14[%swap3A_400, %swap3A_401], %get3A_399 {add = true, strides = array<i32>} : memref<128x64xf32, #tpu.memory_space<vmem>>, vector<16xf32>,
        %get3A_403 = arith.index_cast %add3A_384 : i32 to index
        %get3A_404 = arith.constant 48 : index
        %get3A_405 = tpu.vector_load %arg10[%get3A_403, %get3A_404] {strides = array<i32>} : memref<128x64xf32, #tpu.memory_space<vmem>>, vector<16xf32>,
        %swap3A_406 = arith.index_cast %add3A_384 : i32 to index
        %swap3A_407 = arith.constant 48 : index
        %swap3A_408 = tpu.vector_load %arg14[%swap3A_406, %swap3A_407] {strides = array<i32>} : memref<128x64xf32, #tpu.memory_space<vmem>>, vector<16xf32>,
        tpu.vector_store %arg14[%swap3A_406, %swap3A_407], %get3A_405 {add = true, strides = array<i32>} : memref<128x64xf32, #tpu.memory_space<vmem>>, vector<16xf32>,
      }
      %scan3A_150 = arith.constant 32 : i32
      %mul3A_151 = arith.constant 4 : i32
      %mul3A_152 = arith.muli %scan3A_105, %mul3A_151 : i32
      %add3A_153 = arith.constant 1 : i32
      %add3A_154 = arith.addi %mul3A_152, %add3A_153 : i32
      %jit3A_155 = arith.constant 2 : i32
      %div3A_156 = arith.divsi %add3A_154, %jit3A_155 : i32
      %sign3A_157 = arith.constant 0 : i32
      %sign3A_158 = arith.cmpi sgt, %add3A_154, %sign3A_157 : i32
      %sign3A_159 = arith.extui %sign3A_158 : i1 to i32
      %sign3A_160 = arith.constant 0 : i32
      %sign3A_161 = arith.cmpi slt, %add3A_154, %sign3A_160 : i32
      %sign3A_162 = arith.extui %sign3A_161 : i1 to i32
      %sign3A_163 = arith.subi %sign3A_159, %sign3A_162 : i32
      %sign3A_164 = arith.constant 0 : i32
      %sign3A_165 = arith.cmpi sgt, %jit3A_155, %sign3A_164 : i32
      %sign3A_166 = arith.extui %sign3A_165 : i1 to i32
      %sign3A_167 = arith.constant 0 : i32
      %sign3A_168 = arith.cmpi slt, %jit3A_155, %sign3A_167 : i32
      %sign3A_169 = arith.extui %sign3A_168 : i1 to i32
      %sign3A_170 = arith.subi %sign3A_166, %sign3A_169 : i32
      %ne3A_171 = arith.cmpi ne, %sign3A_163, %sign3A_170 : i32
      %rem3A_172 = arith.remsi %add3A_154, %jit3A_155 : i32
      %ne3A_173 = arith.constant 0 : i32
      %ne3A_174 = arith.cmpi ne, %rem3A_172, %ne3A_173 : i32
      %and3A_175 = arith.andi %ne3A_171, %ne3A_174 : i1
      %sub3A_176 = arith.constant 1 : i32
      %sub3A_177 = arith.subi %div3A_156, %sub3A_176 : i32
      %select_n3A_178 = arith.select %and3A_175, %sub3A_177, %div3A_156 : i32
      %dma_wait3A_179 = arith.constant 0 : i32
      %dma_wait3A_180 = tpu.memref_slice %arg9[%select_n3A_178, %dma_wait3A_179] : memref<50x128xi32, #tpu.memory_space<vmem>> -> memref<1x128xi32, #tpu.memory_space<vmem>>
      %dma_wait3A_181 = tpu.memref_squeeze %dma_wait3A_180 : memref<1x128xi32, #tpu.memory_space<vmem>> -> memref<128xi32, #tpu.memory_space<vmem>>
      %dma_wait3A_182 = arith.constant 0 : i32
      %dma_wait3A_183 = arith.constant 0 : i32
      %dma_wait3A_184 = tpu.memref_slice %arg2[%dma_wait3A_182, %dma_wait3A_183] : memref<200000x64xf32, #tpu.memory_space<hbm>> -> memref<200000x64xf32, #tpu.memory_space<hbm>>
      tpu.wait_indirect_dma semaphore(%arg20 : memref<!tpu.dma_semaphore, #tpu.memory_space<semaphore_mem>>) src(%dma_wait3A_184 : memref<200000x64xf32, #tpu.memory_space<hbm>>) dst(%arg11 : memref<128x64xf32, #tpu.memory_space<vmem>>)
      %add3A_185 = arith.constant 4 : i32
      %add3A_186 = arith.addi %add3A_154, %add3A_185 : i32
      %sub3A_187 = arith.constant 1 : i32
      %sub3A_188 = arith.subi %add3A_186, %sub3A_187 : i32
      %lt3A_189 = arith.constant 100 : i32
      %lt3A_190 = arith.cmpi slt, %sub3A_188, %lt3A_189 : i32
      %convert_element_type3A_191 = arith.extui %lt3A_190 : i1 to i32
      %cond3A_192 = arith.constant 0 : i32
      %cond3A_193 = arith.cmpi ne, %convert_element_type3A_191, %cond3A_192 : i32
      scf.if %cond3A_193 {
        %add3A_298 = arith.constant 4 : i32
        %add3A_299 = arith.addi %add3A_154, %add3A_298 : i32
        %sub3A_300 = arith.constant 1 : i32
        %sub3A_301 = arith.subi %add3A_299, %sub3A_300 : i32
        %jit3A_302 = arith.constant 2 : i32
        %div3A_303 = arith.divsi %sub3A_301, %jit3A_302 : i32
        %sign3A_304 = arith.constant 0 : i32
        %sign3A_305 = arith.cmpi sgt, %sub3A_301, %sign3A_304 : i32
        %sign3A_306 = arith.extui %sign3A_305 : i1 to i32
        %sign3A_307 = arith.constant 0 : i32
        %sign3A_308 = arith.cmpi slt, %sub3A_301, %sign3A_307 : i32
        %sign3A_309 = arith.extui %sign3A_308 : i1 to i32
        %sign3A_310 = arith.subi %sign3A_306, %sign3A_309 : i32
        %sign3A_311 = arith.constant 0 : i32
        %sign3A_312 = arith.cmpi sgt, %jit3A_302, %sign3A_311 : i32
        %sign3A_313 = arith.extui %sign3A_312 : i1 to i32
        %sign3A_314 = arith.constant 0 : i32
        %sign3A_315 = arith.cmpi slt, %jit3A_302, %sign3A_314 : i32
        %sign3A_316 = arith.extui %sign3A_315 : i1 to i32
        %sign3A_317 = arith.subi %sign3A_313, %sign3A_316 : i32
        %ne3A_318 = arith.cmpi ne, %sign3A_310, %sign3A_317 : i32
        %rem3A_319 = arith.remsi %sub3A_301, %jit3A_302 : i32
        %ne3A_320 = arith.constant 0 : i32
        %ne3A_321 = arith.cmpi ne, %rem3A_319, %ne3A_320 : i32
        %and3A_322 = arith.andi %ne3A_318, %ne3A_321 : i1
        %sub3A_323 = arith.constant 1 : i32
        %sub3A_324 = arith.subi %div3A_303, %sub3A_323 : i32
        %select_n3A_325 = arith.select %and3A_322, %sub3A_324, %div3A_303 : i32
        %dma_start3A_326 = arith.constant 0 : i32
        %dma_start3A_327 = tpu.memref_slice %arg8[%select_n3A_325, %dma_start3A_326] : memref<50x128xi32, #tpu.memory_space<vmem>> -> memref<1x128xi32, #tpu.memory_space<vmem>>
        %dma_start3A_328 = tpu.memref_squeeze %dma_start3A_327 : memref<1x128xi32, #tpu.memory_space<vmem>> -> memref<128xi32, #tpu.memory_space<vmem>>
        %dma_start3A_329 = arith.constant 0 : i32
        %dma_start3A_330 = arith.constant 0 : i32
        %dma_start3A_331 = tpu.memref_slice %arg2[%dma_start3A_329, %dma_start3A_330] : memref<200000x64xf32, #tpu.memory_space<hbm>> -> memref<200000x64xf32, #tpu.memory_space<hbm>>
        tpu.enqueue_indirect_dma source(%dma_start3A_331 : memref<200000x64xf32, #tpu.memory_space<hbm>>) target(%arg10 : memref<128x64xf32, #tpu.memory_space<vmem>>) offsets(%dma_start3A_328 : memref<128xi32, #tpu.memory_space<vmem>>) semaphore(%arg19 : memref<!tpu.dma_semaphore, #tpu.memory_space<semaphore_mem>>)
      } else {
      }
      %scan3A_194 = arith.constant 0 : i32
      %scan3A_195 = arith.constant 0 : i32
      %scan3A_196 = arith.constant 32 : i32
      %scan3A_197 = arith.addi %scan3A_195, %scan3A_196 : i32
      %scan3A_198 = arith.constant 1 : i32
      scf.for %scan3A_298 = %scan3A_195 to %scan3A_197 step %scan3A_198  : i32 {
        %mul3A_299 = arith.constant 4 : i32
        %mul3A_300 = arith.muli %scan3A_298, %mul3A_299 : i32
        %add3A_301 = arith.constant 0 : i32
        %add3A_302 = arith.addi %mul3A_300, %add3A_301 : i32
        %get3A = arith.index_cast %add3A_302 : i32 to index
        %get3A_303 = arith.constant 0 : index
        %get3A_304 = tpu.vector_load %arg11[%get3A, %get3A_303] {strides = array<i32>} : memref<128x64xf32, #tpu.memory_space<vmem>>, vector<16xf32>,
        %swap3A = arith.index_cast %add3A_302 : i32 to index
        %swap3A_305 = arith.constant 0 : index
        %swap3A_306 = tpu.vector_load %arg15[%swap3A, %swap3A_305] {strides = array<i32>} : memref<128x64xf32, #tpu.memory_space<vmem>>, vector<16xf32>,
        tpu.vector_store %arg15[%swap3A, %swap3A_305], %get3A_304 {add = true, strides = array<i32>} : memref<128x64xf32, #tpu.memory_space<vmem>>, vector<16xf32>,
        %get3A_307 = arith.index_cast %add3A_302 : i32 to index
        %get3A_308 = arith.constant 16 : index
        %get3A_309 = tpu.vector_load %arg11[%get3A_307, %get3A_308] {strides = array<i32>} : memref<128x64xf32, #tpu.memory_space<vmem>>, vector<16xf32>,
        %swap3A_310 = arith.index_cast %add3A_302 : i32 to index
        %swap3A_311 = arith.constant 16 : index
        %swap3A_312 = tpu.vector_load %arg15[%swap3A_310, %swap3A_311] {strides = array<i32>} : memref<128x64xf32, #tpu.memory_space<vmem>>, vector<16xf32>,
        tpu.vector_store %arg15[%swap3A_310, %swap3A_311], %get3A_309 {add = true, strides = array<i32>} : memref<128x64xf32, #tpu.memory_space<vmem>>, vector<16xf32>,
        %get3A_313 = arith.index_cast %add3A_302 : i32 to index
        %get3A_314 = arith.constant 32 : index
        %get3A_315 = tpu.vector_load %arg11[%get3A_313, %get3A_314] {strides = array<i32>} : memref<128x64xf32, #tpu.memory_space<vmem>>, vector<16xf32>,
        %swap3A_316 = arith.index_cast %add3A_302 : i32 to index
        %swap3A_317 = arith.constant 32 : index
        %swap3A_318 = tpu.vector_load %arg15[%swap3A_316, %swap3A_317] {strides = array<i32>} : memref<128x64xf32, #tpu.memory_space<vmem>>, vector<16xf32>,
        tpu.vector_store %arg15[%swap3A_316, %swap3A_317], %get3A_315 {add = true, strides = array<i32>} : memref<128x64xf32, #tpu.memory_space<vmem>>, vector<16xf32>,
        %get3A_319 = arith.index_cast %add3A_302 : i32 to index
        %get3A_320 = arith.constant 48 : index
        %get3A_321 = tpu.vector_load %arg11[%get3A_319, %get3A_320] {strides = array<i32>} : memref<128x64xf32, #tpu.memory_space<vmem>>, vector<16xf32>,
        %swap3A_322 = arith.index_cast %add3A_302 : i32 to index
        %swap3A_323 = arith.constant 48 : index
        %swap3A_324 = tpu.vector_load %arg15[%swap3A_322, %swap3A_323] {strides = array<i32>} : memref<128x64xf32, #tpu.memory_space<vmem>>, vector<16xf32>,
        tpu.vector_store %arg15[%swap3A_322, %swap3A_323], %get3A_321 {add = true, strides = array<i32>} : memref<128x64xf32, #tpu.memory_space<vmem>>, vector<16xf32>,
        %mul3A_325 = arith.constant 4 : i32
        %mul3A_326 = arith.muli %scan3A_298, %mul3A_325 : i32
        %add3A_327 = arith.constant 1 : i32
        %add3A_328 = arith.addi %mul3A_326, %add3A_327 : i32
        %get3A_329 = arith.index_cast %add3A_328 : i32 to index
        %get3A_330 = arith.constant 0 : index
        %get3A_331 = tpu.vector_load %arg11[%get3A_329, %get3A_330] {strides = array<i32>} : memref<128x64xf32, #tpu.memory_space<vmem>>, vector<16xf32>,
        %swap3A_332 = arith.index_cast %add3A_328 : i32 to index
        %swap3A_333 = arith.constant 0 : index
        %swap3A_334 = tpu.vector_load %arg15[%swap3A_332, %swap3A_333] {strides = array<i32>} : memref<128x64xf32, #tpu.memory_space<vmem>>, vector<16xf32>,
        tpu.vector_store %arg15[%swap3A_332, %swap3A_333], %get3A_331 {add = true, strides = array<i32>} : memref<128x64xf32, #tpu.memory_space<vmem>>, vector<16xf32>,
        %get3A_335 = arith.index_cast %add3A_328 : i32 to index
        %get3A_336 = arith.constant 16 : index
        %get3A_337 = tpu.vector_load %arg11[%get3A_335, %get3A_336] {strides = array<i32>} : memref<128x64xf32, #tpu.memory_space<vmem>>, vector<16xf32>,
        %swap3A_338 = arith.index_cast %add3A_328 : i32 to index
        %swap3A_339 = arith.constant 16 : index
        %swap3A_340 = tpu.vector_load %arg15[%swap3A_338, %swap3A_339] {strides = array<i32>} : memref<128x64xf32, #tpu.memory_space<vmem>>, vector<16xf32>,
        tpu.vector_store %arg15[%swap3A_338, %swap3A_339], %get3A_337 {add = true, strides = array<i32>} : memref<128x64xf32, #tpu.memory_space<vmem>>, vector<16xf32>,
        %get3A_341 = arith.index_cast %add3A_328 : i32 to index
        %get3A_342 = arith.constant 32 : index
        %get3A_343 = tpu.vector_load %arg11[%get3A_341, %get3A_342] {strides = array<i32>} : memref<128x64xf32, #tpu.memory_space<vmem>>, vector<16xf32>,
        %swap3A_344 = arith.index_cast %add3A_328 : i32 to index
        %swap3A_345 = arith.constant 32 : index
        %swap3A_346 = tpu.vector_load %arg15[%swap3A_344, %swap3A_345] {strides = array<i32>} : memref<128x64xf32, #tpu.memory_space<vmem>>, vector<16xf32>,
        tpu.vector_store %arg15[%swap3A_344, %swap3A_345], %get3A_343 {add = true, strides = array<i32>} : memref<128x64xf32, #tpu.memory_space<vmem>>, vector<16xf32>,
        %get3A_347 = arith.index_cast %add3A_328 : i32 to index
        %get3A_348 = arith.constant 48 : index
        %get3A_349 = tpu.vector_load %arg11[%get3A_347, %get3A_348] {strides = array<i32>} : memref<128x64xf32, #tpu.memory_space<vmem>>, vector<16xf32>,
        %swap3A_350 = arith.index_cast %add3A_328 : i32 to index
        %swap3A_351 = arith.constant 48 : index
        %swap3A_352 = tpu.vector_load %arg15[%swap3A_350, %swap3A_351] {strides = array<i32>} : memref<128x64xf32, #tpu.memory_space<vmem>>, vector<16xf32>,
        tpu.vector_store %arg15[%swap3A_350, %swap3A_351], %get3A_349 {add = true, strides = array<i32>} : memref<128x64xf32, #tpu.memory_space<vmem>>, vector<16xf32>,
        %mul3A_353 = arith.constant 4 : i32
        %mul3A_354 = arith.muli %scan3A_298, %mul3A_353 : i32
        %add3A_355 = arith.constant 2 : i32
        %add3A_356 = arith.addi %mul3A_354, %add3A_355 : i32
        %get3A_357 = arith.index_cast %add3A_356 : i32 to index
        %get3A_358 = arith.constant 0 : index
        %get3A_359 = tpu.vector_load %arg11[%get3A_357, %get3A_358] {strides = array<i32>} : memref<128x64xf32, #tpu.memory_space<vmem>>, vector<16xf32>,
        %swap3A_360 = arith.index_cast %add3A_356 : i32 to index
        %swap3A_361 = arith.constant 0 : index
        %swap3A_362 = tpu.vector_load %arg15[%swap3A_360, %swap3A_361] {strides = array<i32>} : memref<128x64xf32, #tpu.memory_space<vmem>>, vector<16xf32>,
        tpu.vector_store %arg15[%swap3A_360, %swap3A_361], %get3A_359 {add = true, strides = array<i32>} : memref<128x64xf32, #tpu.memory_space<vmem>>, vector<16xf32>,
        %get3A_363 = arith.index_cast %add3A_356 : i32 to index
        %get3A_364 = arith.constant 16 : index
        %get3A_365 = tpu.vector_load %arg11[%get3A_363, %get3A_364] {strides = array<i32>} : memref<128x64xf32, #tpu.memory_space<vmem>>, vector<16xf32>,
        %swap3A_366 = arith.index_cast %add3A_356 : i32 to index
        %swap3A_367 = arith.constant 16 : index
        %swap3A_368 = tpu.vector_load %arg15[%swap3A_366, %swap3A_367] {strides = array<i32>} : memref<128x64xf32, #tpu.memory_space<vmem>>, vector<16xf32>,
        tpu.vector_store %arg15[%swap3A_366, %swap3A_367], %get3A_365 {add = true, strides = array<i32>} : memref<128x64xf32, #tpu.memory_space<vmem>>, vector<16xf32>,
        %get3A_369 = arith.index_cast %add3A_356 : i32 to index
        %get3A_370 = arith.constant 32 : index
        %get3A_371 = tpu.vector_load %arg11[%get3A_369, %get3A_370] {strides = array<i32>} : memref<128x64xf32, #tpu.memory_space<vmem>>, vector<16xf32>,
        %swap3A_372 = arith.index_cast %add3A_356 : i32 to index
        %swap3A_373 = arith.constant 32 : index
        %swap3A_374 = tpu.vector_load %arg15[%swap3A_372, %swap3A_373] {strides = array<i32>} : memref<128x64xf32, #tpu.memory_space<vmem>>, vector<16xf32>,
        tpu.vector_store %arg15[%swap3A_372, %swap3A_373], %get3A_371 {add = true, strides = array<i32>} : memref<128x64xf32, #tpu.memory_space<vmem>>, vector<16xf32>,
        %get3A_375 = arith.index_cast %add3A_356 : i32 to index
        %get3A_376 = arith.constant 48 : index
        %get3A_377 = tpu.vector_load %arg11[%get3A_375, %get3A_376] {strides = array<i32>} : memref<128x64xf32, #tpu.memory_space<vmem>>, vector<16xf32>,
        %swap3A_378 = arith.index_cast %add3A_356 : i32 to index
        %swap3A_379 = arith.constant 48 : index
        %swap3A_380 = tpu.vector_load %arg15[%swap3A_378, %swap3A_379] {strides = array<i32>} : memref<128x64xf32, #tpu.memory_space<vmem>>, vector<16xf32>,
        tpu.vector_store %arg15[%swap3A_378, %swap3A_379], %get3A_377 {add = true, strides = array<i32>} : memref<128x64xf32, #tpu.memory_space<vmem>>, vector<16xf32>,
        %mul3A_381 = arith.constant 4 : i32
        %mul3A_382 = arith.muli %scan3A_298, %mul3A_381 : i32
        %add3A_383 = arith.constant 3 : i32
        %add3A_384 = arith.addi %mul3A_382, %add3A_383 : i32
        %get3A_385 = arith.index_cast %add3A_384 : i32 to index
        %get3A_386 = arith.constant 0 : index
        %get3A_387 = tpu.vector_load %arg11[%get3A_385, %get3A_386] {strides = array<i32>} : memref<128x64xf32, #tpu.memory_space<vmem>>, vector<16xf32>,
        %swap3A_388 = arith.index_cast %add3A_384 : i32 to index
        %swap3A_389 = arith.constant 0 : index
        %swap3A_390 = tpu.vector_load %arg15[%swap3A_388, %swap3A_389] {strides = array<i32>} : memref<128x64xf32, #tpu.memory_space<vmem>>, vector<16xf32>,
        tpu.vector_store %arg15[%swap3A_388, %swap3A_389], %get3A_387 {add = true, strides = array<i32>} : memref<128x64xf32, #tpu.memory_space<vmem>>, vector<16xf32>,
        %get3A_391 = arith.index_cast %add3A_384 : i32 to index
        %get3A_392 = arith.constant 16 : index
        %get3A_393 = tpu.vector_load %arg11[%get3A_391, %get3A_392] {strides = array<i32>} : memref<128x64xf32, #tpu.memory_space<vmem>>, vector<16xf32>,
        %swap3A_394 = arith.index_cast %add3A_384 : i32 to index
        %swap3A_395 = arith.constant 16 : index
        %swap3A_396 = tpu.vector_load %arg15[%swap3A_394, %swap3A_395] {strides = array<i32>} : memref<128x64xf32, #tpu.memory_space<vmem>>, vector<16xf32>,
        tpu.vector_store %arg15[%swap3A_394, %swap3A_395], %get3A_393 {add = true, strides = array<i32>} : memref<128x64xf32, #tpu.memory_space<vmem>>, vector<16xf32>,
        %get3A_397 = arith.index_cast %add3A_384 : i32 to index
        %get3A_398 = arith.constant 32 : index
        %get3A_399 = tpu.vector_load %arg11[%get3A_397, %get3A_398] {strides = array<i32>} : memref<128x64xf32, #tpu.memory_space<vmem>>, vector<16xf32>,
        %swap3A_400 = arith.index_cast %add3A_384 : i32 to index
        %swap3A_401 = arith.constant 32 : index
        %swap3A_402 = tpu.vector_load %arg15[%swap3A_400, %swap3A_401] {strides = array<i32>} : memref<128x64xf32, #tpu.memory_space<vmem>>, vector<16xf32>,
        tpu.vector_store %arg15[%swap3A_400, %swap3A_401], %get3A_399 {add = true, strides = array<i32>} : memref<128x64xf32, #tpu.memory_space<vmem>>, vector<16xf32>,
        %get3A_403 = arith.index_cast %add3A_384 : i32 to index
        %get3A_404 = arith.constant 48 : index
        %get3A_405 = tpu.vector_load %arg11[%get3A_403, %get3A_404] {strides = array<i32>} : memref<128x64xf32, #tpu.memory_space<vmem>>, vector<16xf32>,
        %swap3A_406 = arith.index_cast %add3A_384 : i32 to index
        %swap3A_407 = arith.constant 48 : index
        %swap3A_408 = tpu.vector_load %arg15[%swap3A_406, %swap3A_407] {strides = array<i32>} : memref<128x64xf32, #tpu.memory_space<vmem>>, vector<16xf32>,
        tpu.vector_store %arg15[%swap3A_406, %swap3A_407], %get3A_405 {add = true, strides = array<i32>} : memref<128x64xf32, #tpu.memory_space<vmem>>, vector<16xf32>,
      }
      %scan3A_199 = arith.constant 32 : i32
      %mul3A_200 = arith.constant 4 : i32
      %mul3A_201 = arith.muli %scan3A_105, %mul3A_200 : i32
      %add3A_202 = arith.constant 2 : i32
      %add3A_203 = arith.addi %mul3A_201, %add3A_202 : i32
      %jit3A_204 = arith.constant 2 : i32
      %div3A_205 = arith.divsi %add3A_203, %jit3A_204 : i32
      %sign3A_206 = arith.constant 0 : i32
      %sign3A_207 = arith.cmpi sgt, %add3A_203, %sign3A_206 : i32
      %sign3A_208 = arith.extui %sign3A_207 : i1 to i32
      %sign3A_209 = arith.constant 0 : i32
      %sign3A_210 = arith.cmpi slt, %add3A_203, %sign3A_209 : i32
      %sign3A_211 = arith.extui %sign3A_210 : i1 to i32
      %sign3A_212 = arith.subi %sign3A_208, %sign3A_211 : i32
      %sign3A_213 = arith.constant 0 : i32
      %sign3A_214 = arith.cmpi sgt, %jit3A_204, %sign3A_213 : i32
      %sign3A_215 = arith.extui %sign3A_214 : i1 to i32
      %sign3A_216 = arith.constant 0 : i32
      %sign3A_217 = arith.cmpi slt, %jit3A_204, %sign3A_216 : i32
      %sign3A_218 = arith.extui %sign3A_217 : i1 to i32
      %sign3A_219 = arith.subi %sign3A_215, %sign3A_218 : i32
      %ne3A_220 = arith.cmpi ne, %sign3A_212, %sign3A_219 : i32
      %rem3A_221 = arith.remsi %add3A_203, %jit3A_204 : i32
      %ne3A_222 = arith.constant 0 : i32
      %ne3A_223 = arith.cmpi ne, %rem3A_221, %ne3A_222 : i32
      %and3A_224 = arith.andi %ne3A_220, %ne3A_223 : i1
      %sub3A_225 = arith.constant 1 : i32
      %sub3A_226 = arith.subi %div3A_205, %sub3A_225 : i32
      %select_n3A_227 = arith.select %and3A_224, %sub3A_226, %div3A_205 : i32
      %dma_wait3A_228 = arith.constant 0 : i32
      %dma_wait3A_229 = tpu.memref_slice %arg8[%select_n3A_227, %dma_wait3A_228] : memref<50x128xi32, #tpu.memory_space<vmem>> -> memref<1x128xi32, #tpu.memory_space<vmem>>
      %dma_wait3A_230 = tpu.memref_squeeze %dma_wait3A_229 : memref<1x128xi32, #tpu.memory_space<vmem>> -> memref<128xi32, #tpu.memory_space<vmem>>
      %dma_wait3A_231 = arith.constant 0 : i32
      %dma_wait3A_232 = arith.constant 0 : i32
      %dma_wait3A_233 = tpu.memref_slice %arg2[%dma_wait3A_231, %dma_wait3A_232] : memref<200000x64xf32, #tpu.memory_space<hbm>> -> memref<200000x64xf32, #tpu.memory_space<hbm>>
      tpu.wait_indirect_dma semaphore(%arg21 : memref<!tpu.dma_semaphore, #tpu.memory_space<semaphore_mem>>) src(%dma_wait3A_233 : memref<200000x64xf32, #tpu.memory_space<hbm>>) dst(%arg12 : memref<128x64xf32, #tpu.memory_space<vmem>>)
      %add3A_234 = arith.constant 4 : i32
      %add3A_235 = arith.addi %add3A_203, %add3A_234 : i32
      %sub3A_236 = arith.constant 1 : i32
      %sub3A_237 = arith.subi %add3A_235, %sub3A_236 : i32
      %lt3A_238 = arith.constant 100 : i32
      %lt3A_239 = arith.cmpi slt, %sub3A_237, %lt3A_238 : i32
      %convert_element_type3A_240 = arith.extui %lt3A_239 : i1 to i32
      %cond3A_241 = arith.constant 0 : i32
      %cond3A_242 = arith.cmpi ne, %convert_element_type3A_240, %cond3A_241 : i32
      scf.if %cond3A_242 {
        %add3A_298 = arith.constant 4 : i32
        %add3A_299 = arith.addi %add3A_203, %add3A_298 : i32
        %sub3A_300 = arith.constant 1 : i32
        %sub3A_301 = arith.subi %add3A_299, %sub3A_300 : i32
        %jit3A_302 = arith.constant 2 : i32
        %div3A_303 = arith.divsi %sub3A_301, %jit3A_302 : i32
        %sign3A_304 = arith.constant 0 : i32
        %sign3A_305 = arith.cmpi sgt, %sub3A_301, %sign3A_304 : i32
        %sign3A_306 = arith.extui %sign3A_305 : i1 to i32
        %sign3A_307 = arith.constant 0 : i32
        %sign3A_308 = arith.cmpi slt, %sub3A_301, %sign3A_307 : i32
        %sign3A_309 = arith.extui %sign3A_308 : i1 to i32
        %sign3A_310 = arith.subi %sign3A_306, %sign3A_309 : i32
        %sign3A_311 = arith.constant 0 : i32
        %sign3A_312 = arith.cmpi sgt, %jit3A_302, %sign3A_311 : i32
        %sign3A_313 = arith.extui %sign3A_312 : i1 to i32
        %sign3A_314 = arith.constant 0 : i32
        %sign3A_315 = arith.cmpi slt, %jit3A_302, %sign3A_314 : i32
        %sign3A_316 = arith.extui %sign3A_315 : i1 to i32
        %sign3A_317 = arith.subi %sign3A_313, %sign3A_316 : i32
        %ne3A_318 = arith.cmpi ne, %sign3A_310, %sign3A_317 : i32
        %rem3A_319 = arith.remsi %sub3A_301, %jit3A_302 : i32
        %ne3A_320 = arith.constant 0 : i32
        %ne3A_321 = arith.cmpi ne, %rem3A_319, %ne3A_320 : i32
        %and3A_322 = arith.andi %ne3A_318, %ne3A_321 : i1
        %sub3A_323 = arith.constant 1 : i32
        %sub3A_324 = arith.subi %div3A_303, %sub3A_323 : i32
        %select_n3A_325 = arith.select %and3A_322, %sub3A_324, %div3A_303 : i32
        %dma_start3A_326 = arith.constant 0 : i32
        %dma_start3A_327 = tpu.memref_slice %arg9[%select_n3A_325, %dma_start3A_326] : memref<50x128xi32, #tpu.memory_space<vmem>> -> memref<1x128xi32, #tpu.memory_space<vmem>>
        %dma_start3A_328 = tpu.memref_squeeze %dma_start3A_327 : memref<1x128xi32, #tpu.memory_space<vmem>> -> memref<128xi32, #tpu.memory_space<vmem>>
        %dma_start3A_329 = arith.constant 0 : i32
        %dma_start3A_330 = arith.constant 0 : i32
        %dma_start3A_331 = tpu.memref_slice %arg2[%dma_start3A_329, %dma_start3A_330] : memref<200000x64xf32, #tpu.memory_space<hbm>> -> memref<200000x64xf32, #tpu.memory_space<hbm>>
        tpu.enqueue_indirect_dma source(%dma_start3A_331 : memref<200000x64xf32, #tpu.memory_space<hbm>>) target(%arg11 : memref<128x64xf32, #tpu.memory_space<vmem>>) offsets(%dma_start3A_328 : memref<128xi32, #tpu.memory_space<vmem>>) semaphore(%arg20 : memref<!tpu.dma_semaphore, #tpu.memory_space<semaphore_mem>>)
      } else {
      }
      %scan3A_243 = arith.constant 0 : i32
      %scan3A_244 = arith.constant 0 : i32
      %scan3A_245 = arith.constant 32 : i32
      %scan3A_246 = arith.addi %scan3A_244, %scan3A_245 : i32
      %scan3A_247 = arith.constant 1 : i32
      scf.for %scan3A_298 = %scan3A_244 to %scan3A_246 step %scan3A_247  : i32 {
        %mul3A_299 = arith.constant 4 : i32
        %mul3A_300 = arith.muli %scan3A_298, %mul3A_299 : i32
        %add3A_301 = arith.constant 0 : i32
        %add3A_302 = arith.addi %mul3A_300, %add3A_301 : i32
        %get3A = arith.index_cast %add3A_302 : i32 to index
        %get3A_303 = arith.constant 0 : index
        %get3A_304 = tpu.vector_load %arg12[%get3A, %get3A_303] {strides = array<i32>} : memref<128x64xf32, #tpu.memory_space<vmem>>, vector<16xf32>,
        %swap3A = arith.index_cast %add3A_302 : i32 to index
        %swap3A_305 = arith.constant 0 : index
        %swap3A_306 = tpu.vector_load %arg14[%swap3A, %swap3A_305] {strides = array<i32>} : memref<128x64xf32, #tpu.memory_space<vmem>>, vector<16xf32>,
        tpu.vector_store %arg14[%swap3A, %swap3A_305], %get3A_304 {add = true, strides = array<i32>} : memref<128x64xf32, #tpu.memory_space<vmem>>, vector<16xf32>,
        %get3A_307 = arith.index_cast %add3A_302 : i32 to index
        %get3A_308 = arith.constant 16 : index
        %get3A_309 = tpu.vector_load %arg12[%get3A_307, %get3A_308] {strides = array<i32>} : memref<128x64xf32, #tpu.memory_space<vmem>>, vector<16xf32>,
        %swap3A_310 = arith.index_cast %add3A_302 : i32 to index
        %swap3A_311 = arith.constant 16 : index
        %swap3A_312 = tpu.vector_load %arg14[%swap3A_310, %swap3A_311] {strides = array<i32>} : memref<128x64xf32, #tpu.memory_space<vmem>>, vector<16xf32>,
        tpu.vector_store %arg14[%swap3A_310, %swap3A_311], %get3A_309 {add = true, strides = array<i32>} : memref<128x64xf32, #tpu.memory_space<vmem>>, vector<16xf32>,
        %get3A_313 = arith.index_cast %add3A_302 : i32 to index
        %get3A_314 = arith.constant 32 : index
        %get3A_315 = tpu.vector_load %arg12[%get3A_313, %get3A_314] {strides = array<i32>} : memref<128x64xf32, #tpu.memory_space<vmem>>, vector<16xf32>,
        %swap3A_316 = arith.index_cast %add3A_302 : i32 to index
        %swap3A_317 = arith.constant 32 : index
        %swap3A_318 = tpu.vector_load %arg14[%swap3A_316, %swap3A_317] {strides = array<i32>} : memref<128x64xf32, #tpu.memory_space<vmem>>, vector<16xf32>,
        tpu.vector_store %arg14[%swap3A_316, %swap3A_317], %get3A_315 {add = true, strides = array<i32>} : memref<128x64xf32, #tpu.memory_space<vmem>>, vector<16xf32>,
        %get3A_319 = arith.index_cast %add3A_302 : i32 to index
        %get3A_320 = arith.constant 48 : index
        %get3A_321 = tpu.vector_load %arg12[%get3A_319, %get3A_320] {strides = array<i32>} : memref<128x64xf32, #tpu.memory_space<vmem>>, vector<16xf32>,
        %swap3A_322 = arith.index_cast %add3A_302 : i32 to index
        %swap3A_323 = arith.constant 48 : index
        %swap3A_324 = tpu.vector_load %arg14[%swap3A_322, %swap3A_323] {strides = array<i32>} : memref<128x64xf32, #tpu.memory_space<vmem>>, vector<16xf32>,
        tpu.vector_store %arg14[%swap3A_322, %swap3A_323], %get3A_321 {add = true, strides = array<i32>} : memref<128x64xf32, #tpu.memory_space<vmem>>, vector<16xf32>,
        %mul3A_325 = arith.constant 4 : i32
        %mul3A_326 = arith.muli %scan3A_298, %mul3A_325 : i32
        %add3A_327 = arith.constant 1 : i32
        %add3A_328 = arith.addi %mul3A_326, %add3A_327 : i32
        %get3A_329 = arith.index_cast %add3A_328 : i32 to index
        %get3A_330 = arith.constant 0 : index
        %get3A_331 = tpu.vector_load %arg12[%get3A_329, %get3A_330] {strides = array<i32>} : memref<128x64xf32, #tpu.memory_space<vmem>>, vector<16xf32>,
        %swap3A_332 = arith.index_cast %add3A_328 : i32 to index
        %swap3A_333 = arith.constant 0 : index
        %swap3A_334 = tpu.vector_load %arg14[%swap3A_332, %swap3A_333] {strides = array<i32>} : memref<128x64xf32, #tpu.memory_space<vmem>>, vector<16xf32>,
        tpu.vector_store %arg14[%swap3A_332, %swap3A_333], %get3A_331 {add = true, strides = array<i32>} : memref<128x64xf32, #tpu.memory_space<vmem>>, vector<16xf32>,
        %get3A_335 = arith.index_cast %add3A_328 : i32 to index
        %get3A_336 = arith.constant 16 : index
        %get3A_337 = tpu.vector_load %arg12[%get3A_335, %get3A_336] {strides = array<i32>} : memref<128x64xf32, #tpu.memory_space<vmem>>, vector<16xf32>,
        %swap3A_338 = arith.index_cast %add3A_328 : i32 to index
        %swap3A_339 = arith.constant 16 : index
        %swap3A_340 = tpu.vector_load %arg14[%swap3A_338, %swap3A_339] {strides = array<i32>} : memref<128x64xf32, #tpu.memory_space<vmem>>, vector<16xf32>,
        tpu.vector_store %arg14[%swap3A_338, %swap3A_339], %get3A_337 {add = true, strides = array<i32>} : memref<128x64xf32, #tpu.memory_space<vmem>>, vector<16xf32>,
        %get3A_341 = arith.index_cast %add3A_328 : i32 to index
        %get3A_342 = arith.constant 32 : index
        %get3A_343 = tpu.vector_load %arg12[%get3A_341, %get3A_342] {strides = array<i32>} : memref<128x64xf32, #tpu.memory_space<vmem>>, vector<16xf32>,
        %swap3A_344 = arith.index_cast %add3A_328 : i32 to index
        %swap3A_345 = arith.constant 32 : index
        %swap3A_346 = tpu.vector_load %arg14[%swap3A_344, %swap3A_345] {strides = array<i32>} : memref<128x64xf32, #tpu.memory_space<vmem>>, vector<16xf32>,
        tpu.vector_store %arg14[%swap3A_344, %swap3A_345], %get3A_343 {add = true, strides = array<i32>} : memref<128x64xf32, #tpu.memory_space<vmem>>, vector<16xf32>,
        %get3A_347 = arith.index_cast %add3A_328 : i32 to index
        %get3A_348 = arith.constant 48 : index
        %get3A_349 = tpu.vector_load %arg12[%get3A_347, %get3A_348] {strides = array<i32>} : memref<128x64xf32, #tpu.memory_space<vmem>>, vector<16xf32>,
        %swap3A_350 = arith.index_cast %add3A_328 : i32 to index
        %swap3A_351 = arith.constant 48 : index
        %swap3A_352 = tpu.vector_load %arg14[%swap3A_350, %swap3A_351] {strides = array<i32>} : memref<128x64xf32, #tpu.memory_space<vmem>>, vector<16xf32>,
        tpu.vector_store %arg14[%swap3A_350, %swap3A_351], %get3A_349 {add = true, strides = array<i32>} : memref<128x64xf32, #tpu.memory_space<vmem>>, vector<16xf32>,
        %mul3A_353 = arith.constant 4 : i32
        %mul3A_354 = arith.muli %scan3A_298, %mul3A_353 : i32
        %add3A_355 = arith.constant 2 : i32
        %add3A_356 = arith.addi %mul3A_354, %add3A_355 : i32
        %get3A_357 = arith.index_cast %add3A_356 : i32 to index
        %get3A_358 = arith.constant 0 : index
        %get3A_359 = tpu.vector_load %arg12[%get3A_357, %get3A_358] {strides = array<i32>} : memref<128x64xf32, #tpu.memory_space<vmem>>, vector<16xf32>,
        %swap3A_360 = arith.index_cast %add3A_356 : i32 to index
        %swap3A_361 = arith.constant 0 : index
        %swap3A_362 = tpu.vector_load %arg14[%swap3A_360, %swap3A_361] {strides = array<i32>} : memref<128x64xf32, #tpu.memory_space<vmem>>, vector<16xf32>,
        tpu.vector_store %arg14[%swap3A_360, %swap3A_361], %get3A_359 {add = true, strides = array<i32>} : memref<128x64xf32, #tpu.memory_space<vmem>>, vector<16xf32>,
        %get3A_363 = arith.index_cast %add3A_356 : i32 to index
        %get3A_364 = arith.constant 16 : index
        %get3A_365 = tpu.vector_load %arg12[%get3A_363, %get3A_364] {strides = array<i32>} : memref<128x64xf32, #tpu.memory_space<vmem>>, vector<16xf32>,
        %swap3A_366 = arith.index_cast %add3A_356 : i32 to index
        %swap3A_367 = arith.constant 16 : index
        %swap3A_368 = tpu.vector_load %arg14[%swap3A_366, %swap3A_367] {strides = array<i32>} : memref<128x64xf32, #tpu.memory_space<vmem>>, vector<16xf32>,
        tpu.vector_store %arg14[%swap3A_366, %swap3A_367], %get3A_365 {add = true, strides = array<i32>} : memref<128x64xf32, #tpu.memory_space<vmem>>, vector<16xf32>,
        %get3A_369 = arith.index_cast %add3A_356 : i32 to index
        %get3A_370 = arith.constant 32 : index
        %get3A_371 = tpu.vector_load %arg12[%get3A_369, %get3A_370] {strides = array<i32>} : memref<128x64xf32, #tpu.memory_space<vmem>>, vector<16xf32>,
        %swap3A_372 = arith.index_cast %add3A_356 : i32 to index
        %swap3A_373 = arith.constant 32 : index
        %swap3A_374 = tpu.vector_load %arg14[%swap3A_372, %swap3A_373] {strides = array<i32>} : memref<128x64xf32, #tpu.memory_space<vmem>>, vector<16xf32>,
        tpu.vector_store %arg14[%swap3A_372, %swap3A_373], %get3A_371 {add = true, strides = array<i32>} : memref<128x64xf32, #tpu.memory_space<vmem>>, vector<16xf32>,
        %get3A_375 = arith.index_cast %add3A_356 : i32 to index
        %get3A_376 = arith.constant 48 : index
        %get3A_377 = tpu.vector_load %arg12[%get3A_375, %get3A_376] {strides = array<i32>} : memref<128x64xf32, #tpu.memory_space<vmem>>, vector<16xf32>,
        %swap3A_378 = arith.index_cast %add3A_356 : i32 to index
        %swap3A_379 = arith.constant 48 : index
        %swap3A_380 = tpu.vector_load %arg14[%swap3A_378, %swap3A_379] {strides = array<i32>} : memref<128x64xf32, #tpu.memory_space<vmem>>, vector<16xf32>,
        tpu.vector_store %arg14[%swap3A_378, %swap3A_379], %get3A_377 {add = true, strides = array<i32>} : memref<128x64xf32, #tpu.memory_space<vmem>>, vector<16xf32>,
        %mul3A_381 = arith.constant 4 : i32
        %mul3A_382 = arith.muli %scan3A_298, %mul3A_381 : i32
        %add3A_383 = arith.constant 3 : i32
        %add3A_384 = arith.addi %mul3A_382, %add3A_383 : i32
        %get3A_385 = arith.index_cast %add3A_384 : i32 to index
        %get3A_386 = arith.constant 0 : index
        %get3A_387 = tpu.vector_load %arg12[%get3A_385, %get3A_386] {strides = array<i32>} : memref<128x64xf32, #tpu.memory_space<vmem>>, vector<16xf32>,
        %swap3A_388 = arith.index_cast %add3A_384 : i32 to index
        %swap3A_389 = arith.constant 0 : index
        %swap3A_390 = tpu.vector_load %arg14[%swap3A_388, %swap3A_389] {strides = array<i32>} : memref<128x64xf32, #tpu.memory_space<vmem>>, vector<16xf32>,
        tpu.vector_store %arg14[%swap3A_388, %swap3A_389], %get3A_387 {add = true, strides = array<i32>} : memref<128x64xf32, #tpu.memory_space<vmem>>, vector<16xf32>,
        %get3A_391 = arith.index_cast %add3A_384 : i32 to index
        %get3A_392 = arith.constant 16 : index
        %get3A_393 = tpu.vector_load %arg12[%get3A_391, %get3A_392] {strides = array<i32>} : memref<128x64xf32, #tpu.memory_space<vmem>>, vector<16xf32>,
        %swap3A_394 = arith.index_cast %add3A_384 : i32 to index
        %swap3A_395 = arith.constant 16 : index
        %swap3A_396 = tpu.vector_load %arg14[%swap3A_394, %swap3A_395] {strides = array<i32>} : memref<128x64xf32, #tpu.memory_space<vmem>>, vector<16xf32>,
        tpu.vector_store %arg14[%swap3A_394, %swap3A_395], %get3A_393 {add = true, strides = array<i32>} : memref<128x64xf32, #tpu.memory_space<vmem>>, vector<16xf32>,
        %get3A_397 = arith.index_cast %add3A_384 : i32 to index
        %get3A_398 = arith.constant 32 : index
        %get3A_399 = tpu.vector_load %arg12[%get3A_397, %get3A_398] {strides = array<i32>} : memref<128x64xf32, #tpu.memory_space<vmem>>, vector<16xf32>,
        %swap3A_400 = arith.index_cast %add3A_384 : i32 to index
        %swap3A_401 = arith.constant 32 : index
        %swap3A_402 = tpu.vector_load %arg14[%swap3A_400, %swap3A_401] {strides = array<i32>} : memref<128x64xf32, #tpu.memory_space<vmem>>, vector<16xf32>,
        tpu.vector_store %arg14[%swap3A_400, %swap3A_401], %get3A_399 {add = true, strides = array<i32>} : memref<128x64xf32, #tpu.memory_space<vmem>>, vector<16xf32>,
        %get3A_403 = arith.index_cast %add3A_384 : i32 to index
        %get3A_404 = arith.constant 48 : index
        %get3A_405 = tpu.vector_load %arg12[%get3A_403, %get3A_404] {strides = array<i32>} : memref<128x64xf32, #tpu.memory_space<vmem>>, vector<16xf32>,
        %swap3A_406 = arith.index_cast %add3A_384 : i32 to index
        %swap3A_407 = arith.constant 48 : index
        %swap3A_408 = tpu.vector_load %arg14[%swap3A_406, %swap3A_407] {strides = array<i32>} : memref<128x64xf32, #tpu.memory_space<vmem>>, vector<16xf32>,
        tpu.vector_store %arg14[%swap3A_406, %swap3A_407], %get3A_405 {add = true, strides = array<i32>} : memref<128x64xf32, #tpu.memory_space<vmem>>, vector<16xf32>,
      }
      %scan3A_248 = arith.constant 32 : i32
      %mul3A_249 = arith.constant 4 : i32
      %mul3A_250 = arith.muli %scan3A_105, %mul3A_249 : i32
      %add3A_251 = arith.constant 3 : i32
      %add3A_252 = arith.addi %mul3A_250, %add3A_251 : i32
      %jit3A_253 = arith.constant 2 : i32
      %div3A_254 = arith.divsi %add3A_252, %jit3A_253 : i32
      %sign3A_255 = arith.constant 0 : i32
      %sign3A_256 = arith.cmpi sgt, %add3A_252, %sign3A_255 : i32
      %sign3A_257 = arith.extui %sign3A_256 : i1 to i32
      %sign3A_258 = arith.constant 0 : i32
      %sign3A_259 = arith.cmpi slt, %add3A_252, %sign3A_258 : i32
      %sign3A_260 = arith.extui %sign3A_259 : i1 to i32
      %sign3A_261 = arith.subi %sign3A_257, %sign3A_260 : i32
      %sign3A_262 = arith.constant 0 : i32
      %sign3A_263 = arith.cmpi sgt, %jit3A_253, %sign3A_262 : i32
      %sign3A_264 = arith.extui %sign3A_263 : i1 to i32
      %sign3A_265 = arith.constant 0 : i32
      %sign3A_266 = arith.cmpi slt, %jit3A_253, %sign3A_265 : i32
      %sign3A_267 = arith.extui %sign3A_266 : i1 to i32
      %sign3A_268 = arith.subi %sign3A_264, %sign3A_267 : i32
      %ne3A_269 = arith.cmpi ne, %sign3A_261, %sign3A_268 : i32
      %rem3A_270 = arith.remsi %add3A_252, %jit3A_253 : i32
      %ne3A_271 = arith.constant 0 : i32
      %ne3A_272 = arith.cmpi ne, %rem3A_270, %ne3A_271 : i32
      %and3A_273 = arith.andi %ne3A_269, %ne3A_272 : i1
      %sub3A_274 = arith.constant 1 : i32
      %sub3A_275 = arith.subi %div3A_254, %sub3A_274 : i32
      %select_n3A_276 = arith.select %and3A_273, %sub3A_275, %div3A_254 : i32
      %dma_wait3A_277 = arith.constant 0 : i32
      %dma_wait3A_278 = tpu.memref_slice %arg9[%select_n3A_276, %dma_wait3A_277] : memref<50x128xi32, #tpu.memory_space<vmem>> -> memref<1x128xi32, #tpu.memory_space<vmem>>
      %dma_wait3A_279 = tpu.memref_squeeze %dma_wait3A_278 : memref<1x128xi32, #tpu.memory_space<vmem>> -> memref<128xi32, #tpu.memory_space<vmem>>
      %dma_wait3A_280 = arith.constant 0 : i32
      %dma_wait3A_281 = arith.constant 0 : i32
      %dma_wait3A_282 = tpu.memref_slice %arg2[%dma_wait3A_280, %dma_wait3A_281] : memref<200000x64xf32, #tpu.memory_space<hbm>> -> memref<200000x64xf32, #tpu.memory_space<hbm>>
      tpu.wait_indirect_dma semaphore(%arg22 : memref<!tpu.dma_semaphore, #tpu.memory_space<semaphore_mem>>) src(%dma_wait3A_282 : memref<200000x64xf32, #tpu.memory_space<hbm>>) dst(%arg13 : memref<128x64xf32, #tpu.memory_space<vmem>>)
      %add3A_283 = arith.constant 4 : i32
      %add3A_284 = arith.addi %add3A_252, %add3A_283 : i32
      %sub3A_285 = arith.constant 1 : i32
      %sub3A_286 = arith.subi %add3A_284, %sub3A_285 : i32
      %lt3A_287 = arith.constant 100 : i32
      %lt3A_288 = arith.cmpi slt, %sub3A_286, %lt3A_287 : i32
      %convert_element_type3A_289 = arith.extui %lt3A_288 : i1 to i32
      %cond3A_290 = arith.constant 0 : i32
      %cond3A_291 = arith.cmpi ne, %convert_element_type3A_289, %cond3A_290 : i32
      scf.if %cond3A_291 {
        %add3A_298 = arith.constant 4 : i32
        %add3A_299 = arith.addi %add3A_252, %add3A_298 : i32
        %sub3A_300 = arith.constant 1 : i32
        %sub3A_301 = arith.subi %add3A_299, %sub3A_300 : i32
        %jit3A_302 = arith.constant 2 : i32
        %div3A_303 = arith.divsi %sub3A_301, %jit3A_302 : i32
        %sign3A_304 = arith.constant 0 : i32
        %sign3A_305 = arith.cmpi sgt, %sub3A_301, %sign3A_304 : i32
        %sign3A_306 = arith.extui %sign3A_305 : i1 to i32
        %sign3A_307 = arith.constant 0 : i32
        %sign3A_308 = arith.cmpi slt, %sub3A_301, %sign3A_307 : i32
        %sign3A_309 = arith.extui %sign3A_308 : i1 to i32
        %sign3A_310 = arith.subi %sign3A_306, %sign3A_309 : i32
        %sign3A_311 = arith.constant 0 : i32
        %sign3A_312 = arith.cmpi sgt, %jit3A_302, %sign3A_311 : i32
        %sign3A_313 = arith.extui %sign3A_312 : i1 to i32
        %sign3A_314 = arith.constant 0 : i32
        %sign3A_315 = arith.cmpi slt, %jit3A_302, %sign3A_314 : i32
        %sign3A_316 = arith.extui %sign3A_315 : i1 to i32
        %sign3A_317 = arith.subi %sign3A_313, %sign3A_316 : i32
        %ne3A_318 = arith.cmpi ne, %sign3A_310, %sign3A_317 : i32
        %rem3A_319 = arith.remsi %sub3A_301, %jit3A_302 : i32
        %ne3A_320 = arith.constant 0 : i32
        %ne3A_321 = arith.cmpi ne, %rem3A_319, %ne3A_320 : i32
        %and3A_322 = arith.andi %ne3A_318, %ne3A_321 : i1
        %sub3A_323 = arith.constant 1 : i32
        %sub3A_324 = arith.subi %div3A_303, %sub3A_323 : i32
        %select_n3A_325 = arith.select %and3A_322, %sub3A_324, %div3A_303 : i32
        %dma_start3A_326 = arith.constant 0 : i32
        %dma_start3A_327 = tpu.memref_slice %arg8[%select_n3A_325, %dma_start3A_326] : memref<50x128xi32, #tpu.memory_space<vmem>> -> memref<1x128xi32, #tpu.memory_space<vmem>>
        %dma_start3A_328 = tpu.memref_squeeze %dma_start3A_327 : memref<1x128xi32, #tpu.memory_space<vmem>> -> memref<128xi32, #tpu.memory_space<vmem>>
        %dma_start3A_329 = arith.constant 0 : i32
        %dma_start3A_330 = arith.constant 0 : i32
        %dma_start3A_331 = tpu.memref_slice %arg2[%dma_start3A_329, %dma_start3A_330] : memref<200000x64xf32, #tpu.memory_space<hbm>> -> memref<200000x64xf32, #tpu.memory_space<hbm>>
        tpu.enqueue_indirect_dma source(%dma_start3A_331 : memref<200000x64xf32, #tpu.memory_space<hbm>>) target(%arg12 : memref<128x64xf32, #tpu.memory_space<vmem>>) offsets(%dma_start3A_328 : memref<128xi32, #tpu.memory_space<vmem>>) semaphore(%arg21 : memref<!tpu.dma_semaphore, #tpu.memory_space<semaphore_mem>>)
      } else {
      }
      %scan3A_292 = arith.constant 0 : i32
      %scan3A_293 = arith.constant 0 : i32
      %scan3A_294 = arith.constant 32 : i32
      %scan3A_295 = arith.addi %scan3A_293, %scan3A_294 : i32
      %scan3A_296 = arith.constant 1 : i32
      scf.for %scan3A_298 = %scan3A_293 to %scan3A_295 step %scan3A_296  : i32 {
        %mul3A_299 = arith.constant 4 : i32
        %mul3A_300 = arith.muli %scan3A_298, %mul3A_299 : i32
        %add3A_301 = arith.constant 0 : i32
        %add3A_302 = arith.addi %mul3A_300, %add3A_301 : i32
        %get3A = arith.index_cast %add3A_302 : i32 to index
        %get3A_303 = arith.constant 0 : index
        %get3A_304 = tpu.vector_load %arg13[%get3A, %get3A_303] {strides = array<i32>} : memref<128x64xf32, #tpu.memory_space<vmem>>, vector<16xf32>,
        %swap3A = arith.index_cast %add3A_302 : i32 to index
        %swap3A_305 = arith.constant 0 : index
        %swap3A_306 = tpu.vector_load %arg15[%swap3A, %swap3A_305] {strides = array<i32>} : memref<128x64xf32, #tpu.memory_space<vmem>>, vector<16xf32>,
        tpu.vector_store %arg15[%swap3A, %swap3A_305], %get3A_304 {add = true, strides = array<i32>} : memref<128x64xf32, #tpu.memory_space<vmem>>, vector<16xf32>,
        %get3A_307 = arith.index_cast %add3A_302 : i32 to index
        %get3A_308 = arith.constant 16 : index
        %get3A_309 = tpu.vector_load %arg13[%get3A_307, %get3A_308] {strides = array<i32>} : memref<128x64xf32, #tpu.memory_space<vmem>>, vector<16xf32>,
        %swap3A_310 = arith.index_cast %add3A_302 : i32 to index
        %swap3A_311 = arith.constant 16 : index
        %swap3A_312 = tpu.vector_load %arg15[%swap3A_310, %swap3A_311] {strides = array<i32>} : memref<128x64xf32, #tpu.memory_space<vmem>>, vector<16xf32>,
        tpu.vector_store %arg15[%swap3A_310, %swap3A_311], %get3A_309 {add = true, strides = array<i32>} : memref<128x64xf32, #tpu.memory_space<vmem>>, vector<16xf32>,
        %get3A_313 = arith.index_cast %add3A_302 : i32 to index
        %get3A_314 = arith.constant 32 : index
        %get3A_315 = tpu.vector_load %arg13[%get3A_313, %get3A_314] {strides = array<i32>} : memref<128x64xf32, #tpu.memory_space<vmem>>, vector<16xf32>,
        %swap3A_316 = arith.index_cast %add3A_302 : i32 to index
        %swap3A_317 = arith.constant 32 : index
        %swap3A_318 = tpu.vector_load %arg15[%swap3A_316, %swap3A_317] {strides = array<i32>} : memref<128x64xf32, #tpu.memory_space<vmem>>, vector<16xf32>,
        tpu.vector_store %arg15[%swap3A_316, %swap3A_317], %get3A_315 {add = true, strides = array<i32>} : memref<128x64xf32, #tpu.memory_space<vmem>>, vector<16xf32>,
        %get3A_319 = arith.index_cast %add3A_302 : i32 to index
        %get3A_320 = arith.constant 48 : index
        %get3A_321 = tpu.vector_load %arg13[%get3A_319, %get3A_320] {strides = array<i32>} : memref<128x64xf32, #tpu.memory_space<vmem>>, vector<16xf32>,
        %swap3A_322 = arith.index_cast %add3A_302 : i32 to index
        %swap3A_323 = arith.constant 48 : index
        %swap3A_324 = tpu.vector_load %arg15[%swap3A_322, %swap3A_323] {strides = array<i32>} : memref<128x64xf32, #tpu.memory_space<vmem>>, vector<16xf32>,
        tpu.vector_store %arg15[%swap3A_322, %swap3A_323], %get3A_321 {add = true, strides = array<i32>} : memref<128x64xf32, #tpu.memory_space<vmem>>, vector<16xf32>,
        %mul3A_325 = arith.constant 4 : i32
        %mul3A_326 = arith.muli %scan3A_298, %mul3A_325 : i32
        %add3A_327 = arith.constant 1 : i32
        %add3A_328 = arith.addi %mul3A_326, %add3A_327 : i32
        %get3A_329 = arith.index_cast %add3A_328 : i32 to index
        %get3A_330 = arith.constant 0 : index
        %get3A_331 = tpu.vector_load %arg13[%get3A_329, %get3A_330] {strides = array<i32>} : memref<128x64xf32, #tpu.memory_space<vmem>>, vector<16xf32>,
        %swap3A_332 = arith.index_cast %add3A_328 : i32 to index
        %swap3A_333 = arith.constant 0 : index
        %swap3A_334 = tpu.vector_load %arg15[%swap3A_332, %swap3A_333] {strides = array<i32>} : memref<128x64xf32, #tpu.memory_space<vmem>>, vector<16xf32>,
        tpu.vector_store %arg15[%swap3A_332, %swap3A_333], %get3A_331 {add = true, strides = array<i32>} : memref<128x64xf32, #tpu.memory_space<vmem>>, vector<16xf32>,
        %get3A_335 = arith.index_cast %add3A_328 : i32 to index
        %get3A_336 = arith.constant 16 : index
        %get3A_337 = tpu.vector_load %arg13[%get3A_335, %get3A_336] {strides = array<i32>} : memref<128x64xf32, #tpu.memory_space<vmem>>, vector<16xf32>,
        %swap3A_338 = arith.index_cast %add3A_328 : i32 to index
        %swap3A_339 = arith.constant 16 : index
        %swap3A_340 = tpu.vector_load %arg15[%swap3A_338, %swap3A_339] {strides = array<i32>} : memref<128x64xf32, #tpu.memory_space<vmem>>, vector<16xf32>,
        tpu.vector_store %arg15[%swap3A_338, %swap3A_339], %get3A_337 {add = true, strides = array<i32>} : memref<128x64xf32, #tpu.memory_space<vmem>>, vector<16xf32>,
        %get3A_341 = arith.index_cast %add3A_328 : i32 to index
        %get3A_342 = arith.constant 32 : index
        %get3A_343 = tpu.vector_load %arg13[%get3A_341, %get3A_342] {strides = array<i32>} : memref<128x64xf32, #tpu.memory_space<vmem>>, vector<16xf32>,
        %swap3A_344 = arith.index_cast %add3A_328 : i32 to index
        %swap3A_345 = arith.constant 32 : index
        %swap3A_346 = tpu.vector_load %arg15[%swap3A_344, %swap3A_345] {strides = array<i32>} : memref<128x64xf32, #tpu.memory_space<vmem>>, vector<16xf32>,
        tpu.vector_store %arg15[%swap3A_344, %swap3A_345], %get3A_343 {add = true, strides = array<i32>} : memref<128x64xf32, #tpu.memory_space<vmem>>, vector<16xf32>,
        %get3A_347 = arith.index_cast %add3A_328 : i32 to index
        %get3A_348 = arith.constant 48 : index
        %get3A_349 = tpu.vector_load %arg13[%get3A_347, %get3A_348] {strides = array<i32>} : memref<128x64xf32, #tpu.memory_space<vmem>>, vector<16xf32>,
        %swap3A_350 = arith.index_cast %add3A_328 : i32 to index
        %swap3A_351 = arith.constant 48 : index
        %swap3A_352 = tpu.vector_load %arg15[%swap3A_350, %swap3A_351] {strides = array<i32>} : memref<128x64xf32, #tpu.memory_space<vmem>>, vector<16xf32>,
        tpu.vector_store %arg15[%swap3A_350, %swap3A_351], %get3A_349 {add = true, strides = array<i32>} : memref<128x64xf32, #tpu.memory_space<vmem>>, vector<16xf32>,
        %mul3A_353 = arith.constant 4 : i32
        %mul3A_354 = arith.muli %scan3A_298, %mul3A_353 : i32
        %add3A_355 = arith.constant 2 : i32
        %add3A_356 = arith.addi %mul3A_354, %add3A_355 : i32
        %get3A_357 = arith.index_cast %add3A_356 : i32 to index
        %get3A_358 = arith.constant 0 : index
        %get3A_359 = tpu.vector_load %arg13[%get3A_357, %get3A_358] {strides = array<i32>} : memref<128x64xf32, #tpu.memory_space<vmem>>, vector<16xf32>,
        %swap3A_360 = arith.index_cast %add3A_356 : i32 to index
        %swap3A_361 = arith.constant 0 : index
        %swap3A_362 = tpu.vector_load %arg15[%swap3A_360, %swap3A_361] {strides = array<i32>} : memref<128x64xf32, #tpu.memory_space<vmem>>, vector<16xf32>,
        tpu.vector_store %arg15[%swap3A_360, %swap3A_361], %get3A_359 {add = true, strides = array<i32>} : memref<128x64xf32, #tpu.memory_space<vmem>>, vector<16xf32>,
        %get3A_363 = arith.index_cast %add3A_356 : i32 to index
        %get3A_364 = arith.constant 16 : index
        %get3A_365 = tpu.vector_load %arg13[%get3A_363, %get3A_364] {strides = array<i32>} : memref<128x64xf32, #tpu.memory_space<vmem>>, vector<16xf32>,
        %swap3A_366 = arith.index_cast %add3A_356 : i32 to index
        %swap3A_367 = arith.constant 16 : index
        %swap3A_368 = tpu.vector_load %arg15[%swap3A_366, %swap3A_367] {strides = array<i32>} : memref<128x64xf32, #tpu.memory_space<vmem>>, vector<16xf32>,
        tpu.vector_store %arg15[%swap3A_366, %swap3A_367], %get3A_365 {add = true, strides = array<i32>} : memref<128x64xf32, #tpu.memory_space<vmem>>, vector<16xf32>,
        %get3A_369 = arith.index_cast %add3A_356 : i32 to index
        %get3A_370 = arith.constant 32 : index
        %get3A_371 = tpu.vector_load %arg13[%get3A_369, %get3A_370] {strides = array<i32>} : memref<128x64xf32, #tpu.memory_space<vmem>>, vector<16xf32>,
        %swap3A_372 = arith.index_cast %add3A_356 : i32 to index
        %swap3A_373 = arith.constant 32 : index
        %swap3A_374 = tpu.vector_load %arg15[%swap3A_372, %swap3A_373] {strides = array<i32>} : memref<128x64xf32, #tpu.memory_space<vmem>>, vector<16xf32>,
        tpu.vector_store %arg15[%swap3A_372, %swap3A_373], %get3A_371 {add = true, strides = array<i32>} : memref<128x64xf32, #tpu.memory_space<vmem>>, vector<16xf32>,
        %get3A_375 = arith.index_cast %add3A_356 : i32 to index
        %get3A_376 = arith.constant 48 : index
        %get3A_377 = tpu.vector_load %arg13[%get3A_375, %get3A_376] {strides = array<i32>} : memref<128x64xf32, #tpu.memory_space<vmem>>, vector<16xf32>,
        %swap3A_378 = arith.index_cast %add3A_356 : i32 to index
        %swap3A_379 = arith.constant 48 : index
        %swap3A_380 = tpu.vector_load %arg15[%swap3A_378, %swap3A_379] {strides = array<i32>} : memref<128x64xf32, #tpu.memory_space<vmem>>, vector<16xf32>,
        tpu.vector_store %arg15[%swap3A_378, %swap3A_379], %get3A_377 {add = true, strides = array<i32>} : memref<128x64xf32, #tpu.memory_space<vmem>>, vector<16xf32>,
        %mul3A_381 = arith.constant 4 : i32
        %mul3A_382 = arith.muli %scan3A_298, %mul3A_381 : i32
        %add3A_383 = arith.constant 3 : i32
        %add3A_384 = arith.addi %mul3A_382, %add3A_383 : i32
        %get3A_385 = arith.index_cast %add3A_384 : i32 to index
        %get3A_386 = arith.constant 0 : index
        %get3A_387 = tpu.vector_load %arg13[%get3A_385, %get3A_386] {strides = array<i32>} : memref<128x64xf32, #tpu.memory_space<vmem>>, vector<16xf32>,
        %swap3A_388 = arith.index_cast %add3A_384 : i32 to index
        %swap3A_389 = arith.constant 0 : index
        %swap3A_390 = tpu.vector_load %arg15[%swap3A_388, %swap3A_389] {strides = array<i32>} : memref<128x64xf32, #tpu.memory_space<vmem>>, vector<16xf32>,
        tpu.vector_store %arg15[%swap3A_388, %swap3A_389], %get3A_387 {add = true, strides = array<i32>} : memref<128x64xf32, #tpu.memory_space<vmem>>, vector<16xf32>,
        %get3A_391 = arith.index_cast %add3A_384 : i32 to index
        %get3A_392 = arith.constant 16 : index
        %get3A_393 = tpu.vector_load %arg13[%get3A_391, %get3A_392] {strides = array<i32>} : memref<128x64xf32, #tpu.memory_space<vmem>>, vector<16xf32>,
        %swap3A_394 = arith.index_cast %add3A_384 : i32 to index
        %swap3A_395 = arith.constant 16 : index
        %swap3A_396 = tpu.vector_load %arg15[%swap3A_394, %swap3A_395] {strides = array<i32>} : memref<128x64xf32, #tpu.memory_space<vmem>>, vector<16xf32>,
        tpu.vector_store %arg15[%swap3A_394, %swap3A_395], %get3A_393 {add = true, strides = array<i32>} : memref<128x64xf32, #tpu.memory_space<vmem>>, vector<16xf32>,
        %get3A_397 = arith.index_cast %add3A_384 : i32 to index
        %get3A_398 = arith.constant 32 : index
        %get3A_399 = tpu.vector_load %arg13[%get3A_397, %get3A_398] {strides = array<i32>} : memref<128x64xf32, #tpu.memory_space<vmem>>, vector<16xf32>,
        %swap3A_400 = arith.index_cast %add3A_384 : i32 to index
        %swap3A_401 = arith.constant 32 : index
        %swap3A_402 = tpu.vector_load %arg15[%swap3A_400, %swap3A_401] {strides = array<i32>} : memref<128x64xf32, #tpu.memory_space<vmem>>, vector<16xf32>,
        tpu.vector_store %arg15[%swap3A_400, %swap3A_401], %get3A_399 {add = true, strides = array<i32>} : memref<128x64xf32, #tpu.memory_space<vmem>>, vector<16xf32>,
        %get3A_403 = arith.index_cast %add3A_384 : i32 to index
        %get3A_404 = arith.constant 48 : index
        %get3A_405 = tpu.vector_load %arg13[%get3A_403, %get3A_404] {strides = array<i32>} : memref<128x64xf32, #tpu.memory_space<vmem>>, vector<16xf32>,
        %swap3A_406 = arith.index_cast %add3A_384 : i32 to index
        %swap3A_407 = arith.constant 48 : index
        %swap3A_408 = tpu.vector_load %arg15[%swap3A_406, %swap3A_407] {strides = array<i32>} : memref<128x64xf32, #tpu.memory_space<vmem>>, vector<16xf32>,
        tpu.vector_store %arg15[%swap3A_406, %swap3A_407], %get3A_405 {add = true, strides = array<i32>} : memref<128x64xf32, #tpu.memory_space<vmem>>, vector<16xf32>,
      }
      %scan3A_297 = arith.constant 32 : i32
    }
    %scan3A_98 = arith.constant 25 : i32
    %iota3A = tpu.iota {dimensions = array<i32: 0>} : vector<16xi32>
    %scan3A_99 = arith.constant 0 : i32
    %scan3A_100 = arith.constant 0 : i32
    %scan3A_101 = arith.constant 8 : i32
    %scan3A_102 = arith.addi %scan3A_100, %scan3A_101 : i32
    %scan3A_103 = arith.constant 1 : i32
    scf.for %scan3A_105 = %scan3A_100 to %scan3A_102 step %scan3A_103  : i32 {
      %mul3A_106 = arith.constant 16 : i32
      %mul3A_107 = arith.muli %scan3A_105, %mul3A_106 : i32
      %add3A_108 = arith.constant 0 : i32
      %add3A_109 = arith.addi %mul3A_107, %add3A_108 : i32
      %get3A = arith.index_cast %add3A_109 : i32 to index
      %get3A_110 = arith.constant 0 : index
      %get3A_111 = tpu.vector_load %arg14[%get3A, %get3A_110] {strides = array<i32>} : memref<128x64xf32, #tpu.memory_space<vmem>>, vector<16xf32>,
      %get3A_112 = arith.index_cast %add3A_109 : i32 to index
      %get3A_113 = arith.constant 16 : index
      %get3A_114 = tpu.vector_load %arg14[%get3A_112, %get3A_113] {strides = array<i32>} : memref<128x64xf32, #tpu.memory_space<vmem>>, vector<16xf32>,
      %get3A_115 = arith.index_cast %add3A_109 : i32 to index
      %get3A_116 = arith.constant 32 : index
      %get3A_117 = tpu.vector_load %arg14[%get3A_115, %get3A_116] {strides = array<i32>} : memref<128x64xf32, #tpu.memory_space<vmem>>, vector<16xf32>,
      %get3A_118 = arith.index_cast %add3A_109 : i32 to index
      %get3A_119 = arith.constant 48 : index
      %get3A_120 = tpu.vector_load %arg14[%get3A_118, %get3A_119] {strides = array<i32>} : memref<128x64xf32, #tpu.memory_space<vmem>>, vector<16xf32>,
      %get3A_121 = arith.index_cast %add3A_109 : i32 to index
      %get3A_122 = arith.constant 0 : index
      %get3A_123 = tpu.vector_load %arg15[%get3A_121, %get3A_122] {strides = array<i32>} : memref<128x64xf32, #tpu.memory_space<vmem>>, vector<16xf32>,
      %get3A_124 = arith.index_cast %add3A_109 : i32 to index
      %get3A_125 = arith.constant 16 : index
      %get3A_126 = tpu.vector_load %arg15[%get3A_124, %get3A_125] {strides = array<i32>} : memref<128x64xf32, #tpu.memory_space<vmem>>, vector<16xf32>,
      %get3A_127 = arith.index_cast %add3A_109 : i32 to index
      %get3A_128 = arith.constant 32 : index
      %get3A_129 = tpu.vector_load %arg15[%get3A_127, %get3A_128] {strides = array<i32>} : memref<128x64xf32, #tpu.memory_space<vmem>>, vector<16xf32>,
      %get3A_130 = arith.index_cast %add3A_109 : i32 to index
      %get3A_131 = arith.constant 48 : index
      %get3A_132 = tpu.vector_load %arg15[%get3A_130, %get3A_131] {strides = array<i32>} : memref<128x64xf32, #tpu.memory_space<vmem>>, vector<16xf32>,
      %mul3A_133 = arith.mulf %get3A_111, %get3A_123 : vector<16xf32>
      %mul3A_134 = arith.mulf %get3A_114, %get3A_126 : vector<16xf32>
      %add3A_135 = arith.addf %mul3A_133, %mul3A_134 : vector<16xf32>
      %mul3A_136 = arith.mulf %get3A_117, %get3A_129 : vector<16xf32>
      %add3A_137 = arith.addf %add3A_135, %mul3A_136 : vector<16xf32>
      %mul3A_138 = arith.mulf %get3A_120, %get3A_132 : vector<16xf32>
      %add3A_139 = arith.addf %add3A_137, %mul3A_138 : vector<16xf32>
      %mul3A_140 = arith.mulf %get3A_111, %get3A_111 : vector<16xf32>
      %mul3A_141 = arith.mulf %get3A_114, %get3A_114 : vector<16xf32>
      %add3A_142 = arith.addf %mul3A_140, %mul3A_141 : vector<16xf32>
      %mul3A_143 = arith.mulf %get3A_117, %get3A_117 : vector<16xf32>
      %add3A_144 = arith.addf %add3A_142, %mul3A_143 : vector<16xf32>
      %mul3A_145 = arith.mulf %get3A_120, %get3A_120 : vector<16xf32>
      %add3A_146 = arith.addf %add3A_144, %mul3A_145 : vector<16xf32>
      %mul3A_147 = arith.mulf %get3A_123, %get3A_123 : vector<16xf32>
      %mul3A_148 = arith.mulf %get3A_126, %get3A_126 : vector<16xf32>
      %add3A_149 = arith.addf %mul3A_147, %mul3A_148 : vector<16xf32>
      %mul3A_150 = arith.mulf %get3A_129, %get3A_129 : vector<16xf32>
      %add3A_151 = arith.addf %add3A_149, %mul3A_150 : vector<16xf32>
      %mul3A_152 = arith.mulf %get3A_132, %get3A_132 : vector<16xf32>
      %add3A_153 = arith.addf %add3A_151, %mul3A_152 : vector<16xf32>
      %eq3A = arith.constant 0 : i32
      %eq3A_154 = vector.broadcast %eq3A : i32 to vector<16xi32>
      %eq3A_155 = arith.cmpi eq, %iota3A, %eq3A_154 : vector<16xi32>
      %reduce_sum3A = arith.constant true
      %reduce_sum3A_156 = vector.broadcast %reduce_sum3A : i1 to vector<16xi1>
      %reduce_sum3A_157 = tpu.scan <sum>, %add3A_139 masked %reduce_sum3A_156 : vector<16xf32>, vector<16xi1> -> vector<16xf32>
      %reduce_sum3A_158 = vector.extract %reduce_sum3A_157[15] : f32 from vector<16xf32>
      %broadcast_in_dim3A_159 = vector.broadcast %reduce_sum3A_158 : f32 to vector<16xf32>
      %select_n3A_160 = arith.select %eq3A_155, %broadcast_in_dim3A_159, %broadcast_in_dim3A_87 : vector<16xi1>, vector<16xf32>
      %reduce_sum3A_161 = arith.constant true
      %reduce_sum3A_162 = vector.broadcast %reduce_sum3A_161 : i1 to vector<16xi1>
      %reduce_sum3A_163 = tpu.scan <sum>, %add3A_146 masked %reduce_sum3A_162 : vector<16xf32>, vector<16xi1> -> vector<16xf32>
      %reduce_sum3A_164 = vector.extract %reduce_sum3A_163[15] : f32 from vector<16xf32>
      %broadcast_in_dim3A_165 = vector.broadcast %reduce_sum3A_164 : f32 to vector<16xf32>
      %select_n3A_166 = arith.select %eq3A_155, %broadcast_in_dim3A_165, %broadcast_in_dim3A_87 : vector<16xi1>, vector<16xf32>
      %reduce_sum3A_167 = arith.constant true
      %reduce_sum3A_168 = vector.broadcast %reduce_sum3A_167 : i1 to vector<16xi1>
      %reduce_sum3A_169 = tpu.scan <sum>, %add3A_153 masked %reduce_sum3A_168 : vector<16xf32>, vector<16xi1> -> vector<16xf32>
      %reduce_sum3A_170 = vector.extract %reduce_sum3A_169[15] : f32 from vector<16xf32>
      %broadcast_in_dim3A_171 = vector.broadcast %reduce_sum3A_170 : f32 to vector<16xf32>
      %select_n3A_172 = arith.select %eq3A_155, %broadcast_in_dim3A_171, %broadcast_in_dim3A_87 : vector<16xi1>, vector<16xf32>
      %mul3A_173 = arith.constant 16 : i32
      %mul3A_174 = arith.muli %scan3A_105, %mul3A_173 : i32
      %add3A_175 = arith.constant 1 : i32
      %add3A_176 = arith.addi %mul3A_174, %add3A_175 : i32
      %get3A_177 = arith.index_cast %add3A_176 : i32 to index
      %get3A_178 = arith.constant 0 : index
      %get3A_179 = tpu.vector_load %arg14[%get3A_177, %get3A_178] {strides = array<i32>} : memref<128x64xf32, #tpu.memory_space<vmem>>, vector<16xf32>,
      %get3A_180 = arith.index_cast %add3A_176 : i32 to index
      %get3A_181 = arith.constant 16 : index
      %get3A_182 = tpu.vector_load %arg14[%get3A_180, %get3A_181] {strides = array<i32>} : memref<128x64xf32, #tpu.memory_space<vmem>>, vector<16xf32>,
      %get3A_183 = arith.index_cast %add3A_176 : i32 to index
      %get3A_184 = arith.constant 32 : index
      %get3A_185 = tpu.vector_load %arg14[%get3A_183, %get3A_184] {strides = array<i32>} : memref<128x64xf32, #tpu.memory_space<vmem>>, vector<16xf32>,
      %get3A_186 = arith.index_cast %add3A_176 : i32 to index
      %get3A_187 = arith.constant 48 : index
      %get3A_188 = tpu.vector_load %arg14[%get3A_186, %get3A_187] {strides = array<i32>} : memref<128x64xf32, #tpu.memory_space<vmem>>, vector<16xf32>,
      %get3A_189 = arith.index_cast %add3A_176 : i32 to index
      %get3A_190 = arith.constant 0 : index
      %get3A_191 = tpu.vector_load %arg15[%get3A_189, %get3A_190] {strides = array<i32>} : memref<128x64xf32, #tpu.memory_space<vmem>>, vector<16xf32>,
      %get3A_192 = arith.index_cast %add3A_176 : i32 to index
      %get3A_193 = arith.constant 16 : index
      %get3A_194 = tpu.vector_load %arg15[%get3A_192, %get3A_193] {strides = array<i32>} : memref<128x64xf32, #tpu.memory_space<vmem>>, vector<16xf32>,
      %get3A_195 = arith.index_cast %add3A_176 : i32 to index
      %get3A_196 = arith.constant 32 : index
      %get3A_197 = tpu.vector_load %arg15[%get3A_195, %get3A_196] {strides = array<i32>} : memref<128x64xf32, #tpu.memory_space<vmem>>, vector<16xf32>,
      %get3A_198 = arith.index_cast %add3A_176 : i32 to index
      %get3A_199 = arith.constant 48 : index
      %get3A_200 = tpu.vector_load %arg15[%get3A_198, %get3A_199] {strides = array<i32>} : memref<128x64xf32, #tpu.memory_space<vmem>>, vector<16xf32>,
      %mul3A_201 = arith.mulf %get3A_179, %get3A_191 : vector<16xf32>
      %mul3A_202 = arith.mulf %get3A_182, %get3A_194 : vector<16xf32>
      %add3A_203 = arith.addf %mul3A_201, %mul3A_202 : vector<16xf32>
      %mul3A_204 = arith.mulf %get3A_185, %get3A_197 : vector<16xf32>
      %add3A_205 = arith.addf %add3A_203, %mul3A_204 : vector<16xf32>
      %mul3A_206 = arith.mulf %get3A_188, %get3A_200 : vector<16xf32>
      %add3A_207 = arith.addf %add3A_205, %mul3A_206 : vector<16xf32>
      %mul3A_208 = arith.mulf %get3A_179, %get3A_179 : vector<16xf32>
      %mul3A_209 = arith.mulf %get3A_182, %get3A_182 : vector<16xf32>
      %add3A_210 = arith.addf %mul3A_208, %mul3A_209 : vector<16xf32>
      %mul3A_211 = arith.mulf %get3A_185, %get3A_185 : vector<16xf32>
      %add3A_212 = arith.addf %add3A_210, %mul3A_211 : vector<16xf32>
      %mul3A_213 = arith.mulf %get3A_188, %get3A_188 : vector<16xf32>
      %add3A_214 = arith.addf %add3A_212, %mul3A_213 : vector<16xf32>
      %mul3A_215 = arith.mulf %get3A_191, %get3A_191 : vector<16xf32>
      %mul3A_216 = arith.mulf %get3A_194, %get3A_194 : vector<16xf32>
      %add3A_217 = arith.addf %mul3A_215, %mul3A_216 : vector<16xf32>
      %mul3A_218 = arith.mulf %get3A_197, %get3A_197 : vector<16xf32>
      %add3A_219 = arith.addf %add3A_217, %mul3A_218 : vector<16xf32>
      %mul3A_220 = arith.mulf %get3A_200, %get3A_200 : vector<16xf32>
      %add3A_221 = arith.addf %add3A_219, %mul3A_220 : vector<16xf32>
      %eq3A_222 = arith.constant 1 : i32
      %eq3A_223 = vector.broadcast %eq3A_222 : i32 to vector<16xi32>
      %eq3A_224 = arith.cmpi eq, %iota3A, %eq3A_223 : vector<16xi32>
      %reduce_sum3A_225 = arith.constant true
      %reduce_sum3A_226 = vector.broadcast %reduce_sum3A_225 : i1 to vector<16xi1>
      %reduce_sum3A_227 = tpu.scan <sum>, %add3A_207 masked %reduce_sum3A_226 : vector<16xf32>, vector<16xi1> -> vector<16xf32>
      %reduce_sum3A_228 = vector.extract %reduce_sum3A_227[15] : f32 from vector<16xf32>
      %broadcast_in_dim3A_229 = vector.broadcast %reduce_sum3A_228 : f32 to vector<16xf32>
      %select_n3A_230 = arith.select %eq3A_224, %broadcast_in_dim3A_229, %select_n3A_160 : vector<16xi1>, vector<16xf32>
      %reduce_sum3A_231 = arith.constant true
      %reduce_sum3A_232 = vector.broadcast %reduce_sum3A_231 : i1 to vector<16xi1>
      %reduce_sum3A_233 = tpu.scan <sum>, %add3A_214 masked %reduce_sum3A_232 : vector<16xf32>, vector<16xi1> -> vector<16xf32>
      %reduce_sum3A_234 = vector.extract %reduce_sum3A_233[15] : f32 from vector<16xf32>
      %broadcast_in_dim3A_235 = vector.broadcast %reduce_sum3A_234 : f32 to vector<16xf32>
      %select_n3A_236 = arith.select %eq3A_224, %broadcast_in_dim3A_235, %select_n3A_166 : vector<16xi1>, vector<16xf32>
      %reduce_sum3A_237 = arith.constant true
      %reduce_sum3A_238 = vector.broadcast %reduce_sum3A_237 : i1 to vector<16xi1>
      %reduce_sum3A_239 = tpu.scan <sum>, %add3A_221 masked %reduce_sum3A_238 : vector<16xf32>, vector<16xi1> -> vector<16xf32>
      %reduce_sum3A_240 = vector.extract %reduce_sum3A_239[15] : f32 from vector<16xf32>
      %broadcast_in_dim3A_241 = vector.broadcast %reduce_sum3A_240 : f32 to vector<16xf32>
      %select_n3A_242 = arith.select %eq3A_224, %broadcast_in_dim3A_241, %select_n3A_172 : vector<16xi1>, vector<16xf32>
      %mul3A_243 = arith.constant 16 : i32
      %mul3A_244 = arith.muli %scan3A_105, %mul3A_243 : i32
      %add3A_245 = arith.constant 2 : i32
      %add3A_246 = arith.addi %mul3A_244, %add3A_245 : i32
      %get3A_247 = arith.index_cast %add3A_246 : i32 to index
      %get3A_248 = arith.constant 0 : index
      %get3A_249 = tpu.vector_load %arg14[%get3A_247, %get3A_248] {strides = array<i32>} : memref<128x64xf32, #tpu.memory_space<vmem>>, vector<16xf32>,
      %get3A_250 = arith.index_cast %add3A_246 : i32 to index
      %get3A_251 = arith.constant 16 : index
      %get3A_252 = tpu.vector_load %arg14[%get3A_250, %get3A_251] {strides = array<i32>} : memref<128x64xf32, #tpu.memory_space<vmem>>, vector<16xf32>,
      %get3A_253 = arith.index_cast %add3A_246 : i32 to index
      %get3A_254 = arith.constant 32 : index
      %get3A_255 = tpu.vector_load %arg14[%get3A_253, %get3A_254] {strides = array<i32>} : memref<128x64xf32, #tpu.memory_space<vmem>>, vector<16xf32>,
      %get3A_256 = arith.index_cast %add3A_246 : i32 to index
      %get3A_257 = arith.constant 48 : index
      %get3A_258 = tpu.vector_load %arg14[%get3A_256, %get3A_257] {strides = array<i32>} : memref<128x64xf32, #tpu.memory_space<vmem>>, vector<16xf32>,
      %get3A_259 = arith.index_cast %add3A_246 : i32 to index
      %get3A_260 = arith.constant 0 : index
      %get3A_261 = tpu.vector_load %arg15[%get3A_259, %get3A_260] {strides = array<i32>} : memref<128x64xf32, #tpu.memory_space<vmem>>, vector<16xf32>,
      %get3A_262 = arith.index_cast %add3A_246 : i32 to index
      %get3A_263 = arith.constant 16 : index
      %get3A_264 = tpu.vector_load %arg15[%get3A_262, %get3A_263] {strides = array<i32>} : memref<128x64xf32, #tpu.memory_space<vmem>>, vector<16xf32>,
      %get3A_265 = arith.index_cast %add3A_246 : i32 to index
      %get3A_266 = arith.constant 32 : index
      %get3A_267 = tpu.vector_load %arg15[%get3A_265, %get3A_266] {strides = array<i32>} : memref<128x64xf32, #tpu.memory_space<vmem>>, vector<16xf32>,
      %get3A_268 = arith.index_cast %add3A_246 : i32 to index
      %get3A_269 = arith.constant 48 : index
      %get3A_270 = tpu.vector_load %arg15[%get3A_268, %get3A_269] {strides = array<i32>} : memref<128x64xf32, #tpu.memory_space<vmem>>, vector<16xf32>,
      %mul3A_271 = arith.mulf %get3A_249, %get3A_261 : vector<16xf32>
      %mul3A_272 = arith.mulf %get3A_252, %get3A_264 : vector<16xf32>
      %add3A_273 = arith.addf %mul3A_271, %mul3A_272 : vector<16xf32>
      %mul3A_274 = arith.mulf %get3A_255, %get3A_267 : vector<16xf32>
      %add3A_275 = arith.addf %add3A_273, %mul3A_274 : vector<16xf32>
      %mul3A_276 = arith.mulf %get3A_258, %get3A_270 : vector<16xf32>
      %add3A_277 = arith.addf %add3A_275, %mul3A_276 : vector<16xf32>
      %mul3A_278 = arith.mulf %get3A_249, %get3A_249 : vector<16xf32>
      %mul3A_279 = arith.mulf %get3A_252, %get3A_252 : vector<16xf32>
      %add3A_280 = arith.addf %mul3A_278, %mul3A_279 : vector<16xf32>
      %mul3A_281 = arith.mulf %get3A_255, %get3A_255 : vector<16xf32>
      %add3A_282 = arith.addf %add3A_280, %mul3A_281 : vector<16xf32>
      %mul3A_283 = arith.mulf %get3A_258, %get3A_258 : vector<16xf32>
      %add3A_284 = arith.addf %add3A_282, %mul3A_283 : vector<16xf32>
      %mul3A_285 = arith.mulf %get3A_261, %get3A_261 : vector<16xf32>
      %mul3A_286 = arith.mulf %get3A_264, %get3A_264 : vector<16xf32>
      %add3A_287 = arith.addf %mul3A_285, %mul3A_286 : vector<16xf32>
      %mul3A_288 = arith.mulf %get3A_267, %get3A_267 : vector<16xf32>
      %add3A_289 = arith.addf %add3A_287, %mul3A_288 : vector<16xf32>
      %mul3A_290 = arith.mulf %get3A_270, %get3A_270 : vector<16xf32>
      %add3A_291 = arith.addf %add3A_289, %mul3A_290 : vector<16xf32>
      %eq3A_292 = arith.constant 2 : i32
      %eq3A_293 = vector.broadcast %eq3A_292 : i32 to vector<16xi32>
      %eq3A_294 = arith.cmpi eq, %iota3A, %eq3A_293 : vector<16xi32>
      %reduce_sum3A_295 = arith.constant true
      %reduce_sum3A_296 = vector.broadcast %reduce_sum3A_295 : i1 to vector<16xi1>
      %reduce_sum3A_297 = tpu.scan <sum>, %add3A_277 masked %reduce_sum3A_296 : vector<16xf32>, vector<16xi1> -> vector<16xf32>
      %reduce_sum3A_298 = vector.extract %reduce_sum3A_297[15] : f32 from vector<16xf32>
      %broadcast_in_dim3A_299 = vector.broadcast %reduce_sum3A_298 : f32 to vector<16xf32>
      %select_n3A_300 = arith.select %eq3A_294, %broadcast_in_dim3A_299, %select_n3A_230 : vector<16xi1>, vector<16xf32>
      %reduce_sum3A_301 = arith.constant true
      %reduce_sum3A_302 = vector.broadcast %reduce_sum3A_301 : i1 to vector<16xi1>
      %reduce_sum3A_303 = tpu.scan <sum>, %add3A_284 masked %reduce_sum3A_302 : vector<16xf32>, vector<16xi1> -> vector<16xf32>
      %reduce_sum3A_304 = vector.extract %reduce_sum3A_303[15] : f32 from vector<16xf32>
      %broadcast_in_dim3A_305 = vector.broadcast %reduce_sum3A_304 : f32 to vector<16xf32>
      %select_n3A_306 = arith.select %eq3A_294, %broadcast_in_dim3A_305, %select_n3A_236 : vector<16xi1>, vector<16xf32>
      %reduce_sum3A_307 = arith.constant true
      %reduce_sum3A_308 = vector.broadcast %reduce_sum3A_307 : i1 to vector<16xi1>
      %reduce_sum3A_309 = tpu.scan <sum>, %add3A_291 masked %reduce_sum3A_308 : vector<16xf32>, vector<16xi1> -> vector<16xf32>
      %reduce_sum3A_310 = vector.extract %reduce_sum3A_309[15] : f32 from vector<16xf32>
      %broadcast_in_dim3A_311 = vector.broadcast %reduce_sum3A_310 : f32 to vector<16xf32>
      %select_n3A_312 = arith.select %eq3A_294, %broadcast_in_dim3A_311, %select_n3A_242 : vector<16xi1>, vector<16xf32>
      %mul3A_313 = arith.constant 16 : i32
      %mul3A_314 = arith.muli %scan3A_105, %mul3A_313 : i32
      %add3A_315 = arith.constant 3 : i32
      %add3A_316 = arith.addi %mul3A_314, %add3A_315 : i32
      %get3A_317 = arith.index_cast %add3A_316 : i32 to index
      %get3A_318 = arith.constant 0 : index
      %get3A_319 = tpu.vector_load %arg14[%get3A_317, %get3A_318] {strides = array<i32>} : memref<128x64xf32, #tpu.memory_space<vmem>>, vector<16xf32>,
      %get3A_320 = arith.index_cast %add3A_316 : i32 to index
      %get3A_321 = arith.constant 16 : index
      %get3A_322 = tpu.vector_load %arg14[%get3A_320, %get3A_321] {strides = array<i32>} : memref<128x64xf32, #tpu.memory_space<vmem>>, vector<16xf32>,
      %get3A_323 = arith.index_cast %add3A_316 : i32 to index
      %get3A_324 = arith.constant 32 : index
      %get3A_325 = tpu.vector_load %arg14[%get3A_323, %get3A_324] {strides = array<i32>} : memref<128x64xf32, #tpu.memory_space<vmem>>, vector<16xf32>,
      %get3A_326 = arith.index_cast %add3A_316 : i32 to index
      %get3A_327 = arith.constant 48 : index
      %get3A_328 = tpu.vector_load %arg14[%get3A_326, %get3A_327] {strides = array<i32>} : memref<128x64xf32, #tpu.memory_space<vmem>>, vector<16xf32>,
      %get3A_329 = arith.index_cast %add3A_316 : i32 to index
      %get3A_330 = arith.constant 0 : index
      %get3A_331 = tpu.vector_load %arg15[%get3A_329, %get3A_330] {strides = array<i32>} : memref<128x64xf32, #tpu.memory_space<vmem>>, vector<16xf32>,
      %get3A_332 = arith.index_cast %add3A_316 : i32 to index
      %get3A_333 = arith.constant 16 : index
      %get3A_334 = tpu.vector_load %arg15[%get3A_332, %get3A_333] {strides = array<i32>} : memref<128x64xf32, #tpu.memory_space<vmem>>, vector<16xf32>,
      %get3A_335 = arith.index_cast %add3A_316 : i32 to index
      %get3A_336 = arith.constant 32 : index
      %get3A_337 = tpu.vector_load %arg15[%get3A_335, %get3A_336] {strides = array<i32>} : memref<128x64xf32, #tpu.memory_space<vmem>>, vector<16xf32>,
      %get3A_338 = arith.index_cast %add3A_316 : i32 to index
      %get3A_339 = arith.constant 48 : index
      %get3A_340 = tpu.vector_load %arg15[%get3A_338, %get3A_339] {strides = array<i32>} : memref<128x64xf32, #tpu.memory_space<vmem>>, vector<16xf32>,
      %mul3A_341 = arith.mulf %get3A_319, %get3A_331 : vector<16xf32>
      %mul3A_342 = arith.mulf %get3A_322, %get3A_334 : vector<16xf32>
      %add3A_343 = arith.addf %mul3A_341, %mul3A_342 : vector<16xf32>
      %mul3A_344 = arith.mulf %get3A_325, %get3A_337 : vector<16xf32>
      %add3A_345 = arith.addf %add3A_343, %mul3A_344 : vector<16xf32>
      %mul3A_346 = arith.mulf %get3A_328, %get3A_340 : vector<16xf32>
      %add3A_347 = arith.addf %add3A_345, %mul3A_346 : vector<16xf32>
      %mul3A_348 = arith.mulf %get3A_319, %get3A_319 : vector<16xf32>
      %mul3A_349 = arith.mulf %get3A_322, %get3A_322 : vector<16xf32>
      %add3A_350 = arith.addf %mul3A_348, %mul3A_349 : vector<16xf32>
      %mul3A_351 = arith.mulf %get3A_325, %get3A_325 : vector<16xf32>
      %add3A_352 = arith.addf %add3A_350, %mul3A_351 : vector<16xf32>
      %mul3A_353 = arith.mulf %get3A_328, %get3A_328 : vector<16xf32>
      %add3A_354 = arith.addf %add3A_352, %mul3A_353 : vector<16xf32>
      %mul3A_355 = arith.mulf %get3A_331, %get3A_331 : vector<16xf32>
      %mul3A_356 = arith.mulf %get3A_334, %get3A_334 : vector<16xf32>
      %add3A_357 = arith.addf %mul3A_355, %mul3A_356 : vector<16xf32>
      %mul3A_358 = arith.mulf %get3A_337, %get3A_337 : vector<16xf32>
      %add3A_359 = arith.addf %add3A_357, %mul3A_358 : vector<16xf32>
      %mul3A_360 = arith.mulf %get3A_340, %get3A_340 : vector<16xf32>
      %add3A_361 = arith.addf %add3A_359, %mul3A_360 : vector<16xf32>
      %eq3A_362 = arith.constant 3 : i32
      %eq3A_363 = vector.broadcast %eq3A_362 : i32 to vector<16xi32>
      %eq3A_364 = arith.cmpi eq, %iota3A, %eq3A_363 : vector<16xi32>
      %reduce_sum3A_365 = arith.constant true
      %reduce_sum3A_366 = vector.broadcast %reduce_sum3A_365 : i1 to vector<16xi1>
      %reduce_sum3A_367 = tpu.scan <sum>, %add3A_347 masked %reduce_sum3A_366 : vector<16xf32>, vector<16xi1> -> vector<16xf32>
      %reduce_sum3A_368 = vector.extract %reduce_sum3A_367[15] : f32 from vector<16xf32>
      %broadcast_in_dim3A_369 = vector.broadcast %reduce_sum3A_368 : f32 to vector<16xf32>
      %select_n3A_370 = arith.select %eq3A_364, %broadcast_in_dim3A_369, %select_n3A_300 : vector<16xi1>, vector<16xf32>
      %reduce_sum3A_371 = arith.constant true
      %reduce_sum3A_372 = vector.broadcast %reduce_sum3A_371 : i1 to vector<16xi1>
      %reduce_sum3A_373 = tpu.scan <sum>, %add3A_354 masked %reduce_sum3A_372 : vector<16xf32>, vector<16xi1> -> vector<16xf32>
      %reduce_sum3A_374 = vector.extract %reduce_sum3A_373[15] : f32 from vector<16xf32>
      %broadcast_in_dim3A_375 = vector.broadcast %reduce_sum3A_374 : f32 to vector<16xf32>
      %select_n3A_376 = arith.select %eq3A_364, %broadcast_in_dim3A_375, %select_n3A_306 : vector<16xi1>, vector<16xf32>
      %reduce_sum3A_377 = arith.constant true
      %reduce_sum3A_378 = vector.broadcast %reduce_sum3A_377 : i1 to vector<16xi1>
      %reduce_sum3A_379 = tpu.scan <sum>, %add3A_361 masked %reduce_sum3A_378 : vector<16xf32>, vector<16xi1> -> vector<16xf32>
      %reduce_sum3A_380 = vector.extract %reduce_sum3A_379[15] : f32 from vector<16xf32>
      %broadcast_in_dim3A_381 = vector.broadcast %reduce_sum3A_380 : f32 to vector<16xf32>
      %select_n3A_382 = arith.select %eq3A_364, %broadcast_in_dim3A_381, %select_n3A_312 : vector<16xi1>, vector<16xf32>
      %mul3A_383 = arith.constant 16 : i32
      %mul3A_384 = arith.muli %scan3A_105, %mul3A_383 : i32
      %add3A_385 = arith.constant 4 : i32
      %add3A_386 = arith.addi %mul3A_384, %add3A_385 : i32
      %get3A_387 = arith.index_cast %add3A_386 : i32 to index
      %get3A_388 = arith.constant 0 : index
      %get3A_389 = tpu.vector_load %arg14[%get3A_387, %get3A_388] {strides = array<i32>} : memref<128x64xf32, #tpu.memory_space<vmem>>, vector<16xf32>,
      %get3A_390 = arith.index_cast %add3A_386 : i32 to index
      %get3A_391 = arith.constant 16 : index
      %get3A_392 = tpu.vector_load %arg14[%get3A_390, %get3A_391] {strides = array<i32>} : memref<128x64xf32, #tpu.memory_space<vmem>>, vector<16xf32>,
      %get3A_393 = arith.index_cast %add3A_386 : i32 to index
      %get3A_394 = arith.constant 32 : index
      %get3A_395 = tpu.vector_load %arg14[%get3A_393, %get3A_394] {strides = array<i32>} : memref<128x64xf32, #tpu.memory_space<vmem>>, vector<16xf32>,
      %get3A_396 = arith.index_cast %add3A_386 : i32 to index
      %get3A_397 = arith.constant 48 : index
      %get3A_398 = tpu.vector_load %arg14[%get3A_396, %get3A_397] {strides = array<i32>} : memref<128x64xf32, #tpu.memory_space<vmem>>, vector<16xf32>,
      %get3A_399 = arith.index_cast %add3A_386 : i32 to index
      %get3A_400 = arith.constant 0 : index
      %get3A_401 = tpu.vector_load %arg15[%get3A_399, %get3A_400] {strides = array<i32>} : memref<128x64xf32, #tpu.memory_space<vmem>>, vector<16xf32>,
      %get3A_402 = arith.index_cast %add3A_386 : i32 to index
      %get3A_403 = arith.constant 16 : index
      %get3A_404 = tpu.vector_load %arg15[%get3A_402, %get3A_403] {strides = array<i32>} : memref<128x64xf32, #tpu.memory_space<vmem>>, vector<16xf32>,
      %get3A_405 = arith.index_cast %add3A_386 : i32 to index
      %get3A_406 = arith.constant 32 : index
      %get3A_407 = tpu.vector_load %arg15[%get3A_405, %get3A_406] {strides = array<i32>} : memref<128x64xf32, #tpu.memory_space<vmem>>, vector<16xf32>,
      %get3A_408 = arith.index_cast %add3A_386 : i32 to index
      %get3A_409 = arith.constant 48 : index
      %get3A_410 = tpu.vector_load %arg15[%get3A_408, %get3A_409] {strides = array<i32>} : memref<128x64xf32, #tpu.memory_space<vmem>>, vector<16xf32>,
      %mul3A_411 = arith.mulf %get3A_389, %get3A_401 : vector<16xf32>
      %mul3A_412 = arith.mulf %get3A_392, %get3A_404 : vector<16xf32>
      %add3A_413 = arith.addf %mul3A_411, %mul3A_412 : vector<16xf32>
      %mul3A_414 = arith.mulf %get3A_395, %get3A_407 : vector<16xf32>
      %add3A_415 = arith.addf %add3A_413, %mul3A_414 : vector<16xf32>
      %mul3A_416 = arith.mulf %get3A_398, %get3A_410 : vector<16xf32>
      %add3A_417 = arith.addf %add3A_415, %mul3A_416 : vector<16xf32>
      %mul3A_418 = arith.mulf %get3A_389, %get3A_389 : vector<16xf32>
      %mul3A_419 = arith.mulf %get3A_392, %get3A_392 : vector<16xf32>
      %add3A_420 = arith.addf %mul3A_418, %mul3A_419 : vector<16xf32>
      %mul3A_421 = arith.mulf %get3A_395, %get3A_395 : vector<16xf32>
      %add3A_422 = arith.addf %add3A_420, %mul3A_421 : vector<16xf32>
      %mul3A_423 = arith.mulf %get3A_398, %get3A_398 : vector<16xf32>
      %add3A_424 = arith.addf %add3A_422, %mul3A_423 : vector<16xf32>
      %mul3A_425 = arith.mulf %get3A_401, %get3A_401 : vector<16xf32>
      %mul3A_426 = arith.mulf %get3A_404, %get3A_404 : vector<16xf32>
      %add3A_427 = arith.addf %mul3A_425, %mul3A_426 : vector<16xf32>
      %mul3A_428 = arith.mulf %get3A_407, %get3A_407 : vector<16xf32>
      %add3A_429 = arith.addf %add3A_427, %mul3A_428 : vector<16xf32>
      %mul3A_430 = arith.mulf %get3A_410, %get3A_410 : vector<16xf32>
      %add3A_431 = arith.addf %add3A_429, %mul3A_430 : vector<16xf32>
      %eq3A_432 = arith.constant 4 : i32
      %eq3A_433 = vector.broadcast %eq3A_432 : i32 to vector<16xi32>
      %eq3A_434 = arith.cmpi eq, %iota3A, %eq3A_433 : vector<16xi32>
      %reduce_sum3A_435 = arith.constant true
      %reduce_sum3A_436 = vector.broadcast %reduce_sum3A_435 : i1 to vector<16xi1>
      %reduce_sum3A_437 = tpu.scan <sum>, %add3A_417 masked %reduce_sum3A_436 : vector<16xf32>, vector<16xi1> -> vector<16xf32>
      %reduce_sum3A_438 = vector.extract %reduce_sum3A_437[15] : f32 from vector<16xf32>
      %broadcast_in_dim3A_439 = vector.broadcast %reduce_sum3A_438 : f32 to vector<16xf32>
      %select_n3A_440 = arith.select %eq3A_434, %broadcast_in_dim3A_439, %select_n3A_370 : vector<16xi1>, vector<16xf32>
      %reduce_sum3A_441 = arith.constant true
      %reduce_sum3A_442 = vector.broadcast %reduce_sum3A_441 : i1 to vector<16xi1>
      %reduce_sum3A_443 = tpu.scan <sum>, %add3A_424 masked %reduce_sum3A_442 : vector<16xf32>, vector<16xi1> -> vector<16xf32>
      %reduce_sum3A_444 = vector.extract %reduce_sum3A_443[15] : f32 from vector<16xf32>
      %broadcast_in_dim3A_445 = vector.broadcast %reduce_sum3A_444 : f32 to vector<16xf32>
      %select_n3A_446 = arith.select %eq3A_434, %broadcast_in_dim3A_445, %select_n3A_376 : vector<16xi1>, vector<16xf32>
      %reduce_sum3A_447 = arith.constant true
      %reduce_sum3A_448 = vector.broadcast %reduce_sum3A_447 : i1 to vector<16xi1>
      %reduce_sum3A_449 = tpu.scan <sum>, %add3A_431 masked %reduce_sum3A_448 : vector<16xf32>, vector<16xi1> -> vector<16xf32>
      %reduce_sum3A_450 = vector.extract %reduce_sum3A_449[15] : f32 from vector<16xf32>
      %broadcast_in_dim3A_451 = vector.broadcast %reduce_sum3A_450 : f32 to vector<16xf32>
      %select_n3A_452 = arith.select %eq3A_434, %broadcast_in_dim3A_451, %select_n3A_382 : vector<16xi1>, vector<16xf32>
      %mul3A_453 = arith.constant 16 : i32
      %mul3A_454 = arith.muli %scan3A_105, %mul3A_453 : i32
      %add3A_455 = arith.constant 5 : i32
      %add3A_456 = arith.addi %mul3A_454, %add3A_455 : i32
      %get3A_457 = arith.index_cast %add3A_456 : i32 to index
      %get3A_458 = arith.constant 0 : index
      %get3A_459 = tpu.vector_load %arg14[%get3A_457, %get3A_458] {strides = array<i32>} : memref<128x64xf32, #tpu.memory_space<vmem>>, vector<16xf32>,
      %get3A_460 = arith.index_cast %add3A_456 : i32 to index
      %get3A_461 = arith.constant 16 : index
      %get3A_462 = tpu.vector_load %arg14[%get3A_460, %get3A_461] {strides = array<i32>} : memref<128x64xf32, #tpu.memory_space<vmem>>, vector<16xf32>,
      %get3A_463 = arith.index_cast %add3A_456 : i32 to index
      %get3A_464 = arith.constant 32 : index
      %get3A_465 = tpu.vector_load %arg14[%get3A_463, %get3A_464] {strides = array<i32>} : memref<128x64xf32, #tpu.memory_space<vmem>>, vector<16xf32>,
      %get3A_466 = arith.index_cast %add3A_456 : i32 to index
      %get3A_467 = arith.constant 48 : index
      %get3A_468 = tpu.vector_load %arg14[%get3A_466, %get3A_467] {strides = array<i32>} : memref<128x64xf32, #tpu.memory_space<vmem>>, vector<16xf32>,
      %get3A_469 = arith.index_cast %add3A_456 : i32 to index
      %get3A_470 = arith.constant 0 : index
      %get3A_471 = tpu.vector_load %arg15[%get3A_469, %get3A_470] {strides = array<i32>} : memref<128x64xf32, #tpu.memory_space<vmem>>, vector<16xf32>,
      %get3A_472 = arith.index_cast %add3A_456 : i32 to index
      %get3A_473 = arith.constant 16 : index
      %get3A_474 = tpu.vector_load %arg15[%get3A_472, %get3A_473] {strides = array<i32>} : memref<128x64xf32, #tpu.memory_space<vmem>>, vector<16xf32>,
      %get3A_475 = arith.index_cast %add3A_456 : i32 to index
      %get3A_476 = arith.constant 32 : index
      %get3A_477 = tpu.vector_load %arg15[%get3A_475, %get3A_476] {strides = array<i32>} : memref<128x64xf32, #tpu.memory_space<vmem>>, vector<16xf32>,
      %get3A_478 = arith.index_cast %add3A_456 : i32 to index
      %get3A_479 = arith.constant 48 : index
      %get3A_480 = tpu.vector_load %arg15[%get3A_478, %get3A_479] {strides = array<i32>} : memref<128x64xf32, #tpu.memory_space<vmem>>, vector<16xf32>,
      %mul3A_481 = arith.mulf %get3A_459, %get3A_471 : vector<16xf32>
      %mul3A_482 = arith.mulf %get3A_462, %get3A_474 : vector<16xf32>
      %add3A_483 = arith.addf %mul3A_481, %mul3A_482 : vector<16xf32>
      %mul3A_484 = arith.mulf %get3A_465, %get3A_477 : vector<16xf32>
      %add3A_485 = arith.addf %add3A_483, %mul3A_484 : vector<16xf32>
      %mul3A_486 = arith.mulf %get3A_468, %get3A_480 : vector<16xf32>
      %add3A_487 = arith.addf %add3A_485, %mul3A_486 : vector<16xf32>
      %mul3A_488 = arith.mulf %get3A_459, %get3A_459 : vector<16xf32>
      %mul3A_489 = arith.mulf %get3A_462, %get3A_462 : vector<16xf32>
      %add3A_490 = arith.addf %mul3A_488, %mul3A_489 : vector<16xf32>
      %mul3A_491 = arith.mulf %get3A_465, %get3A_465 : vector<16xf32>
      %add3A_492 = arith.addf %add3A_490, %mul3A_491 : vector<16xf32>
      %mul3A_493 = arith.mulf %get3A_468, %get3A_468 : vector<16xf32>
      %add3A_494 = arith.addf %add3A_492, %mul3A_493 : vector<16xf32>
      %mul3A_495 = arith.mulf %get3A_471, %get3A_471 : vector<16xf32>
      %mul3A_496 = arith.mulf %get3A_474, %get3A_474 : vector<16xf32>
      %add3A_497 = arith.addf %mul3A_495, %mul3A_496 : vector<16xf32>
      %mul3A_498 = arith.mulf %get3A_477, %get3A_477 : vector<16xf32>
      %add3A_499 = arith.addf %add3A_497, %mul3A_498 : vector<16xf32>
      %mul3A_500 = arith.mulf %get3A_480, %get3A_480 : vector<16xf32>
      %add3A_501 = arith.addf %add3A_499, %mul3A_500 : vector<16xf32>
      %eq3A_502 = arith.constant 5 : i32
      %eq3A_503 = vector.broadcast %eq3A_502 : i32 to vector<16xi32>
      %eq3A_504 = arith.cmpi eq, %iota3A, %eq3A_503 : vector<16xi32>
      %reduce_sum3A_505 = arith.constant true
      %reduce_sum3A_506 = vector.broadcast %reduce_sum3A_505 : i1 to vector<16xi1>
      %reduce_sum3A_507 = tpu.scan <sum>, %add3A_487 masked %reduce_sum3A_506 : vector<16xf32>, vector<16xi1> -> vector<16xf32>
      %reduce_sum3A_508 = vector.extract %reduce_sum3A_507[15] : f32 from vector<16xf32>
      %broadcast_in_dim3A_509 = vector.broadcast %reduce_sum3A_508 : f32 to vector<16xf32>
      %select_n3A_510 = arith.select %eq3A_504, %broadcast_in_dim3A_509, %select_n3A_440 : vector<16xi1>, vector<16xf32>
      %reduce_sum3A_511 = arith.constant true
      %reduce_sum3A_512 = vector.broadcast %reduce_sum3A_511 : i1 to vector<16xi1>
      %reduce_sum3A_513 = tpu.scan <sum>, %add3A_494 masked %reduce_sum3A_512 : vector<16xf32>, vector<16xi1> -> vector<16xf32>
      %reduce_sum3A_514 = vector.extract %reduce_sum3A_513[15] : f32 from vector<16xf32>
      %broadcast_in_dim3A_515 = vector.broadcast %reduce_sum3A_514 : f32 to vector<16xf32>
      %select_n3A_516 = arith.select %eq3A_504, %broadcast_in_dim3A_515, %select_n3A_446 : vector<16xi1>, vector<16xf32>
      %reduce_sum3A_517 = arith.constant true
      %reduce_sum3A_518 = vector.broadcast %reduce_sum3A_517 : i1 to vector<16xi1>
      %reduce_sum3A_519 = tpu.scan <sum>, %add3A_501 masked %reduce_sum3A_518 : vector<16xf32>, vector<16xi1> -> vector<16xf32>
      %reduce_sum3A_520 = vector.extract %reduce_sum3A_519[15] : f32 from vector<16xf32>
      %broadcast_in_dim3A_521 = vector.broadcast %reduce_sum3A_520 : f32 to vector<16xf32>
      %select_n3A_522 = arith.select %eq3A_504, %broadcast_in_dim3A_521, %select_n3A_452 : vector<16xi1>, vector<16xf32>
      %mul3A_523 = arith.constant 16 : i32
      %mul3A_524 = arith.muli %scan3A_105, %mul3A_523 : i32
      %add3A_525 = arith.constant 6 : i32
      %add3A_526 = arith.addi %mul3A_524, %add3A_525 : i32
      %get3A_527 = arith.index_cast %add3A_526 : i32 to index
      %get3A_528 = arith.constant 0 : index
      %get3A_529 = tpu.vector_load %arg14[%get3A_527, %get3A_528] {strides = array<i32>} : memref<128x64xf32, #tpu.memory_space<vmem>>, vector<16xf32>,
      %get3A_530 = arith.index_cast %add3A_526 : i32 to index
      %get3A_531 = arith.constant 16 : index
      %get3A_532 = tpu.vector_load %arg14[%get3A_530, %get3A_531] {strides = array<i32>} : memref<128x64xf32, #tpu.memory_space<vmem>>, vector<16xf32>,
      %get3A_533 = arith.index_cast %add3A_526 : i32 to index
      %get3A_534 = arith.constant 32 : index
      %get3A_535 = tpu.vector_load %arg14[%get3A_533, %get3A_534] {strides = array<i32>} : memref<128x64xf32, #tpu.memory_space<vmem>>, vector<16xf32>,
      %get3A_536 = arith.index_cast %add3A_526 : i32 to index
      %get3A_537 = arith.constant 48 : index
      %get3A_538 = tpu.vector_load %arg14[%get3A_536, %get3A_537] {strides = array<i32>} : memref<128x64xf32, #tpu.memory_space<vmem>>, vector<16xf32>,
      %get3A_539 = arith.index_cast %add3A_526 : i32 to index
      %get3A_540 = arith.constant 0 : index
      %get3A_541 = tpu.vector_load %arg15[%get3A_539, %get3A_540] {strides = array<i32>} : memref<128x64xf32, #tpu.memory_space<vmem>>, vector<16xf32>,
      %get3A_542 = arith.index_cast %add3A_526 : i32 to index
      %get3A_543 = arith.constant 16 : index
      %get3A_544 = tpu.vector_load %arg15[%get3A_542, %get3A_543] {strides = array<i32>} : memref<128x64xf32, #tpu.memory_space<vmem>>, vector<16xf32>,
      %get3A_545 = arith.index_cast %add3A_526 : i32 to index
      %get3A_546 = arith.constant 32 : index
      %get3A_547 = tpu.vector_load %arg15[%get3A_545, %get3A_546] {strides = array<i32>} : memref<128x64xf32, #tpu.memory_space<vmem>>, vector<16xf32>,
      %get3A_548 = arith.index_cast %add3A_526 : i32 to index
      %get3A_549 = arith.constant 48 : index
      %get3A_550 = tpu.vector_load %arg15[%get3A_548, %get3A_549] {strides = array<i32>} : memref<128x64xf32, #tpu.memory_space<vmem>>, vector<16xf32>,
      %mul3A_551 = arith.mulf %get3A_529, %get3A_541 : vector<16xf32>
      %mul3A_552 = arith.mulf %get3A_532, %get3A_544 : vector<16xf32>
      %add3A_553 = arith.addf %mul3A_551, %mul3A_552 : vector<16xf32>
      %mul3A_554 = arith.mulf %get3A_535, %get3A_547 : vector<16xf32>
      %add3A_555 = arith.addf %add3A_553, %mul3A_554 : vector<16xf32>
      %mul3A_556 = arith.mulf %get3A_538, %get3A_550 : vector<16xf32>
      %add3A_557 = arith.addf %add3A_555, %mul3A_556 : vector<16xf32>
      %mul3A_558 = arith.mulf %get3A_529, %get3A_529 : vector<16xf32>
      %mul3A_559 = arith.mulf %get3A_532, %get3A_532 : vector<16xf32>
      %add3A_560 = arith.addf %mul3A_558, %mul3A_559 : vector<16xf32>
      %mul3A_561 = arith.mulf %get3A_535, %get3A_535 : vector<16xf32>
      %add3A_562 = arith.addf %add3A_560, %mul3A_561 : vector<16xf32>
      %mul3A_563 = arith.mulf %get3A_538, %get3A_538 : vector<16xf32>
      %add3A_564 = arith.addf %add3A_562, %mul3A_563 : vector<16xf32>
      %mul3A_565 = arith.mulf %get3A_541, %get3A_541 : vector<16xf32>
      %mul3A_566 = arith.mulf %get3A_544, %get3A_544 : vector<16xf32>
      %add3A_567 = arith.addf %mul3A_565, %mul3A_566 : vector<16xf32>
      %mul3A_568 = arith.mulf %get3A_547, %get3A_547 : vector<16xf32>
      %add3A_569 = arith.addf %add3A_567, %mul3A_568 : vector<16xf32>
      %mul3A_570 = arith.mulf %get3A_550, %get3A_550 : vector<16xf32>
      %add3A_571 = arith.addf %add3A_569, %mul3A_570 : vector<16xf32>
      %eq3A_572 = arith.constant 6 : i32
      %eq3A_573 = vector.broadcast %eq3A_572 : i32 to vector<16xi32>
      %eq3A_574 = arith.cmpi eq, %iota3A, %eq3A_573 : vector<16xi32>
      %reduce_sum3A_575 = arith.constant true
      %reduce_sum3A_576 = vector.broadcast %reduce_sum3A_575 : i1 to vector<16xi1>
      %reduce_sum3A_577 = tpu.scan <sum>, %add3A_557 masked %reduce_sum3A_576 : vector<16xf32>, vector<16xi1> -> vector<16xf32>
      %reduce_sum3A_578 = vector.extract %reduce_sum3A_577[15] : f32 from vector<16xf32>
      %broadcast_in_dim3A_579 = vector.broadcast %reduce_sum3A_578 : f32 to vector<16xf32>
      %select_n3A_580 = arith.select %eq3A_574, %broadcast_in_dim3A_579, %select_n3A_510 : vector<16xi1>, vector<16xf32>
      %reduce_sum3A_581 = arith.constant true
      %reduce_sum3A_582 = vector.broadcast %reduce_sum3A_581 : i1 to vector<16xi1>
      %reduce_sum3A_583 = tpu.scan <sum>, %add3A_564 masked %reduce_sum3A_582 : vector<16xf32>, vector<16xi1> -> vector<16xf32>
      %reduce_sum3A_584 = vector.extract %reduce_sum3A_583[15] : f32 from vector<16xf32>
      %broadcast_in_dim3A_585 = vector.broadcast %reduce_sum3A_584 : f32 to vector<16xf32>
      %select_n3A_586 = arith.select %eq3A_574, %broadcast_in_dim3A_585, %select_n3A_516 : vector<16xi1>, vector<16xf32>
      %reduce_sum3A_587 = arith.constant true
      %reduce_sum3A_588 = vector.broadcast %reduce_sum3A_587 : i1 to vector<16xi1>
      %reduce_sum3A_589 = tpu.scan <sum>, %add3A_571 masked %reduce_sum3A_588 : vector<16xf32>, vector<16xi1> -> vector<16xf32>
      %reduce_sum3A_590 = vector.extract %reduce_sum3A_589[15] : f32 from vector<16xf32>
      %broadcast_in_dim3A_591 = vector.broadcast %reduce_sum3A_590 : f32 to vector<16xf32>
      %select_n3A_592 = arith.select %eq3A_574, %broadcast_in_dim3A_591, %select_n3A_522 : vector<16xi1>, vector<16xf32>
      %mul3A_593 = arith.constant 16 : i32
      %mul3A_594 = arith.muli %scan3A_105, %mul3A_593 : i32
      %add3A_595 = arith.constant 7 : i32
      %add3A_596 = arith.addi %mul3A_594, %add3A_595 : i32
      %get3A_597 = arith.index_cast %add3A_596 : i32 to index
      %get3A_598 = arith.constant 0 : index
      %get3A_599 = tpu.vector_load %arg14[%get3A_597, %get3A_598] {strides = array<i32>} : memref<128x64xf32, #tpu.memory_space<vmem>>, vector<16xf32>,
      %get3A_600 = arith.index_cast %add3A_596 : i32 to index
      %get3A_601 = arith.constant 16 : index
      %get3A_602 = tpu.vector_load %arg14[%get3A_600, %get3A_601] {strides = array<i32>} : memref<128x64xf32, #tpu.memory_space<vmem>>, vector<16xf32>,
      %get3A_603 = arith.index_cast %add3A_596 : i32 to index
      %get3A_604 = arith.constant 32 : index
      %get3A_605 = tpu.vector_load %arg14[%get3A_603, %get3A_604] {strides = array<i32>} : memref<128x64xf32, #tpu.memory_space<vmem>>, vector<16xf32>,
      %get3A_606 = arith.index_cast %add3A_596 : i32 to index
      %get3A_607 = arith.constant 48 : index
      %get3A_608 = tpu.vector_load %arg14[%get3A_606, %get3A_607] {strides = array<i32>} : memref<128x64xf32, #tpu.memory_space<vmem>>, vector<16xf32>,
      %get3A_609 = arith.index_cast %add3A_596 : i32 to index
      %get3A_610 = arith.constant 0 : index
      %get3A_611 = tpu.vector_load %arg15[%get3A_609, %get3A_610] {strides = array<i32>} : memref<128x64xf32, #tpu.memory_space<vmem>>, vector<16xf32>,
      %get3A_612 = arith.index_cast %add3A_596 : i32 to index
      %get3A_613 = arith.constant 16 : index
      %get3A_614 = tpu.vector_load %arg15[%get3A_612, %get3A_613] {strides = array<i32>} : memref<128x64xf32, #tpu.memory_space<vmem>>, vector<16xf32>,
      %get3A_615 = arith.index_cast %add3A_596 : i32 to index
      %get3A_616 = arith.constant 32 : index
      %get3A_617 = tpu.vector_load %arg15[%get3A_615, %get3A_616] {strides = array<i32>} : memref<128x64xf32, #tpu.memory_space<vmem>>, vector<16xf32>,
      %get3A_618 = arith.index_cast %add3A_596 : i32 to index
      %get3A_619 = arith.constant 48 : index
      %get3A_620 = tpu.vector_load %arg15[%get3A_618, %get3A_619] {strides = array<i32>} : memref<128x64xf32, #tpu.memory_space<vmem>>, vector<16xf32>,
      %mul3A_621 = arith.mulf %get3A_599, %get3A_611 : vector<16xf32>
      %mul3A_622 = arith.mulf %get3A_602, %get3A_614 : vector<16xf32>
      %add3A_623 = arith.addf %mul3A_621, %mul3A_622 : vector<16xf32>
      %mul3A_624 = arith.mulf %get3A_605, %get3A_617 : vector<16xf32>
      %add3A_625 = arith.addf %add3A_623, %mul3A_624 : vector<16xf32>
      %mul3A_626 = arith.mulf %get3A_608, %get3A_620 : vector<16xf32>
      %add3A_627 = arith.addf %add3A_625, %mul3A_626 : vector<16xf32>
      %mul3A_628 = arith.mulf %get3A_599, %get3A_599 : vector<16xf32>
      %mul3A_629 = arith.mulf %get3A_602, %get3A_602 : vector<16xf32>
      %add3A_630 = arith.addf %mul3A_628, %mul3A_629 : vector<16xf32>
      %mul3A_631 = arith.mulf %get3A_605, %get3A_605 : vector<16xf32>
      %add3A_632 = arith.addf %add3A_630, %mul3A_631 : vector<16xf32>
      %mul3A_633 = arith.mulf %get3A_608, %get3A_608 : vector<16xf32>
      %add3A_634 = arith.addf %add3A_632, %mul3A_633 : vector<16xf32>
      %mul3A_635 = arith.mulf %get3A_611, %get3A_611 : vector<16xf32>
      %mul3A_636 = arith.mulf %get3A_614, %get3A_614 : vector<16xf32>
      %add3A_637 = arith.addf %mul3A_635, %mul3A_636 : vector<16xf32>
      %mul3A_638 = arith.mulf %get3A_617, %get3A_617 : vector<16xf32>
      %add3A_639 = arith.addf %add3A_637, %mul3A_638 : vector<16xf32>
      %mul3A_640 = arith.mulf %get3A_620, %get3A_620 : vector<16xf32>
      %add3A_641 = arith.addf %add3A_639, %mul3A_640 : vector<16xf32>
      %eq3A_642 = arith.constant 7 : i32
      %eq3A_643 = vector.broadcast %eq3A_642 : i32 to vector<16xi32>
      %eq3A_644 = arith.cmpi eq, %iota3A, %eq3A_643 : vector<16xi32>
      %reduce_sum3A_645 = arith.constant true
      %reduce_sum3A_646 = vector.broadcast %reduce_sum3A_645 : i1 to vector<16xi1>
      %reduce_sum3A_647 = tpu.scan <sum>, %add3A_627 masked %reduce_sum3A_646 : vector<16xf32>, vector<16xi1> -> vector<16xf32>
      %reduce_sum3A_648 = vector.extract %reduce_sum3A_647[15] : f32 from vector<16xf32>
      %broadcast_in_dim3A_649 = vector.broadcast %reduce_sum3A_648 : f32 to vector<16xf32>
      %select_n3A_650 = arith.select %eq3A_644, %broadcast_in_dim3A_649, %select_n3A_580 : vector<16xi1>, vector<16xf32>
      %reduce_sum3A_651 = arith.constant true
      %reduce_sum3A_652 = vector.broadcast %reduce_sum3A_651 : i1 to vector<16xi1>
      %reduce_sum3A_653 = tpu.scan <sum>, %add3A_634 masked %reduce_sum3A_652 : vector<16xf32>, vector<16xi1> -> vector<16xf32>
      %reduce_sum3A_654 = vector.extract %reduce_sum3A_653[15] : f32 from vector<16xf32>
      %broadcast_in_dim3A_655 = vector.broadcast %reduce_sum3A_654 : f32 to vector<16xf32>
      %select_n3A_656 = arith.select %eq3A_644, %broadcast_in_dim3A_655, %select_n3A_586 : vector<16xi1>, vector<16xf32>
      %reduce_sum3A_657 = arith.constant true
      %reduce_sum3A_658 = vector.broadcast %reduce_sum3A_657 : i1 to vector<16xi1>
      %reduce_sum3A_659 = tpu.scan <sum>, %add3A_641 masked %reduce_sum3A_658 : vector<16xf32>, vector<16xi1> -> vector<16xf32>
      %reduce_sum3A_660 = vector.extract %reduce_sum3A_659[15] : f32 from vector<16xf32>
      %broadcast_in_dim3A_661 = vector.broadcast %reduce_sum3A_660 : f32 to vector<16xf32>
      %select_n3A_662 = arith.select %eq3A_644, %broadcast_in_dim3A_661, %select_n3A_592 : vector<16xi1>, vector<16xf32>
      %mul3A_663 = arith.constant 16 : i32
      %mul3A_664 = arith.muli %scan3A_105, %mul3A_663 : i32
      %add3A_665 = arith.constant 8 : i32
      %add3A_666 = arith.addi %mul3A_664, %add3A_665 : i32
      %get3A_667 = arith.index_cast %add3A_666 : i32 to index
      %get3A_668 = arith.constant 0 : index
      %get3A_669 = tpu.vector_load %arg14[%get3A_667, %get3A_668] {strides = array<i32>} : memref<128x64xf32, #tpu.memory_space<vmem>>, vector<16xf32>,
      %get3A_670 = arith.index_cast %add3A_666 : i32 to index
      %get3A_671 = arith.constant 16 : index
      %get3A_672 = tpu.vector_load %arg14[%get3A_670, %get3A_671] {strides = array<i32>} : memref<128x64xf32, #tpu.memory_space<vmem>>, vector<16xf32>,
      %get3A_673 = arith.index_cast %add3A_666 : i32 to index
      %get3A_674 = arith.constant 32 : index
      %get3A_675 = tpu.vector_load %arg14[%get3A_673, %get3A_674] {strides = array<i32>} : memref<128x64xf32, #tpu.memory_space<vmem>>, vector<16xf32>,
      %get3A_676 = arith.index_cast %add3A_666 : i32 to index
      %get3A_677 = arith.constant 48 : index
      %get3A_678 = tpu.vector_load %arg14[%get3A_676, %get3A_677] {strides = array<i32>} : memref<128x64xf32, #tpu.memory_space<vmem>>, vector<16xf32>,
      %get3A_679 = arith.index_cast %add3A_666 : i32 to index
      %get3A_680 = arith.constant 0 : index
      %get3A_681 = tpu.vector_load %arg15[%get3A_679, %get3A_680] {strides = array<i32>} : memref<128x64xf32, #tpu.memory_space<vmem>>, vector<16xf32>,
      %get3A_682 = arith.index_cast %add3A_666 : i32 to index
      %get3A_683 = arith.constant 16 : index
      %get3A_684 = tpu.vector_load %arg15[%get3A_682, %get3A_683] {strides = array<i32>} : memref<128x64xf32, #tpu.memory_space<vmem>>, vector<16xf32>,
      %get3A_685 = arith.index_cast %add3A_666 : i32 to index
      %get3A_686 = arith.constant 32 : index
      %get3A_687 = tpu.vector_load %arg15[%get3A_685, %get3A_686] {strides = array<i32>} : memref<128x64xf32, #tpu.memory_space<vmem>>, vector<16xf32>,
      %get3A_688 = arith.index_cast %add3A_666 : i32 to index
      %get3A_689 = arith.constant 48 : index
      %get3A_690 = tpu.vector_load %arg15[%get3A_688, %get3A_689] {strides = array<i32>} : memref<128x64xf32, #tpu.memory_space<vmem>>, vector<16xf32>,
      %mul3A_691 = arith.mulf %get3A_669, %get3A_681 : vector<16xf32>
      %mul3A_692 = arith.mulf %get3A_672, %get3A_684 : vector<16xf32>
      %add3A_693 = arith.addf %mul3A_691, %mul3A_692 : vector<16xf32>
      %mul3A_694 = arith.mulf %get3A_675, %get3A_687 : vector<16xf32>
      %add3A_695 = arith.addf %add3A_693, %mul3A_694 : vector<16xf32>
      %mul3A_696 = arith.mulf %get3A_678, %get3A_690 : vector<16xf32>
      %add3A_697 = arith.addf %add3A_695, %mul3A_696 : vector<16xf32>
      %mul3A_698 = arith.mulf %get3A_669, %get3A_669 : vector<16xf32>
      %mul3A_699 = arith.mulf %get3A_672, %get3A_672 : vector<16xf32>
      %add3A_700 = arith.addf %mul3A_698, %mul3A_699 : vector<16xf32>
      %mul3A_701 = arith.mulf %get3A_675, %get3A_675 : vector<16xf32>
      %add3A_702 = arith.addf %add3A_700, %mul3A_701 : vector<16xf32>
      %mul3A_703 = arith.mulf %get3A_678, %get3A_678 : vector<16xf32>
      %add3A_704 = arith.addf %add3A_702, %mul3A_703 : vector<16xf32>
      %mul3A_705 = arith.mulf %get3A_681, %get3A_681 : vector<16xf32>
      %mul3A_706 = arith.mulf %get3A_684, %get3A_684 : vector<16xf32>
      %add3A_707 = arith.addf %mul3A_705, %mul3A_706 : vector<16xf32>
      %mul3A_708 = arith.mulf %get3A_687, %get3A_687 : vector<16xf32>
      %add3A_709 = arith.addf %add3A_707, %mul3A_708 : vector<16xf32>
      %mul3A_710 = arith.mulf %get3A_690, %get3A_690 : vector<16xf32>
      %add3A_711 = arith.addf %add3A_709, %mul3A_710 : vector<16xf32>
      %eq3A_712 = arith.constant 8 : i32
      %eq3A_713 = vector.broadcast %eq3A_712 : i32 to vector<16xi32>
      %eq3A_714 = arith.cmpi eq, %iota3A, %eq3A_713 : vector<16xi32>
      %reduce_sum3A_715 = arith.constant true
      %reduce_sum3A_716 = vector.broadcast %reduce_sum3A_715 : i1 to vector<16xi1>
      %reduce_sum3A_717 = tpu.scan <sum>, %add3A_697 masked %reduce_sum3A_716 : vector<16xf32>, vector<16xi1> -> vector<16xf32>
      %reduce_sum3A_718 = vector.extract %reduce_sum3A_717[15] : f32 from vector<16xf32>
      %broadcast_in_dim3A_719 = vector.broadcast %reduce_sum3A_718 : f32 to vector<16xf32>
      %select_n3A_720 = arith.select %eq3A_714, %broadcast_in_dim3A_719, %select_n3A_650 : vector<16xi1>, vector<16xf32>
      %reduce_sum3A_721 = arith.constant true
      %reduce_sum3A_722 = vector.broadcast %reduce_sum3A_721 : i1 to vector<16xi1>
      %reduce_sum3A_723 = tpu.scan <sum>, %add3A_704 masked %reduce_sum3A_722 : vector<16xf32>, vector<16xi1> -> vector<16xf32>
      %reduce_sum3A_724 = vector.extract %reduce_sum3A_723[15] : f32 from vector<16xf32>
      %broadcast_in_dim3A_725 = vector.broadcast %reduce_sum3A_724 : f32 to vector<16xf32>
      %select_n3A_726 = arith.select %eq3A_714, %broadcast_in_dim3A_725, %select_n3A_656 : vector<16xi1>, vector<16xf32>
      %reduce_sum3A_727 = arith.constant true
      %reduce_sum3A_728 = vector.broadcast %reduce_sum3A_727 : i1 to vector<16xi1>
      %reduce_sum3A_729 = tpu.scan <sum>, %add3A_711 masked %reduce_sum3A_728 : vector<16xf32>, vector<16xi1> -> vector<16xf32>
      %reduce_sum3A_730 = vector.extract %reduce_sum3A_729[15] : f32 from vector<16xf32>
      %broadcast_in_dim3A_731 = vector.broadcast %reduce_sum3A_730 : f32 to vector<16xf32>
      %select_n3A_732 = arith.select %eq3A_714, %broadcast_in_dim3A_731, %select_n3A_662 : vector<16xi1>, vector<16xf32>
      %mul3A_733 = arith.constant 16 : i32
      %mul3A_734 = arith.muli %scan3A_105, %mul3A_733 : i32
      %add3A_735 = arith.constant 9 : i32
      %add3A_736 = arith.addi %mul3A_734, %add3A_735 : i32
      %get3A_737 = arith.index_cast %add3A_736 : i32 to index
      %get3A_738 = arith.constant 0 : index
      %get3A_739 = tpu.vector_load %arg14[%get3A_737, %get3A_738] {strides = array<i32>} : memref<128x64xf32, #tpu.memory_space<vmem>>, vector<16xf32>,
      %get3A_740 = arith.index_cast %add3A_736 : i32 to index
      %get3A_741 = arith.constant 16 : index
      %get3A_742 = tpu.vector_load %arg14[%get3A_740, %get3A_741] {strides = array<i32>} : memref<128x64xf32, #tpu.memory_space<vmem>>, vector<16xf32>,
      %get3A_743 = arith.index_cast %add3A_736 : i32 to index
      %get3A_744 = arith.constant 32 : index
      %get3A_745 = tpu.vector_load %arg14[%get3A_743, %get3A_744] {strides = array<i32>} : memref<128x64xf32, #tpu.memory_space<vmem>>, vector<16xf32>,
      %get3A_746 = arith.index_cast %add3A_736 : i32 to index
      %get3A_747 = arith.constant 48 : index
      %get3A_748 = tpu.vector_load %arg14[%get3A_746, %get3A_747] {strides = array<i32>} : memref<128x64xf32, #tpu.memory_space<vmem>>, vector<16xf32>,
      %get3A_749 = arith.index_cast %add3A_736 : i32 to index
      %get3A_750 = arith.constant 0 : index
      %get3A_751 = tpu.vector_load %arg15[%get3A_749, %get3A_750] {strides = array<i32>} : memref<128x64xf32, #tpu.memory_space<vmem>>, vector<16xf32>,
      %get3A_752 = arith.index_cast %add3A_736 : i32 to index
      %get3A_753 = arith.constant 16 : index
      %get3A_754 = tpu.vector_load %arg15[%get3A_752, %get3A_753] {strides = array<i32>} : memref<128x64xf32, #tpu.memory_space<vmem>>, vector<16xf32>,
      %get3A_755 = arith.index_cast %add3A_736 : i32 to index
      %get3A_756 = arith.constant 32 : index
      %get3A_757 = tpu.vector_load %arg15[%get3A_755, %get3A_756] {strides = array<i32>} : memref<128x64xf32, #tpu.memory_space<vmem>>, vector<16xf32>,
      %get3A_758 = arith.index_cast %add3A_736 : i32 to index
      %get3A_759 = arith.constant 48 : index
      %get3A_760 = tpu.vector_load %arg15[%get3A_758, %get3A_759] {strides = array<i32>} : memref<128x64xf32, #tpu.memory_space<vmem>>, vector<16xf32>,
      %mul3A_761 = arith.mulf %get3A_739, %get3A_751 : vector<16xf32>
      %mul3A_762 = arith.mulf %get3A_742, %get3A_754 : vector<16xf32>
      %add3A_763 = arith.addf %mul3A_761, %mul3A_762 : vector<16xf32>
      %mul3A_764 = arith.mulf %get3A_745, %get3A_757 : vector<16xf32>
      %add3A_765 = arith.addf %add3A_763, %mul3A_764 : vector<16xf32>
      %mul3A_766 = arith.mulf %get3A_748, %get3A_760 : vector<16xf32>
      %add3A_767 = arith.addf %add3A_765, %mul3A_766 : vector<16xf32>
      %mul3A_768 = arith.mulf %get3A_739, %get3A_739 : vector<16xf32>
      %mul3A_769 = arith.mulf %get3A_742, %get3A_742 : vector<16xf32>
      %add3A_770 = arith.addf %mul3A_768, %mul3A_769 : vector<16xf32>
      %mul3A_771 = arith.mulf %get3A_745, %get3A_745 : vector<16xf32>
      %add3A_772 = arith.addf %add3A_770, %mul3A_771 : vector<16xf32>
      %mul3A_773 = arith.mulf %get3A_748, %get3A_748 : vector<16xf32>
      %add3A_774 = arith.addf %add3A_772, %mul3A_773 : vector<16xf32>
      %mul3A_775 = arith.mulf %get3A_751, %get3A_751 : vector<16xf32>
      %mul3A_776 = arith.mulf %get3A_754, %get3A_754 : vector<16xf32>
      %add3A_777 = arith.addf %mul3A_775, %mul3A_776 : vector<16xf32>
      %mul3A_778 = arith.mulf %get3A_757, %get3A_757 : vector<16xf32>
      %add3A_779 = arith.addf %add3A_777, %mul3A_778 : vector<16xf32>
      %mul3A_780 = arith.mulf %get3A_760, %get3A_760 : vector<16xf32>
      %add3A_781 = arith.addf %add3A_779, %mul3A_780 : vector<16xf32>
      %eq3A_782 = arith.constant 9 : i32
      %eq3A_783 = vector.broadcast %eq3A_782 : i32 to vector<16xi32>
      %eq3A_784 = arith.cmpi eq, %iota3A, %eq3A_783 : vector<16xi32>
      %reduce_sum3A_785 = arith.constant true
      %reduce_sum3A_786 = vector.broadcast %reduce_sum3A_785 : i1 to vector<16xi1>
      %reduce_sum3A_787 = tpu.scan <sum>, %add3A_767 masked %reduce_sum3A_786 : vector<16xf32>, vector<16xi1> -> vector<16xf32>
      %reduce_sum3A_788 = vector.extract %reduce_sum3A_787[15] : f32 from vector<16xf32>
      %broadcast_in_dim3A_789 = vector.broadcast %reduce_sum3A_788 : f32 to vector<16xf32>
      %select_n3A_790 = arith.select %eq3A_784, %broadcast_in_dim3A_789, %select_n3A_720 : vector<16xi1>, vector<16xf32>
      %reduce_sum3A_791 = arith.constant true
      %reduce_sum3A_792 = vector.broadcast %reduce_sum3A_791 : i1 to vector<16xi1>
      %reduce_sum3A_793 = tpu.scan <sum>, %add3A_774 masked %reduce_sum3A_792 : vector<16xf32>, vector<16xi1> -> vector<16xf32>
      %reduce_sum3A_794 = vector.extract %reduce_sum3A_793[15] : f32 from vector<16xf32>
      %broadcast_in_dim3A_795 = vector.broadcast %reduce_sum3A_794 : f32 to vector<16xf32>
      %select_n3A_796 = arith.select %eq3A_784, %broadcast_in_dim3A_795, %select_n3A_726 : vector<16xi1>, vector<16xf32>
      %reduce_sum3A_797 = arith.constant true
      %reduce_sum3A_798 = vector.broadcast %reduce_sum3A_797 : i1 to vector<16xi1>
      %reduce_sum3A_799 = tpu.scan <sum>, %add3A_781 masked %reduce_sum3A_798 : vector<16xf32>, vector<16xi1> -> vector<16xf32>
      %reduce_sum3A_800 = vector.extract %reduce_sum3A_799[15] : f32 from vector<16xf32>
      %broadcast_in_dim3A_801 = vector.broadcast %reduce_sum3A_800 : f32 to vector<16xf32>
      %select_n3A_802 = arith.select %eq3A_784, %broadcast_in_dim3A_801, %select_n3A_732 : vector<16xi1>, vector<16xf32>
      %mul3A_803 = arith.constant 16 : i32
      %mul3A_804 = arith.muli %scan3A_105, %mul3A_803 : i32
      %add3A_805 = arith.constant 10 : i32
      %add3A_806 = arith.addi %mul3A_804, %add3A_805 : i32
      %get3A_807 = arith.index_cast %add3A_806 : i32 to index
      %get3A_808 = arith.constant 0 : index
      %get3A_809 = tpu.vector_load %arg14[%get3A_807, %get3A_808] {strides = array<i32>} : memref<128x64xf32, #tpu.memory_space<vmem>>, vector<16xf32>,
      %get3A_810 = arith.index_cast %add3A_806 : i32 to index
      %get3A_811 = arith.constant 16 : index
      %get3A_812 = tpu.vector_load %arg14[%get3A_810, %get3A_811] {strides = array<i32>} : memref<128x64xf32, #tpu.memory_space<vmem>>, vector<16xf32>,
      %get3A_813 = arith.index_cast %add3A_806 : i32 to index
      %get3A_814 = arith.constant 32 : index
      %get3A_815 = tpu.vector_load %arg14[%get3A_813, %get3A_814] {strides = array<i32>} : memref<128x64xf32, #tpu.memory_space<vmem>>, vector<16xf32>,
      %get3A_816 = arith.index_cast %add3A_806 : i32 to index
      %get3A_817 = arith.constant 48 : index
      %get3A_818 = tpu.vector_load %arg14[%get3A_816, %get3A_817] {strides = array<i32>} : memref<128x64xf32, #tpu.memory_space<vmem>>, vector<16xf32>,
      %get3A_819 = arith.index_cast %add3A_806 : i32 to index
      %get3A_820 = arith.constant 0 : index
      %get3A_821 = tpu.vector_load %arg15[%get3A_819, %get3A_820] {strides = array<i32>} : memref<128x64xf32, #tpu.memory_space<vmem>>, vector<16xf32>,
      %get3A_822 = arith.index_cast %add3A_806 : i32 to index
      %get3A_823 = arith.constant 16 : index
      %get3A_824 = tpu.vector_load %arg15[%get3A_822, %get3A_823] {strides = array<i32>} : memref<128x64xf32, #tpu.memory_space<vmem>>, vector<16xf32>,
      %get3A_825 = arith.index_cast %add3A_806 : i32 to index
      %get3A_826 = arith.constant 32 : index
      %get3A_827 = tpu.vector_load %arg15[%get3A_825, %get3A_826] {strides = array<i32>} : memref<128x64xf32, #tpu.memory_space<vmem>>, vector<16xf32>,
      %get3A_828 = arith.index_cast %add3A_806 : i32 to index
      %get3A_829 = arith.constant 48 : index
      %get3A_830 = tpu.vector_load %arg15[%get3A_828, %get3A_829] {strides = array<i32>} : memref<128x64xf32, #tpu.memory_space<vmem>>, vector<16xf32>,
      %mul3A_831 = arith.mulf %get3A_809, %get3A_821 : vector<16xf32>
      %mul3A_832 = arith.mulf %get3A_812, %get3A_824 : vector<16xf32>
      %add3A_833 = arith.addf %mul3A_831, %mul3A_832 : vector<16xf32>
      %mul3A_834 = arith.mulf %get3A_815, %get3A_827 : vector<16xf32>
      %add3A_835 = arith.addf %add3A_833, %mul3A_834 : vector<16xf32>
      %mul3A_836 = arith.mulf %get3A_818, %get3A_830 : vector<16xf32>
      %add3A_837 = arith.addf %add3A_835, %mul3A_836 : vector<16xf32>
      %mul3A_838 = arith.mulf %get3A_809, %get3A_809 : vector<16xf32>
      %mul3A_839 = arith.mulf %get3A_812, %get3A_812 : vector<16xf32>
      %add3A_840 = arith.addf %mul3A_838, %mul3A_839 : vector<16xf32>
      %mul3A_841 = arith.mulf %get3A_815, %get3A_815 : vector<16xf32>
      %add3A_842 = arith.addf %add3A_840, %mul3A_841 : vector<16xf32>
      %mul3A_843 = arith.mulf %get3A_818, %get3A_818 : vector<16xf32>
      %add3A_844 = arith.addf %add3A_842, %mul3A_843 : vector<16xf32>
      %mul3A_845 = arith.mulf %get3A_821, %get3A_821 : vector<16xf32>
      %mul3A_846 = arith.mulf %get3A_824, %get3A_824 : vector<16xf32>
      %add3A_847 = arith.addf %mul3A_845, %mul3A_846 : vector<16xf32>
      %mul3A_848 = arith.mulf %get3A_827, %get3A_827 : vector<16xf32>
      %add3A_849 = arith.addf %add3A_847, %mul3A_848 : vector<16xf32>
      %mul3A_850 = arith.mulf %get3A_830, %get3A_830 : vector<16xf32>
      %add3A_851 = arith.addf %add3A_849, %mul3A_850 : vector<16xf32>
      %eq3A_852 = arith.constant 10 : i32
      %eq3A_853 = vector.broadcast %eq3A_852 : i32 to vector<16xi32>
      %eq3A_854 = arith.cmpi eq, %iota3A, %eq3A_853 : vector<16xi32>
      %reduce_sum3A_855 = arith.constant true
      %reduce_sum3A_856 = vector.broadcast %reduce_sum3A_855 : i1 to vector<16xi1>
      %reduce_sum3A_857 = tpu.scan <sum>, %add3A_837 masked %reduce_sum3A_856 : vector<16xf32>, vector<16xi1> -> vector<16xf32>
      %reduce_sum3A_858 = vector.extract %reduce_sum3A_857[15] : f32 from vector<16xf32>
      %broadcast_in_dim3A_859 = vector.broadcast %reduce_sum3A_858 : f32 to vector<16xf32>
      %select_n3A_860 = arith.select %eq3A_854, %broadcast_in_dim3A_859, %select_n3A_790 : vector<16xi1>, vector<16xf32>
      %reduce_sum3A_861 = arith.constant true
      %reduce_sum3A_862 = vector.broadcast %reduce_sum3A_861 : i1 to vector<16xi1>
      %reduce_sum3A_863 = tpu.scan <sum>, %add3A_844 masked %reduce_sum3A_862 : vector<16xf32>, vector<16xi1> -> vector<16xf32>
      %reduce_sum3A_864 = vector.extract %reduce_sum3A_863[15] : f32 from vector<16xf32>
      %broadcast_in_dim3A_865 = vector.broadcast %reduce_sum3A_864 : f32 to vector<16xf32>
      %select_n3A_866 = arith.select %eq3A_854, %broadcast_in_dim3A_865, %select_n3A_796 : vector<16xi1>, vector<16xf32>
      %reduce_sum3A_867 = arith.constant true
      %reduce_sum3A_868 = vector.broadcast %reduce_sum3A_867 : i1 to vector<16xi1>
      %reduce_sum3A_869 = tpu.scan <sum>, %add3A_851 masked %reduce_sum3A_868 : vector<16xf32>, vector<16xi1> -> vector<16xf32>
      %reduce_sum3A_870 = vector.extract %reduce_sum3A_869[15] : f32 from vector<16xf32>
      %broadcast_in_dim3A_871 = vector.broadcast %reduce_sum3A_870 : f32 to vector<16xf32>
      %select_n3A_872 = arith.select %eq3A_854, %broadcast_in_dim3A_871, %select_n3A_802 : vector<16xi1>, vector<16xf32>
      %mul3A_873 = arith.constant 16 : i32
      %mul3A_874 = arith.muli %scan3A_105, %mul3A_873 : i32
      %add3A_875 = arith.constant 11 : i32
      %add3A_876 = arith.addi %mul3A_874, %add3A_875 : i32
      %get3A_877 = arith.index_cast %add3A_876 : i32 to index
      %get3A_878 = arith.constant 0 : index
      %get3A_879 = tpu.vector_load %arg14[%get3A_877, %get3A_878] {strides = array<i32>} : memref<128x64xf32, #tpu.memory_space<vmem>>, vector<16xf32>,
      %get3A_880 = arith.index_cast %add3A_876 : i32 to index
      %get3A_881 = arith.constant 16 : index
      %get3A_882 = tpu.vector_load %arg14[%get3A_880, %get3A_881] {strides = array<i32>} : memref<128x64xf32, #tpu.memory_space<vmem>>, vector<16xf32>,
      %get3A_883 = arith.index_cast %add3A_876 : i32 to index
      %get3A_884 = arith.constant 32 : index
      %get3A_885 = tpu.vector_load %arg14[%get3A_883, %get3A_884] {strides = array<i32>} : memref<128x64xf32, #tpu.memory_space<vmem>>, vector<16xf32>,
      %get3A_886 = arith.index_cast %add3A_876 : i32 to index
      %get3A_887 = arith.constant 48 : index
      %get3A_888 = tpu.vector_load %arg14[%get3A_886, %get3A_887] {strides = array<i32>} : memref<128x64xf32, #tpu.memory_space<vmem>>, vector<16xf32>,
      %get3A_889 = arith.index_cast %add3A_876 : i32 to index
      %get3A_890 = arith.constant 0 : index
      %get3A_891 = tpu.vector_load %arg15[%get3A_889, %get3A_890] {strides = array<i32>} : memref<128x64xf32, #tpu.memory_space<vmem>>, vector<16xf32>,
      %get3A_892 = arith.index_cast %add3A_876 : i32 to index
      %get3A_893 = arith.constant 16 : index
      %get3A_894 = tpu.vector_load %arg15[%get3A_892, %get3A_893] {strides = array<i32>} : memref<128x64xf32, #tpu.memory_space<vmem>>, vector<16xf32>,
      %get3A_895 = arith.index_cast %add3A_876 : i32 to index
      %get3A_896 = arith.constant 32 : index
      %get3A_897 = tpu.vector_load %arg15[%get3A_895, %get3A_896] {strides = array<i32>} : memref<128x64xf32, #tpu.memory_space<vmem>>, vector<16xf32>,
      %get3A_898 = arith.index_cast %add3A_876 : i32 to index
      %get3A_899 = arith.constant 48 : index
      %get3A_900 = tpu.vector_load %arg15[%get3A_898, %get3A_899] {strides = array<i32>} : memref<128x64xf32, #tpu.memory_space<vmem>>, vector<16xf32>,
      %mul3A_901 = arith.mulf %get3A_879, %get3A_891 : vector<16xf32>
      %mul3A_902 = arith.mulf %get3A_882, %get3A_894 : vector<16xf32>
      %add3A_903 = arith.addf %mul3A_901, %mul3A_902 : vector<16xf32>
      %mul3A_904 = arith.mulf %get3A_885, %get3A_897 : vector<16xf32>
      %add3A_905 = arith.addf %add3A_903, %mul3A_904 : vector<16xf32>
      %mul3A_906 = arith.mulf %get3A_888, %get3A_900 : vector<16xf32>
      %add3A_907 = arith.addf %add3A_905, %mul3A_906 : vector<16xf32>
      %mul3A_908 = arith.mulf %get3A_879, %get3A_879 : vector<16xf32>
      %mul3A_909 = arith.mulf %get3A_882, %get3A_882 : vector<16xf32>
      %add3A_910 = arith.addf %mul3A_908, %mul3A_909 : vector<16xf32>
      %mul3A_911 = arith.mulf %get3A_885, %get3A_885 : vector<16xf32>
      %add3A_912 = arith.addf %add3A_910, %mul3A_911 : vector<16xf32>
      %mul3A_913 = arith.mulf %get3A_888, %get3A_888 : vector<16xf32>
      %add3A_914 = arith.addf %add3A_912, %mul3A_913 : vector<16xf32>
      %mul3A_915 = arith.mulf %get3A_891, %get3A_891 : vector<16xf32>
      %mul3A_916 = arith.mulf %get3A_894, %get3A_894 : vector<16xf32>
      %add3A_917 = arith.addf %mul3A_915, %mul3A_916 : vector<16xf32>
      %mul3A_918 = arith.mulf %get3A_897, %get3A_897 : vector<16xf32>
      %add3A_919 = arith.addf %add3A_917, %mul3A_918 : vector<16xf32>
      %mul3A_920 = arith.mulf %get3A_900, %get3A_900 : vector<16xf32>
      %add3A_921 = arith.addf %add3A_919, %mul3A_920 : vector<16xf32>
      %eq3A_922 = arith.constant 11 : i32
      %eq3A_923 = vector.broadcast %eq3A_922 : i32 to vector<16xi32>
      %eq3A_924 = arith.cmpi eq, %iota3A, %eq3A_923 : vector<16xi32>
      %reduce_sum3A_925 = arith.constant true
      %reduce_sum3A_926 = vector.broadcast %reduce_sum3A_925 : i1 to vector<16xi1>
      %reduce_sum3A_927 = tpu.scan <sum>, %add3A_907 masked %reduce_sum3A_926 : vector<16xf32>, vector<16xi1> -> vector<16xf32>
      %reduce_sum3A_928 = vector.extract %reduce_sum3A_927[15] : f32 from vector<16xf32>
      %broadcast_in_dim3A_929 = vector.broadcast %reduce_sum3A_928 : f32 to vector<16xf32>
      %select_n3A_930 = arith.select %eq3A_924, %broadcast_in_dim3A_929, %select_n3A_860 : vector<16xi1>, vector<16xf32>
      %reduce_sum3A_931 = arith.constant true
      %reduce_sum3A_932 = vector.broadcast %reduce_sum3A_931 : i1 to vector<16xi1>
      %reduce_sum3A_933 = tpu.scan <sum>, %add3A_914 masked %reduce_sum3A_932 : vector<16xf32>, vector<16xi1> -> vector<16xf32>
      %reduce_sum3A_934 = vector.extract %reduce_sum3A_933[15] : f32 from vector<16xf32>
      %broadcast_in_dim3A_935 = vector.broadcast %reduce_sum3A_934 : f32 to vector<16xf32>
      %select_n3A_936 = arith.select %eq3A_924, %broadcast_in_dim3A_935, %select_n3A_866 : vector<16xi1>, vector<16xf32>
      %reduce_sum3A_937 = arith.constant true
      %reduce_sum3A_938 = vector.broadcast %reduce_sum3A_937 : i1 to vector<16xi1>
      %reduce_sum3A_939 = tpu.scan <sum>, %add3A_921 masked %reduce_sum3A_938 : vector<16xf32>, vector<16xi1> -> vector<16xf32>
      %reduce_sum3A_940 = vector.extract %reduce_sum3A_939[15] : f32 from vector<16xf32>
      %broadcast_in_dim3A_941 = vector.broadcast %reduce_sum3A_940 : f32 to vector<16xf32>
      %select_n3A_942 = arith.select %eq3A_924, %broadcast_in_dim3A_941, %select_n3A_872 : vector<16xi1>, vector<16xf32>
      %mul3A_943 = arith.constant 16 : i32
      %mul3A_944 = arith.muli %scan3A_105, %mul3A_943 : i32
      %add3A_945 = arith.constant 12 : i32
      %add3A_946 = arith.addi %mul3A_944, %add3A_945 : i32
      %get3A_947 = arith.index_cast %add3A_946 : i32 to index
      %get3A_948 = arith.constant 0 : index
      %get3A_949 = tpu.vector_load %arg14[%get3A_947, %get3A_948] {strides = array<i32>} : memref<128x64xf32, #tpu.memory_space<vmem>>, vector<16xf32>,
      %get3A_950 = arith.index_cast %add3A_946 : i32 to index
      %get3A_951 = arith.constant 16 : index
      %get3A_952 = tpu.vector_load %arg14[%get3A_950, %get3A_951] {strides = array<i32>} : memref<128x64xf32, #tpu.memory_space<vmem>>, vector<16xf32>,
      %get3A_953 = arith.index_cast %add3A_946 : i32 to index
      %get3A_954 = arith.constant 32 : index
      %get3A_955 = tpu.vector_load %arg14[%get3A_953, %get3A_954] {strides = array<i32>} : memref<128x64xf32, #tpu.memory_space<vmem>>, vector<16xf32>,
      %get3A_956 = arith.index_cast %add3A_946 : i32 to index
      %get3A_957 = arith.constant 48 : index
      %get3A_958 = tpu.vector_load %arg14[%get3A_956, %get3A_957] {strides = array<i32>} : memref<128x64xf32, #tpu.memory_space<vmem>>, vector<16xf32>,
      %get3A_959 = arith.index_cast %add3A_946 : i32 to index
      %get3A_960 = arith.constant 0 : index
      %get3A_961 = tpu.vector_load %arg15[%get3A_959, %get3A_960] {strides = array<i32>} : memref<128x64xf32, #tpu.memory_space<vmem>>, vector<16xf32>,
      %get3A_962 = arith.index_cast %add3A_946 : i32 to index
      %get3A_963 = arith.constant 16 : index
      %get3A_964 = tpu.vector_load %arg15[%get3A_962, %get3A_963] {strides = array<i32>} : memref<128x64xf32, #tpu.memory_space<vmem>>, vector<16xf32>,
      %get3A_965 = arith.index_cast %add3A_946 : i32 to index
      %get3A_966 = arith.constant 32 : index
      %get3A_967 = tpu.vector_load %arg15[%get3A_965, %get3A_966] {strides = array<i32>} : memref<128x64xf32, #tpu.memory_space<vmem>>, vector<16xf32>,
      %get3A_968 = arith.index_cast %add3A_946 : i32 to index
      %get3A_969 = arith.constant 48 : index
      %get3A_970 = tpu.vector_load %arg15[%get3A_968, %get3A_969] {strides = array<i32>} : memref<128x64xf32, #tpu.memory_space<vmem>>, vector<16xf32>,
      %mul3A_971 = arith.mulf %get3A_949, %get3A_961 : vector<16xf32>
      %mul3A_972 = arith.mulf %get3A_952, %get3A_964 : vector<16xf32>
      %add3A_973 = arith.addf %mul3A_971, %mul3A_972 : vector<16xf32>
      %mul3A_974 = arith.mulf %get3A_955, %get3A_967 : vector<16xf32>
      %add3A_975 = arith.addf %add3A_973, %mul3A_974 : vector<16xf32>
      %mul3A_976 = arith.mulf %get3A_958, %get3A_970 : vector<16xf32>
      %add3A_977 = arith.addf %add3A_975, %mul3A_976 : vector<16xf32>
      %mul3A_978 = arith.mulf %get3A_949, %get3A_949 : vector<16xf32>
      %mul3A_979 = arith.mulf %get3A_952, %get3A_952 : vector<16xf32>
      %add3A_980 = arith.addf %mul3A_978, %mul3A_979 : vector<16xf32>
      %mul3A_981 = arith.mulf %get3A_955, %get3A_955 : vector<16xf32>
      %add3A_982 = arith.addf %add3A_980, %mul3A_981 : vector<16xf32>
      %mul3A_983 = arith.mulf %get3A_958, %get3A_958 : vector<16xf32>
      %add3A_984 = arith.addf %add3A_982, %mul3A_983 : vector<16xf32>
      %mul3A_985 = arith.mulf %get3A_961, %get3A_961 : vector<16xf32>
      %mul3A_986 = arith.mulf %get3A_964, %get3A_964 : vector<16xf32>
      %add3A_987 = arith.addf %mul3A_985, %mul3A_986 : vector<16xf32>
      %mul3A_988 = arith.mulf %get3A_967, %get3A_967 : vector<16xf32>
      %add3A_989 = arith.addf %add3A_987, %mul3A_988 : vector<16xf32>
      %mul3A_990 = arith.mulf %get3A_970, %get3A_970 : vector<16xf32>
      %add3A_991 = arith.addf %add3A_989, %mul3A_990 : vector<16xf32>
      %eq3A_992 = arith.constant 12 : i32
      %eq3A_993 = vector.broadcast %eq3A_992 : i32 to vector<16xi32>
      %eq3A_994 = arith.cmpi eq, %iota3A, %eq3A_993 : vector<16xi32>
      %reduce_sum3A_995 = arith.constant true
      %reduce_sum3A_996 = vector.broadcast %reduce_sum3A_995 : i1 to vector<16xi1>
      %reduce_sum3A_997 = tpu.scan <sum>, %add3A_977 masked %reduce_sum3A_996 : vector<16xf32>, vector<16xi1> -> vector<16xf32>
      %reduce_sum3A_998 = vector.extract %reduce_sum3A_997[15] : f32 from vector<16xf32>
      %broadcast_in_dim3A_999 = vector.broadcast %reduce_sum3A_998 : f32 to vector<16xf32>
      %select_n3A_1000 = arith.select %eq3A_994, %broadcast_in_dim3A_999, %select_n3A_930 : vector<16xi1>, vector<16xf32>
      %reduce_sum3A_1001 = arith.constant true
      %reduce_sum3A_1002 = vector.broadcast %reduce_sum3A_1001 : i1 to vector<16xi1>
      %reduce_sum3A_1003 = tpu.scan <sum>, %add3A_984 masked %reduce_sum3A_1002 : vector<16xf32>, vector<16xi1> -> vector<16xf32>
      %reduce_sum3A_1004 = vector.extract %reduce_sum3A_1003[15] : f32 from vector<16xf32>
      %broadcast_in_dim3A_1005 = vector.broadcast %reduce_sum3A_1004 : f32 to vector<16xf32>
      %select_n3A_1006 = arith.select %eq3A_994, %broadcast_in_dim3A_1005, %select_n3A_936 : vector<16xi1>, vector<16xf32>
      %reduce_sum3A_1007 = arith.constant true
      %reduce_sum3A_1008 = vector.broadcast %reduce_sum3A_1007 : i1 to vector<16xi1>
      %reduce_sum3A_1009 = tpu.scan <sum>, %add3A_991 masked %reduce_sum3A_1008 : vector<16xf32>, vector<16xi1> -> vector<16xf32>
      %reduce_sum3A_1010 = vector.extract %reduce_sum3A_1009[15] : f32 from vector<16xf32>
      %broadcast_in_dim3A_1011 = vector.broadcast %reduce_sum3A_1010 : f32 to vector<16xf32>
      %select_n3A_1012 = arith.select %eq3A_994, %broadcast_in_dim3A_1011, %select_n3A_942 : vector<16xi1>, vector<16xf32>
      %mul3A_1013 = arith.constant 16 : i32
      %mul3A_1014 = arith.muli %scan3A_105, %mul3A_1013 : i32
      %add3A_1015 = arith.constant 13 : i32
      %add3A_1016 = arith.addi %mul3A_1014, %add3A_1015 : i32
      %get3A_1017 = arith.index_cast %add3A_1016 : i32 to index
      %get3A_1018 = arith.constant 0 : index
      %get3A_1019 = tpu.vector_load %arg14[%get3A_1017, %get3A_1018] {strides = array<i32>} : memref<128x64xf32, #tpu.memory_space<vmem>>, vector<16xf32>,
      %get3A_1020 = arith.index_cast %add3A_1016 : i32 to index
      %get3A_1021 = arith.constant 16 : index
      %get3A_1022 = tpu.vector_load %arg14[%get3A_1020, %get3A_1021] {strides = array<i32>} : memref<128x64xf32, #tpu.memory_space<vmem>>, vector<16xf32>,
      %get3A_1023 = arith.index_cast %add3A_1016 : i32 to index
      %get3A_1024 = arith.constant 32 : index
      %get3A_1025 = tpu.vector_load %arg14[%get3A_1023, %get3A_1024] {strides = array<i32>} : memref<128x64xf32, #tpu.memory_space<vmem>>, vector<16xf32>,
      %get3A_1026 = arith.index_cast %add3A_1016 : i32 to index
      %get3A_1027 = arith.constant 48 : index
      %get3A_1028 = tpu.vector_load %arg14[%get3A_1026, %get3A_1027] {strides = array<i32>} : memref<128x64xf32, #tpu.memory_space<vmem>>, vector<16xf32>,
      %get3A_1029 = arith.index_cast %add3A_1016 : i32 to index
      %get3A_1030 = arith.constant 0 : index
      %get3A_1031 = tpu.vector_load %arg15[%get3A_1029, %get3A_1030] {strides = array<i32>} : memref<128x64xf32, #tpu.memory_space<vmem>>, vector<16xf32>,
      %get3A_1032 = arith.index_cast %add3A_1016 : i32 to index
      %get3A_1033 = arith.constant 16 : index
      %get3A_1034 = tpu.vector_load %arg15[%get3A_1032, %get3A_1033] {strides = array<i32>} : memref<128x64xf32, #tpu.memory_space<vmem>>, vector<16xf32>,
      %get3A_1035 = arith.index_cast %add3A_1016 : i32 to index
      %get3A_1036 = arith.constant 32 : index
      %get3A_1037 = tpu.vector_load %arg15[%get3A_1035, %get3A_1036] {strides = array<i32>} : memref<128x64xf32, #tpu.memory_space<vmem>>, vector<16xf32>,
      %get3A_1038 = arith.index_cast %add3A_1016 : i32 to index
      %get3A_1039 = arith.constant 48 : index
      %get3A_1040 = tpu.vector_load %arg15[%get3A_1038, %get3A_1039] {strides = array<i32>} : memref<128x64xf32, #tpu.memory_space<vmem>>, vector<16xf32>,
      %mul3A_1041 = arith.mulf %get3A_1019, %get3A_1031 : vector<16xf32>
      %mul3A_1042 = arith.mulf %get3A_1022, %get3A_1034 : vector<16xf32>
      %add3A_1043 = arith.addf %mul3A_1041, %mul3A_1042 : vector<16xf32>
      %mul3A_1044 = arith.mulf %get3A_1025, %get3A_1037 : vector<16xf32>
      %add3A_1045 = arith.addf %add3A_1043, %mul3A_1044 : vector<16xf32>
      %mul3A_1046 = arith.mulf %get3A_1028, %get3A_1040 : vector<16xf32>
      %add3A_1047 = arith.addf %add3A_1045, %mul3A_1046 : vector<16xf32>
      %mul3A_1048 = arith.mulf %get3A_1019, %get3A_1019 : vector<16xf32>
      %mul3A_1049 = arith.mulf %get3A_1022, %get3A_1022 : vector<16xf32>
      %add3A_1050 = arith.addf %mul3A_1048, %mul3A_1049 : vector<16xf32>
      %mul3A_1051 = arith.mulf %get3A_1025, %get3A_1025 : vector<16xf32>
      %add3A_1052 = arith.addf %add3A_1050, %mul3A_1051 : vector<16xf32>
      %mul3A_1053 = arith.mulf %get3A_1028, %get3A_1028 : vector<16xf32>
      %add3A_1054 = arith.addf %add3A_1052, %mul3A_1053 : vector<16xf32>
      %mul3A_1055 = arith.mulf %get3A_1031, %get3A_1031 : vector<16xf32>
      %mul3A_1056 = arith.mulf %get3A_1034, %get3A_1034 : vector<16xf32>
      %add3A_1057 = arith.addf %mul3A_1055, %mul3A_1056 : vector<16xf32>
      %mul3A_1058 = arith.mulf %get3A_1037, %get3A_1037 : vector<16xf32>
      %add3A_1059 = arith.addf %add3A_1057, %mul3A_1058 : vector<16xf32>
      %mul3A_1060 = arith.mulf %get3A_1040, %get3A_1040 : vector<16xf32>
      %add3A_1061 = arith.addf %add3A_1059, %mul3A_1060 : vector<16xf32>
      %eq3A_1062 = arith.constant 13 : i32
      %eq3A_1063 = vector.broadcast %eq3A_1062 : i32 to vector<16xi32>
      %eq3A_1064 = arith.cmpi eq, %iota3A, %eq3A_1063 : vector<16xi32>
      %reduce_sum3A_1065 = arith.constant true
      %reduce_sum3A_1066 = vector.broadcast %reduce_sum3A_1065 : i1 to vector<16xi1>
      %reduce_sum3A_1067 = tpu.scan <sum>, %add3A_1047 masked %reduce_sum3A_1066 : vector<16xf32>, vector<16xi1> -> vector<16xf32>
      %reduce_sum3A_1068 = vector.extract %reduce_sum3A_1067[15] : f32 from vector<16xf32>
      %broadcast_in_dim3A_1069 = vector.broadcast %reduce_sum3A_1068 : f32 to vector<16xf32>
      %select_n3A_1070 = arith.select %eq3A_1064, %broadcast_in_dim3A_1069, %select_n3A_1000 : vector<16xi1>, vector<16xf32>
      %reduce_sum3A_1071 = arith.constant true
      %reduce_sum3A_1072 = vector.broadcast %reduce_sum3A_1071 : i1 to vector<16xi1>
      %reduce_sum3A_1073 = tpu.scan <sum>, %add3A_1054 masked %reduce_sum3A_1072 : vector<16xf32>, vector<16xi1> -> vector<16xf32>
      %reduce_sum3A_1074 = vector.extract %reduce_sum3A_1073[15] : f32 from vector<16xf32>
      %broadcast_in_dim3A_1075 = vector.broadcast %reduce_sum3A_1074 : f32 to vector<16xf32>
      %select_n3A_1076 = arith.select %eq3A_1064, %broadcast_in_dim3A_1075, %select_n3A_1006 : vector<16xi1>, vector<16xf32>
      %reduce_sum3A_1077 = arith.constant true
      %reduce_sum3A_1078 = vector.broadcast %reduce_sum3A_1077 : i1 to vector<16xi1>
      %reduce_sum3A_1079 = tpu.scan <sum>, %add3A_1061 masked %reduce_sum3A_1078 : vector<16xf32>, vector<16xi1> -> vector<16xf32>
      %reduce_sum3A_1080 = vector.extract %reduce_sum3A_1079[15] : f32 from vector<16xf32>
      %broadcast_in_dim3A_1081 = vector.broadcast %reduce_sum3A_1080 : f32 to vector<16xf32>
      %select_n3A_1082 = arith.select %eq3A_1064, %broadcast_in_dim3A_1081, %select_n3A_1012 : vector<16xi1>, vector<16xf32>
      %mul3A_1083 = arith.constant 16 : i32
      %mul3A_1084 = arith.muli %scan3A_105, %mul3A_1083 : i32
      %add3A_1085 = arith.constant 14 : i32
      %add3A_1086 = arith.addi %mul3A_1084, %add3A_1085 : i32
      %get3A_1087 = arith.index_cast %add3A_1086 : i32 to index
      %get3A_1088 = arith.constant 0 : index
      %get3A_1089 = tpu.vector_load %arg14[%get3A_1087, %get3A_1088] {strides = array<i32>} : memref<128x64xf32, #tpu.memory_space<vmem>>, vector<16xf32>,
      %get3A_1090 = arith.index_cast %add3A_1086 : i32 to index
      %get3A_1091 = arith.constant 16 : index
      %get3A_1092 = tpu.vector_load %arg14[%get3A_1090, %get3A_1091] {strides = array<i32>} : memref<128x64xf32, #tpu.memory_space<vmem>>, vector<16xf32>,
      %get3A_1093 = arith.index_cast %add3A_1086 : i32 to index
      %get3A_1094 = arith.constant 32 : index
      %get3A_1095 = tpu.vector_load %arg14[%get3A_1093, %get3A_1094] {strides = array<i32>} : memref<128x64xf32, #tpu.memory_space<vmem>>, vector<16xf32>,
      %get3A_1096 = arith.index_cast %add3A_1086 : i32 to index
      %get3A_1097 = arith.constant 48 : index
      %get3A_1098 = tpu.vector_load %arg14[%get3A_1096, %get3A_1097] {strides = array<i32>} : memref<128x64xf32, #tpu.memory_space<vmem>>, vector<16xf32>,
      %get3A_1099 = arith.index_cast %add3A_1086 : i32 to index
      %get3A_1100 = arith.constant 0 : index
      %get3A_1101 = tpu.vector_load %arg15[%get3A_1099, %get3A_1100] {strides = array<i32>} : memref<128x64xf32, #tpu.memory_space<vmem>>, vector<16xf32>,
      %get3A_1102 = arith.index_cast %add3A_1086 : i32 to index
      %get3A_1103 = arith.constant 16 : index
      %get3A_1104 = tpu.vector_load %arg15[%get3A_1102, %get3A_1103] {strides = array<i32>} : memref<128x64xf32, #tpu.memory_space<vmem>>, vector<16xf32>,
      %get3A_1105 = arith.index_cast %add3A_1086 : i32 to index
      %get3A_1106 = arith.constant 32 : index
      %get3A_1107 = tpu.vector_load %arg15[%get3A_1105, %get3A_1106] {strides = array<i32>} : memref<128x64xf32, #tpu.memory_space<vmem>>, vector<16xf32>,
      %get3A_1108 = arith.index_cast %add3A_1086 : i32 to index
      %get3A_1109 = arith.constant 48 : index
      %get3A_1110 = tpu.vector_load %arg15[%get3A_1108, %get3A_1109] {strides = array<i32>} : memref<128x64xf32, #tpu.memory_space<vmem>>, vector<16xf32>,
      %mul3A_1111 = arith.mulf %get3A_1089, %get3A_1101 : vector<16xf32>
      %mul3A_1112 = arith.mulf %get3A_1092, %get3A_1104 : vector<16xf32>
      %add3A_1113 = arith.addf %mul3A_1111, %mul3A_1112 : vector<16xf32>
      %mul3A_1114 = arith.mulf %get3A_1095, %get3A_1107 : vector<16xf32>
      %add3A_1115 = arith.addf %add3A_1113, %mul3A_1114 : vector<16xf32>
      %mul3A_1116 = arith.mulf %get3A_1098, %get3A_1110 : vector<16xf32>
      %add3A_1117 = arith.addf %add3A_1115, %mul3A_1116 : vector<16xf32>
      %mul3A_1118 = arith.mulf %get3A_1089, %get3A_1089 : vector<16xf32>
      %mul3A_1119 = arith.mulf %get3A_1092, %get3A_1092 : vector<16xf32>
      %add3A_1120 = arith.addf %mul3A_1118, %mul3A_1119 : vector<16xf32>
      %mul3A_1121 = arith.mulf %get3A_1095, %get3A_1095 : vector<16xf32>
      %add3A_1122 = arith.addf %add3A_1120, %mul3A_1121 : vector<16xf32>
      %mul3A_1123 = arith.mulf %get3A_1098, %get3A_1098 : vector<16xf32>
      %add3A_1124 = arith.addf %add3A_1122, %mul3A_1123 : vector<16xf32>
      %mul3A_1125 = arith.mulf %get3A_1101, %get3A_1101 : vector<16xf32>
      %mul3A_1126 = arith.mulf %get3A_1104, %get3A_1104 : vector<16xf32>
      %add3A_1127 = arith.addf %mul3A_1125, %mul3A_1126 : vector<16xf32>
      %mul3A_1128 = arith.mulf %get3A_1107, %get3A_1107 : vector<16xf32>
      %add3A_1129 = arith.addf %add3A_1127, %mul3A_1128 : vector<16xf32>
      %mul3A_1130 = arith.mulf %get3A_1110, %get3A_1110 : vector<16xf32>
      %add3A_1131 = arith.addf %add3A_1129, %mul3A_1130 : vector<16xf32>
      %eq3A_1132 = arith.constant 14 : i32
      %eq3A_1133 = vector.broadcast %eq3A_1132 : i32 to vector<16xi32>
      %eq3A_1134 = arith.cmpi eq, %iota3A, %eq3A_1133 : vector<16xi32>
      %reduce_sum3A_1135 = arith.constant true
      %reduce_sum3A_1136 = vector.broadcast %reduce_sum3A_1135 : i1 to vector<16xi1>
      %reduce_sum3A_1137 = tpu.scan <sum>, %add3A_1117 masked %reduce_sum3A_1136 : vector<16xf32>, vector<16xi1> -> vector<16xf32>
      %reduce_sum3A_1138 = vector.extract %reduce_sum3A_1137[15] : f32 from vector<16xf32>
      %broadcast_in_dim3A_1139 = vector.broadcast %reduce_sum3A_1138 : f32 to vector<16xf32>
      %select_n3A_1140 = arith.select %eq3A_1134, %broadcast_in_dim3A_1139, %select_n3A_1070 : vector<16xi1>, vector<16xf32>
      %reduce_sum3A_1141 = arith.constant true
      %reduce_sum3A_1142 = vector.broadcast %reduce_sum3A_1141 : i1 to vector<16xi1>
      %reduce_sum3A_1143 = tpu.scan <sum>, %add3A_1124 masked %reduce_sum3A_1142 : vector<16xf32>, vector<16xi1> -> vector<16xf32>
      %reduce_sum3A_1144 = vector.extract %reduce_sum3A_1143[15] : f32 from vector<16xf32>
      %broadcast_in_dim3A_1145 = vector.broadcast %reduce_sum3A_1144 : f32 to vector<16xf32>
      %select_n3A_1146 = arith.select %eq3A_1134, %broadcast_in_dim3A_1145, %select_n3A_1076 : vector<16xi1>, vector<16xf32>
      %reduce_sum3A_1147 = arith.constant true
      %reduce_sum3A_1148 = vector.broadcast %reduce_sum3A_1147 : i1 to vector<16xi1>
      %reduce_sum3A_1149 = tpu.scan <sum>, %add3A_1131 masked %reduce_sum3A_1148 : vector<16xf32>, vector<16xi1> -> vector<16xf32>
      %reduce_sum3A_1150 = vector.extract %reduce_sum3A_1149[15] : f32 from vector<16xf32>
      %broadcast_in_dim3A_1151 = vector.broadcast %reduce_sum3A_1150 : f32 to vector<16xf32>
      %select_n3A_1152 = arith.select %eq3A_1134, %broadcast_in_dim3A_1151, %select_n3A_1082 : vector<16xi1>, vector<16xf32>
      %mul3A_1153 = arith.constant 16 : i32
      %mul3A_1154 = arith.muli %scan3A_105, %mul3A_1153 : i32
      %add3A_1155 = arith.constant 15 : i32
      %add3A_1156 = arith.addi %mul3A_1154, %add3A_1155 : i32
      %get3A_1157 = arith.index_cast %add3A_1156 : i32 to index
      %get3A_1158 = arith.constant 0 : index
      %get3A_1159 = tpu.vector_load %arg14[%get3A_1157, %get3A_1158] {strides = array<i32>} : memref<128x64xf32, #tpu.memory_space<vmem>>, vector<16xf32>,
      %get3A_1160 = arith.index_cast %add3A_1156 : i32 to index
      %get3A_1161 = arith.constant 16 : index
      %get3A_1162 = tpu.vector_load %arg14[%get3A_1160, %get3A_1161] {strides = array<i32>} : memref<128x64xf32, #tpu.memory_space<vmem>>, vector<16xf32>,
      %get3A_1163 = arith.index_cast %add3A_1156 : i32 to index
      %get3A_1164 = arith.constant 32 : index
      %get3A_1165 = tpu.vector_load %arg14[%get3A_1163, %get3A_1164] {strides = array<i32>} : memref<128x64xf32, #tpu.memory_space<vmem>>, vector<16xf32>,
      %get3A_1166 = arith.index_cast %add3A_1156 : i32 to index
      %get3A_1167 = arith.constant 48 : index
      %get3A_1168 = tpu.vector_load %arg14[%get3A_1166, %get3A_1167] {strides = array<i32>} : memref<128x64xf32, #tpu.memory_space<vmem>>, vector<16xf32>,
      %get3A_1169 = arith.index_cast %add3A_1156 : i32 to index
      %get3A_1170 = arith.constant 0 : index
      %get3A_1171 = tpu.vector_load %arg15[%get3A_1169, %get3A_1170] {strides = array<i32>} : memref<128x64xf32, #tpu.memory_space<vmem>>, vector<16xf32>,
      %get3A_1172 = arith.index_cast %add3A_1156 : i32 to index
      %get3A_1173 = arith.constant 16 : index
      %get3A_1174 = tpu.vector_load %arg15[%get3A_1172, %get3A_1173] {strides = array<i32>} : memref<128x64xf32, #tpu.memory_space<vmem>>, vector<16xf32>,
      %get3A_1175 = arith.index_cast %add3A_1156 : i32 to index
      %get3A_1176 = arith.constant 32 : index
      %get3A_1177 = tpu.vector_load %arg15[%get3A_1175, %get3A_1176] {strides = array<i32>} : memref<128x64xf32, #tpu.memory_space<vmem>>, vector<16xf32>,
      %get3A_1178 = arith.index_cast %add3A_1156 : i32 to index
      %get3A_1179 = arith.constant 48 : index
      %get3A_1180 = tpu.vector_load %arg15[%get3A_1178, %get3A_1179] {strides = array<i32>} : memref<128x64xf32, #tpu.memory_space<vmem>>, vector<16xf32>,
      %mul3A_1181 = arith.mulf %get3A_1159, %get3A_1171 : vector<16xf32>
      %mul3A_1182 = arith.mulf %get3A_1162, %get3A_1174 : vector<16xf32>
      %add3A_1183 = arith.addf %mul3A_1181, %mul3A_1182 : vector<16xf32>
      %mul3A_1184 = arith.mulf %get3A_1165, %get3A_1177 : vector<16xf32>
      %add3A_1185 = arith.addf %add3A_1183, %mul3A_1184 : vector<16xf32>
      %mul3A_1186 = arith.mulf %get3A_1168, %get3A_1180 : vector<16xf32>
      %add3A_1187 = arith.addf %add3A_1185, %mul3A_1186 : vector<16xf32>
      %mul3A_1188 = arith.mulf %get3A_1159, %get3A_1159 : vector<16xf32>
      %mul3A_1189 = arith.mulf %get3A_1162, %get3A_1162 : vector<16xf32>
      %add3A_1190 = arith.addf %mul3A_1188, %mul3A_1189 : vector<16xf32>
      %mul3A_1191 = arith.mulf %get3A_1165, %get3A_1165 : vector<16xf32>
      %add3A_1192 = arith.addf %add3A_1190, %mul3A_1191 : vector<16xf32>
      %mul3A_1193 = arith.mulf %get3A_1168, %get3A_1168 : vector<16xf32>
      %add3A_1194 = arith.addf %add3A_1192, %mul3A_1193 : vector<16xf32>
      %mul3A_1195 = arith.mulf %get3A_1171, %get3A_1171 : vector<16xf32>
      %mul3A_1196 = arith.mulf %get3A_1174, %get3A_1174 : vector<16xf32>
      %add3A_1197 = arith.addf %mul3A_1195, %mul3A_1196 : vector<16xf32>
      %mul3A_1198 = arith.mulf %get3A_1177, %get3A_1177 : vector<16xf32>
      %add3A_1199 = arith.addf %add3A_1197, %mul3A_1198 : vector<16xf32>
      %mul3A_1200 = arith.mulf %get3A_1180, %get3A_1180 : vector<16xf32>
      %add3A_1201 = arith.addf %add3A_1199, %mul3A_1200 : vector<16xf32>
      %eq3A_1202 = arith.constant 15 : i32
      %eq3A_1203 = vector.broadcast %eq3A_1202 : i32 to vector<16xi32>
      %eq3A_1204 = arith.cmpi eq, %iota3A, %eq3A_1203 : vector<16xi32>
      %reduce_sum3A_1205 = arith.constant true
      %reduce_sum3A_1206 = vector.broadcast %reduce_sum3A_1205 : i1 to vector<16xi1>
      %reduce_sum3A_1207 = tpu.scan <sum>, %add3A_1187 masked %reduce_sum3A_1206 : vector<16xf32>, vector<16xi1> -> vector<16xf32>
      %reduce_sum3A_1208 = vector.extract %reduce_sum3A_1207[15] : f32 from vector<16xf32>
      %broadcast_in_dim3A_1209 = vector.broadcast %reduce_sum3A_1208 : f32 to vector<16xf32>
      %select_n3A_1210 = arith.select %eq3A_1204, %broadcast_in_dim3A_1209, %select_n3A_1140 : vector<16xi1>, vector<16xf32>
      %reduce_sum3A_1211 = arith.constant true
      %reduce_sum3A_1212 = vector.broadcast %reduce_sum3A_1211 : i1 to vector<16xi1>
      %reduce_sum3A_1213 = tpu.scan <sum>, %add3A_1194 masked %reduce_sum3A_1212 : vector<16xf32>, vector<16xi1> -> vector<16xf32>
      %reduce_sum3A_1214 = vector.extract %reduce_sum3A_1213[15] : f32 from vector<16xf32>
      %broadcast_in_dim3A_1215 = vector.broadcast %reduce_sum3A_1214 : f32 to vector<16xf32>
      %select_n3A_1216 = arith.select %eq3A_1204, %broadcast_in_dim3A_1215, %select_n3A_1146 : vector<16xi1>, vector<16xf32>
      %reduce_sum3A_1217 = arith.constant true
      %reduce_sum3A_1218 = vector.broadcast %reduce_sum3A_1217 : i1 to vector<16xi1>
      %reduce_sum3A_1219 = tpu.scan <sum>, %add3A_1201 masked %reduce_sum3A_1218 : vector<16xf32>, vector<16xi1> -> vector<16xf32>
      %reduce_sum3A_1220 = vector.extract %reduce_sum3A_1219[15] : f32 from vector<16xf32>
      %broadcast_in_dim3A_1221 = vector.broadcast %reduce_sum3A_1220 : f32 to vector<16xf32>
      %select_n3A_1222 = arith.select %eq3A_1204, %broadcast_in_dim3A_1221, %select_n3A_1152 : vector<16xi1>, vector<16xf32>
      %mul3A_1223 = arith.constant 16 : i32
      %mul3A_1224 = arith.muli %scan3A_105, %mul3A_1223 : i32
      %get3A_1225 = arith.index_cast %mul3A_1224 : i32 to index
      %get3A_1226 = tpu.vector_load %arg16[%get3A_1225] {strides = array<i32>} : memref<128xi32, #tpu.memory_space<vmem>>, vector<16xi32>,
      %convert_element_type3A = arith.sitofp %get3A_1226 : vector<16xi32> to vector<16xf32>
      %mul3A_1227 = arith.constant 16 : i32
      %mul3A_1228 = arith.muli %scan3A_105, %mul3A_1227 : i32
      %get3A_1229 = arith.index_cast %mul3A_1228 : i32 to index
      %get3A_1230 = tpu.vector_load %arg17[%get3A_1229] {strides = array<i32>} : memref<128xi32, #tpu.memory_space<vmem>>, vector<16xi32>,
      %convert_element_type3A_1231 = arith.sitofp %get3A_1230 : vector<16xi32> to vector<16xf32>
      %bitcast3A = vector.bitcast %select_n3A_1216 : vector<16xf32> to vector<16xi32>
      %shift_right_logical3A = arith.constant 1 : i32
      %shift_right_logical3A_1232 = vector.broadcast %shift_right_logical3A : i32 to vector<16xi32>
      %shift_right_logical3A_1233 = arith.shrui %bitcast3A, %shift_right_logical3A_1232 : vector<16xi32>
      %sub3A_1234 = arith.constant 1597463007 : i32
      %sub3A_1235 = vector.broadcast %sub3A_1234 : i32 to vector<16xi32>
      %sub3A_1236 = arith.subi %sub3A_1235, %shift_right_logical3A_1233 : vector<16xi32>
      %bitcast3A_1237 = vector.bitcast %sub3A_1236 : vector<16xi32> to vector<16xf32>
      %mul3A_1238 = arith.constant 5.000000e-01 : f32
      %mul3A_1239 = vector.broadcast %mul3A_1238 : f32 to vector<16xf32>
      %mul3A_1240 = arith.mulf %mul3A_1239, %select_n3A_1216 : vector<16xf32>
      %mul3A_1241 = arith.mulf %mul3A_1240, %bitcast3A_1237 : vector<16xf32>
      %mul3A_1242 = arith.mulf %mul3A_1241, %bitcast3A_1237 : vector<16xf32>
      %sub3A_1243 = arith.constant 1.500000e+00 : f32
      %sub3A_1244 = vector.broadcast %sub3A_1243 : f32 to vector<16xf32>
      %sub3A_1245 = arith.subf %sub3A_1244, %mul3A_1242 : vector<16xf32>
      %mul3A_1246 = arith.mulf %bitcast3A_1237, %sub3A_1245 : vector<16xf32>
      %mul3A_1247 = arith.constant 5.000000e-01 : f32
      %mul3A_1248 = vector.broadcast %mul3A_1247 : f32 to vector<16xf32>
      %mul3A_1249 = arith.mulf %mul3A_1248, %select_n3A_1216 : vector<16xf32>
      %mul3A_1250 = arith.mulf %mul3A_1249, %mul3A_1246 : vector<16xf32>
      %mul3A_1251 = arith.mulf %mul3A_1250, %mul3A_1246 : vector<16xf32>
      %sub3A_1252 = arith.constant 1.500000e+00 : f32
      %sub3A_1253 = vector.broadcast %sub3A_1252 : f32 to vector<16xf32>
      %sub3A_1254 = arith.subf %sub3A_1253, %mul3A_1251 : vector<16xf32>
      %mul3A_1255 = arith.mulf %mul3A_1246, %sub3A_1254 : vector<16xf32>
      %mul3A_1256 = arith.constant 5.000000e-01 : f32
      %mul3A_1257 = vector.broadcast %mul3A_1256 : f32 to vector<16xf32>
      %mul3A_1258 = arith.mulf %mul3A_1257, %select_n3A_1216 : vector<16xf32>
      %mul3A_1259 = arith.mulf %mul3A_1258, %mul3A_1255 : vector<16xf32>
      %mul3A_1260 = arith.mulf %mul3A_1259, %mul3A_1255 : vector<16xf32>
      %sub3A_1261 = arith.constant 1.500000e+00 : f32
      %sub3A_1262 = vector.broadcast %sub3A_1261 : f32 to vector<16xf32>
      %sub3A_1263 = arith.subf %sub3A_1262, %mul3A_1260 : vector<16xf32>
      %mul3A_1264 = arith.mulf %mul3A_1255, %sub3A_1263 : vector<16xf32>
      %mul3A_1265 = arith.mulf %select_n3A_1216, %mul3A_1264 : vector<16xf32>
      %div3A_1266 = arith.divf %mul3A_1265, %convert_element_type3A : vector<16xf32>
      %max3A = arith.constant 9.99999993E-9 : f32
      %max3A_1267 = vector.broadcast %max3A : f32 to vector<16xf32>
      %max3A_1268 = arith.maximumf %div3A_1266, %max3A_1267 : vector<16xf32>
      %bitcast3A_1269 = vector.bitcast %select_n3A_1222 : vector<16xf32> to vector<16xi32>
      %shift_right_logical3A_1270 = arith.constant 1 : i32
      %shift_right_logical3A_1271 = vector.broadcast %shift_right_logical3A_1270 : i32 to vector<16xi32>
      %shift_right_logical3A_1272 = arith.shrui %bitcast3A_1269, %shift_right_logical3A_1271 : vector<16xi32>
      %sub3A_1273 = arith.constant 1597463007 : i32
      %sub3A_1274 = vector.broadcast %sub3A_1273 : i32 to vector<16xi32>
      %sub3A_1275 = arith.subi %sub3A_1274, %shift_right_logical3A_1272 : vector<16xi32>
      %bitcast3A_1276 = vector.bitcast %sub3A_1275 : vector<16xi32> to vector<16xf32>
      %mul3A_1277 = arith.constant 5.000000e-01 : f32
      %mul3A_1278 = vector.broadcast %mul3A_1277 : f32 to vector<16xf32>
      %mul3A_1279 = arith.mulf %mul3A_1278, %select_n3A_1222 : vector<16xf32>
      %mul3A_1280 = arith.mulf %mul3A_1279, %bitcast3A_1276 : vector<16xf32>
      %mul3A_1281 = arith.mulf %mul3A_1280, %bitcast3A_1276 : vector<16xf32>
      %sub3A_1282 = arith.constant 1.500000e+00 : f32
      %sub3A_1283 = vector.broadcast %sub3A_1282 : f32 to vector<16xf32>
      %sub3A_1284 = arith.subf %sub3A_1283, %mul3A_1281 : vector<16xf32>
      %mul3A_1285 = arith.mulf %bitcast3A_1276, %sub3A_1284 : vector<16xf32>
      %mul3A_1286 = arith.constant 5.000000e-01 : f32
      %mul3A_1287 = vector.broadcast %mul3A_1286 : f32 to vector<16xf32>
      %mul3A_1288 = arith.mulf %mul3A_1287, %select_n3A_1222 : vector<16xf32>
      %mul3A_1289 = arith.mulf %mul3A_1288, %mul3A_1285 : vector<16xf32>
      %mul3A_1290 = arith.mulf %mul3A_1289, %mul3A_1285 : vector<16xf32>
      %sub3A_1291 = arith.constant 1.500000e+00 : f32
      %sub3A_1292 = vector.broadcast %sub3A_1291 : f32 to vector<16xf32>
      %sub3A_1293 = arith.subf %sub3A_1292, %mul3A_1290 : vector<16xf32>
      %mul3A_1294 = arith.mulf %mul3A_1285, %sub3A_1293 : vector<16xf32>
      %mul3A_1295 = arith.constant 5.000000e-01 : f32
      %mul3A_1296 = vector.broadcast %mul3A_1295 : f32 to vector<16xf32>
      %mul3A_1297 = arith.mulf %mul3A_1296, %select_n3A_1222 : vector<16xf32>
      %mul3A_1298 = arith.mulf %mul3A_1297, %mul3A_1294 : vector<16xf32>
      %mul3A_1299 = arith.mulf %mul3A_1298, %mul3A_1294 : vector<16xf32>
      %sub3A_1300 = arith.constant 1.500000e+00 : f32
      %sub3A_1301 = vector.broadcast %sub3A_1300 : f32 to vector<16xf32>
      %sub3A_1302 = arith.subf %sub3A_1301, %mul3A_1299 : vector<16xf32>
      %mul3A_1303 = arith.mulf %mul3A_1294, %sub3A_1302 : vector<16xf32>
      %mul3A_1304 = arith.mulf %select_n3A_1222, %mul3A_1303 : vector<16xf32>
      %div3A_1305 = arith.divf %mul3A_1304, %convert_element_type3A_1231 : vector<16xf32>
      %max3A_1306 = arith.constant 9.99999993E-9 : f32
      %max3A_1307 = vector.broadcast %max3A_1306 : f32 to vector<16xf32>
      %max3A_1308 = arith.maximumf %div3A_1305, %max3A_1307 : vector<16xf32>
      %mul3A_1309 = arith.mulf %convert_element_type3A, %convert_element_type3A_1231 : vector<16xf32>
      %mul3A_1310 = arith.mulf %mul3A_1309, %max3A_1268 : vector<16xf32>
      %mul3A_1311 = arith.mulf %mul3A_1310, %max3A_1308 : vector<16xf32>
      %div3A_1312 = arith.divf %select_n3A_1210, %mul3A_1311 : vector<16xf32>
      %mul3A_1313 = arith.constant 5.000000e+00 : f32
      %mul3A_1314 = vector.broadcast %mul3A_1313 : f32 to vector<16xf32>
      %mul3A_1315 = arith.mulf %div3A_1312, %mul3A_1314 : vector<16xf32>
      %mul3A_1316 = arith.constant 16 : i32
      %mul3A_1317 = arith.muli %scan3A_105, %mul3A_1316 : i32
      %swap3A = arith.index_cast %mul3A_1317 : i32 to index
      %swap3A_1318 = tpu.vector_load %arg18[%swap3A] {strides = array<i32>} : memref<128xf32, #tpu.memory_space<vmem>>, vector<16xf32>,
      tpu.vector_store %arg18[%swap3A], %mul3A_1315 {strides = array<i32>} : memref<128xf32, #tpu.memory_space<vmem>>, vector<16xf32>,
    }
    %scan3A_104 = arith.constant 8 : i32
    "tpu.region"() ({
      %run_scoped3A = tpu.sem_alloc : memref<!tpu.dma_semaphore, #tpu.memory_space<semaphore_mem>>
      %dma_start3A_105 = tpu.memref_slice %arg7[%mul3A_2] : memref<4096xf32, #tpu.memory_space<hbm>> -> memref<128xf32, #tpu.memory_space<hbm>>
      %dma_start3A_106 = tpu.memref_slice %arg7[%mul3A_2] : memref<4096xf32, #tpu.memory_space<hbm>> -> memref<128xf32, #tpu.memory_space<hbm>>
      tpu.enqueue_dma source(%arg18 : memref<128xf32, #tpu.memory_space<vmem>>) target(%dma_start3A_106 : memref<128xf32, #tpu.memory_space<hbm>>) target_semaphore(%run_scoped3A : memref<!tpu.dma_semaphore, #tpu.memory_space<semaphore_mem>>)
      %dma_wait3A = tpu.memref_slice %arg7[%mul3A_2] : memref<4096xf32, #tpu.memory_space<hbm>> -> memref<128xf32, #tpu.memory_space<hbm>>
      %dma_wait3A_107 = tpu.memref_slice %arg7[%mul3A_2] : memref<4096xf32, #tpu.memory_space<hbm>> -> memref<128xf32, #tpu.memory_space<hbm>>
      tpu.wait_dma2 semaphore(%run_scoped3A : memref<!tpu.dma_semaphore, #tpu.memory_space<semaphore_mem>>) src(%arg18 : memref<128xf32, #tpu.memory_space<vmem>>) dst(%dma_wait3A_107 : memref<128xf32, #tpu.memory_space<hbm>>)
      tpu.yield
    }) : () -> ()
    return
  }
}

module attributes {stable_mosaic.version = 14 : i64} {
  func.func @body(%arg0: i32, %arg1: memref<64x2048xf32, #tpu.memory_space<vmem>>, %arg2: memref<64x64xf32, #tpu.memory_space<vmem>>, %arg3: memref<2048x128xf32, #tpu.memory_space<vmem>>) attributes {dimension_semantics = [#tpu.dimension_semantics<arbitrary>], iteration_bounds = array<i64: 49>, scalar_prefetch = 0 : i64, scratch_operands = 0 : i64, tpu.core_type = #tpu.core_type<tc>, window_params = [{transform_indices = @transform_0, window_bounds = array<i64: 64, 2048>}, {pipeline_mode = #tpu.pipeline_mode<synchronous>, transform_indices = @transform_1, window_bounds = array<i64: 64, 64>}, {transform_indices = @transform_2, window_bounds = array<i64: 2048, 128>}]} {
    %get3A = arith.constant 0 : index
    %get3A_0 = arith.constant 0 : index
    %get3A_1 = vector.load %arg1[%get3A, %get3A_0] : memref<64x2048xf32, #tpu.memory_space<vmem>>, vector<64x2048xf32>
    %get3A_2 = arith.constant 0 : index
    %get3A_3 = arith.constant 0 : index
    %get3A_4 = vector.load %arg2[%get3A_2, %get3A_3] : memref<64x64xf32, #tpu.memory_space<vmem>>, vector<64x64xf32>
    %dot_general3A = arith.constant dense<0.000000e+00> : vector<2048x64xf32>
    %dot_general3A_5 = tpu.matmul %get3A_1, %get3A_4, %dot_general3A {dimension_numbers = #tpu.dot_dimension_numbers<[0], [0], [1], [1], [0, 1, 1, 1], [], []>, transpose_lhs_hint = false} : vector<64x2048xf32>, vector<64x64xf32>, vector<2048x64xf32> -> vector<2048x64xf32>
    %swap3A = arith.constant 0 : index
    %swap3A_6 = arith.constant 0 : index
    %swap3A_7 = vector.load %arg3[%swap3A, %swap3A_6] : memref<2048x128xf32, #tpu.memory_space<vmem>>, vector<2048x64xf32>
    tpu.vector_store %arg3[%swap3A, %swap3A_6], %dot_general3A_5 {strides = array<i32>} : memref<2048x128xf32, #tpu.memory_space<vmem>>, vector<2048x64xf32>,
    return
  }
  func.func @transform_0(%arg0: i32) -> (i32, i32) {
    %c0_i32 = arith.constant 0 : i32
    %c0_i32_0 = arith.constant 0 : i32
    return %c0_i32, %arg0 : i32, i32
  }
  func.func @transform_1(%arg0: i32) -> (i32, i32) {
    %c0_i32 = arith.constant 0 : i32
    %c0_i32_0 = arith.constant 0 : i32
    %c0_i32_1 = arith.constant 0 : i32
    return %c0_i32, %c0_i32_0 : i32, i32
  }
  func.func @transform_2(%arg0: i32) -> (i32, i32) {
    %c0_i32 = arith.constant 0 : i32
    %c0_i32_0 = arith.constant 0 : i32
    return %arg0, %c0_i32 : i32, i32
  }
}

</mosaic_0001>

<sc_bundles>
// kernel: kernel.4.cloned.1.call-start
scs
__scs_entry_jumppad:
0x0: {  	(pc) =	sbr.rel $0x88, $3  }
0x1: {  	(tag) =	ssettag $0x0;
	lr =	simm.s32 $0x1  }
0x2: {  	[smem:$0x3F9C] =	sst lr;
	_ =	strace $0xD0000000  }
0x3: {  	_ = 	snop  }
0x4: {  	_ = 	snop  }
0x5: {  	_ = 	snop  }
0x6: {  	_ = 	snop  }
0x7: {  	_ = 	snop  }
__scs_overlays_trampoline_lowered:
0x8: {  	[smem:$0x3FAB] =	sst s0  }
0x9: {  	[smem:$0x3FAC] =	sst s1  }
0xa: {  	[smem:$0x3FAD] =	sst s2  }
0xb: {  	[smem:$0x3FAE] =	sst s3  }
0xc: {  	[smem:$0x3FAF] =	sst s4  }
0xd: {  	[smem:$0x3FB0] =	sst s5  }
0xe: {  	[smem:$0x3FB1] =	sst s6  }
0xf: {  	[smem:$0x3FB2] =	sst s7  }
0x10: {  	[smem:$0x3FB3] =	sst s8  }
0x11: {  	[smem:$0x3FB4] =	sst s9;
	s0 =	simm.s32 @!p0 $0x0  }
0x12: {  	s1 =	sld [smem:$0x3F9A];
	s0 =	simm.s32 @p0 $0x1  }
0x13: {  	[smem:$0x3FB5] =	sst s0;
	s0 =	simm.s32 @!p1 $0x0  }
0x14: {  	s2 =	sld [smem:$0x3F99];
	s0 =	simm.s32 @p1 $0x1  }
0x15: {  	[smem:$0x3FB6] =	sst s0;
	s0 =	simm.s32 @!p2 $0x0  }
0x16: {  	s3 =	sld [smem:$0x3FDB];
	s0 =	simm.s32 @p2 $0x1  }
0x17: {  	s4 =	simm.s32 $0x1BF5;
	[smem:$0x3FB8] =	sst s0  }
0x18: {  	s0 =	sld [smem:$0x3F9B];
	_ =	swait.ge [sflag:s4], $0x0  }
0x19: {  	s7 =	sld [smem:$0x3F9C]  }
0x1a: {  	s8 =	sadd.s32 $0xFFFFE003, lr  }
0x1b: {  	s9 =	sadd.s32 $0xFFFFFEF7, lr;
	s5 =	simm.s32 $0xFFFFFFFF;
	p2 =	slt.u32 s8, $0xFFFFF086  }
0x1c: {  	p1 =	slt.u32 s9, $0xF7A;
	s5 =	simm.s32 @!p2 $0x0  }
0x1d: {  	s5 =	simm.s32 @p1 $0x1;
	p0 =	seq.s32 s7, s2  }
0x1e: {  	s7 =	smul.u32 @!p0 $0xF7A, s2;
	p2 =	seq.s32 @!p0 s5, $0x0  }
0x1f: {  	s9 =	smul.u32 $0xF7A, s1;
	s8 =	simm.s32 @!p0 $0x1BF5;
	p2 =	por !p2, p0  }
0x20: {  	[sflag:s8] =	ssyncset.s32 @!p0 $0xFFFFF086;
	s6 =	sadd.s32 @!p0 s3, s7;
	s7 =	simm.s32 @!p0 $0x108  }
0x21: {  	s3 =	sadd.s32 s3, s9;
	s6 =	sadd.s32 @!p0 $0x88, s6;
	s7 =	simm.s32 @p2 $0x1082  }
0x22: {  	[simem:s7], [sflag:s8] =	dma.local @!p0 [hbm:s6], $0xF7A  }
0x23: {  	s9 =	sor.u32 $0xD0000000, s2;
	s6 =	simm.s32 $0x108;
	_ =	swait.ge @!p0 [sflag:s8], $0x0  }
0x24: {  	s3 =	sadd.s32 $0x88, s3;
	s6 =	simm.s32 @!p1 $0x1082;
	[sflag:s4] =	ssyncset.s32 $0xFFFFF086  }
0x25: {  	[simem:s6], [sflag:s4] =	dma.local [hbm:s3], $0xF7A  }
0x26: {  	[smem:$0x3F9C] =	sst s1;
	(tag) =	ssettag s2;
	_ =	strace s9  }
0x27: {  	s1 =	sld [smem:$0x3FAC]  }
0x28: {  	s2 =	sld [smem:$0x3FAD]  }
0x29: {  	s4 =	sld [smem:$0x3FAF]  }
0x2a: {  	p0 =	seq.s32 s5, $0x0;
	s5 =	sld [smem:$0x3FB0]  }
0x2b: {  	s6 =	sld [smem:$0x3FB1]  }
0x2c: {  	s7 =	sld [smem:$0x3FB2]  }
0x2d: {  	s3 =	simm.s32 $0x108;
	s8 =	sld [smem:$0x3FB3]  }
0x2e: {  	s3 =	simm.s32 @!p0 $0x1082;
	s9 =	sld [smem:$0x3FB4]  }
0x2f: {  	lr =	sadd.s32 s0, s3;
	s0 =	sld [smem:$0x3FAB]  }
0x30: {  	s3 =	sld [smem:$0x3FAE]  }
0x31: {  	[smem:$0x3FB7] =	sst s10  }
0x32: {  	s10 =	sld [smem:$0x3FB5];
	_ =	sdelay $0x3  }
0x33: {  	p0 =	seq.s32 s10, $0x1;
	s10 =	sld [smem:$0x3FB7];
	_ =	sdelay $0x3  }
0x34: {  	[smem:$0x3FB7] =	sst s10  }
0x35: {  	s10 =	sld [smem:$0x3FB6];
	_ =	sdelay $0x3  }
0x36: {  	p1 =	seq.s32 s10, $0x1;
	s10 =	sld [smem:$0x3FB7];
	_ =	sdelay $0x3  }
0x37: {  	[smem:$0x3FB7] =	sst s10  }
0x38: {  	s10 =	sld [smem:$0x3FB8]  }
0x39: {  	_ = 	snop;
	(pc) =	sbr.ind lr, $3  }
0x3a: {  	_ = 	snop  }
0x3b: {  	_ = 	snop  }
0x3c: {  	p2 =	seq.s32 s10, $0x1;
	s10 =	sld [smem:$0x3FB7]  }
0x3d: {  	_ =	shalt  }
0x3e: {  	_ =	shalt  }
0x3f: {  	_ =	shalt  }
0x40: {  	_ =	shalt  }
0x41: {  	_ =	shalt  }
0x42: {  	_ =	shalt  }
0x43: {  	_ =	shalt  }
0x44: {  	_ =	shalt  }
0x45: {  	_ =	shalt  }
0x46: {  	_ =	shalt  }
0x47: {  	_ =	shalt  }
0x48: {  	_ =	shalt  }
0x49: {  	_ =	shalt  }
0x4a: {  	_ =	shalt  }
0x4b: {  	_ =	shalt  }
0x4c: {  	_ =	shalt  }
0x4d: {  	_ =	shalt  }
0x4e: {  	_ =	shalt  }
0x4f: {  	_ =	shalt  }
0x50: {  	_ =	shalt  }
0x51: {  	_ =	shalt  }
0x52: {  	_ =	shalt  }
0x53: {  	_ =	shalt  }
0x54: {  	_ =	shalt  }
0x55: {  	_ =	shalt  }
0x56: {  	_ =	shalt  }
0x57: {  	_ =	shalt  }
0x58: {  	_ =	shalt  }
0x59: {  	_ =	shalt  }
0x5a: {  	_ =	shalt  }
0x5b: {  	_ =	shalt  }
0x5c: {  	_ =	shalt  }
0x5d: {  	_ =	shalt  }
0x5e: {  	_ =	shalt  }
0x5f: {  	_ =	shalt  }
0x60: {  	_ =	shalt  }
0x61: {  	_ =	shalt  }
0x62: {  	_ =	shalt  }
0x63: {  	_ =	shalt  }
0x64: {  	_ =	shalt  }
0x65: {  	_ =	shalt  }
0x66: {  	_ =	shalt  }
0x67: {  	_ =	shalt  }
0x68: {  	_ =	shalt  }
0x69: {  	_ =	shalt  }
0x6a: {  	_ =	shalt  }
0x6b: {  	_ =	shalt  }
0x6c: {  	_ =	shalt  }
0x6d: {  	_ =	shalt  }
0x6e: {  	_ =	shalt  }
0x6f: {  	_ =	shalt  }
0x70: {  	_ =	shalt  }
0x71: {  	_ =	shalt  }
0x72: {  	_ =	shalt  }
0x73: {  	_ =	shalt  }
0x74: {  	_ =	shalt  }
0x75: {  	_ =	shalt  }
0x76: {  	_ =	shalt  }
0x77: {  	_ =	shalt  }
0x78: {  	_ =	shalt  }
0x79: {  	_ =	shalt  }
0x7a: {  	_ =	shalt  }
0x7b: {  	_ =	shalt  }
0x7c: {  	_ =	shalt  }
0x7d: {  	_ =	shalt  }
0x7e: {  	_ =	shalt  }
0x7f: {  	_ =	shalt  }
0x80: {  	_ =	shalt  }
0x81: {  	_ =	shalt  }
0x82: {  	_ =	shalt  }
0x83: {  	_ =	shalt  }
0x84: {  	_ =	shalt  }
0x85: {  	_ =	shalt  }
0x86: {  	_ =	shalt  }
0x87: {  	_ =	shalt  }
.Lfunc_end0:
.L_simem_size_0:
called_computation_lowered:
.L_overlay_start_0:
0x88: {  	s2 =	sld [smem:$0x3FD9]  }
0x89: {  	s3 =	sld [smem:$0x3FFE];
	_ =	sdelay $0x1  }
0x8a: {  	s1 =	srdreg.scid  }
0x8b: {  	s0 =	sand.u32 $0x1, s1  }
0x8c: {  	s17 =	sshll.u32 s0, $0xA;
	s2 =	sadd.s32 s3, s2  }
0x8d: {  	s2 =	sadd.s32 s2, s17  }
0x8e: {  	[smem:$0x3FC3] =	sst s2  }
0x8f: {  	_ = 	snop  }
0x90: {  	s2 =	sld [smem:$0x3FC7]  }
0x91: {  	s18 =	sld [smem:$0x3FC6]  }
0x92: {  	s4 =	sld [smem:$0x3FD0];
	(tm) =	ssettm $0x1  }
0x93: {  	s5 =	sld [smem:$0x3FFB];
	_ =	sdelay $0x3  }
0x94: {  	_ =	strace s5  }
0x95: {  	s5 =	sld [smem:$0x3FFC];
	_ =	sdelay $0x3  }
0x96: {  	_ =	strace s5  }
0x97: {  	s5 =	sld [smem:$0x3FFD];
	_ =	sdelay $0x3  }
0x98: {  	_ =	strace s5  }
0x99: {  	_ =	strace $0x8FFFFFFF  }
0x9a: {  	s19 =	sld [smem:$0x3FDB];
	_ =	sdelay $0x1  }
0x9b: {  	s6 =	simm.s32 $_scs_section_size  }
0x9c: {  	s7 =	simm.s32 $_size__tile_overlayer_lowered;
	s8 =	simm.s32 $_tile_overlayer_lowered  }
0x9d: {  	s22 =	simm.s32 $0x1BFF;
	s21 =	sshll.u32 s8, $0x1;
	s5 =	sadd.s32 s6, s19  }
0x9e: {  	s9 =	simm.s32 $0x0;
	s20 =	sshll.u32 s7, $0x1;
	s7 =	sadd.s32 s21, s5  }
0x9f: {  	[timem:s9], [sflag:s22] =	dma.local [hbm:s7], s20  }
0xa0: {  	_ =	swait.ge [sflag:s22], s20  }
0xa1: {  	s6 =	ssub.s32 $0x0, s20;
	[sflag:s22] =	ssyncset.done $0x0  }
0xa2: {  	[sflag:s22] =	ssyncadd.s32 s6;
	_ =	sdelay $0x1  }
0xa3: {  	s23 =	simm.s32 $0x1B8B  }
0xa4: {  	_ =	swait.ge [sflag:s23], $0x1  }
0xa5: {  	[sflag:s23] =	ssyncset.done $0x0  }
0xa6: {  	s25 =	simm.s32 $0x1B8E;
	s24 =	sld [smem:$0x3FFE];
	[sflag:s23] =	ssyncadd.s32 $0xFFFFFFFF  }
0xa7: {  	s26 =	simm.s32 $execute0_lowered;
	[smem:$0x3FD2] =	sst s25  }
0xa8: {  	s7 =	sshll.u32 s26, $0x1;
	_ =	strace $0x80000046;
	[dreg:$0x1] =	wrdreg $0xFFFFFFFF  }
0xa9: {  	s28 =	simm.s32 $_size_execute0_lowered;
	s5 =	sadd.s32 s5, s7;
	[dreg:$0x0] =	wrdreg $0x0  }
0xaa: {  	s7 =	sshll.u32 s28, $0x1;
	[dreg:$0x2] =	wrdreg s5  }
0xab: {  	[dreg:$0x3] =	wrdreg s7  }
0xac: {  	[dreg:$0x4] =	wrdreg $0xC0  }
0xad: {  	_ =	task [dreg:s9], $0x5FFFF  }
0xae: {  	[dreg:$0x1] =	wrdreg $0xFFFFFFFF  }
0xaf: {  	[dreg:$0x0] =	wrdreg $0x60  }
0xb0: {  	[dreg:$0x2] =	wrdreg s24  }
0xb1: {  	[dreg:$0x3] =	wrdreg s2  }
0xb2: {  	[dreg:$0x4] =	wrdreg s18  }
0xb3: {  	[dreg:$0x5] =	wrdreg s4  }
0xb4: {  	[dreg:$0x6] =	wrdreg $0x9  }
0xb5: {  	_ =	task.clear_ibuf [dreg:s9], $0x7FFFF;
	_ =	strace $0x90000046  }
0xb6: {  	s29 =	simm.s32 $0x9;
	_ =	strace $0x80000048  }
0xb7: {  	_ =	swait.ge [sflag:s29], $0x1  }
0xb8: {  	[sflag:s29] =	ssyncadd.s32 $0xFFFFFFFF  }
0xb9: {  	_ =	strace $0x90000048  }
0xba: {  	_ =	sfence  }
0xbb: {  	s30 =	sld [smem:$0x0];
	_ =	sdelay $0x2  }
0xbc: {  	s31 =	sshll.u32 s1, $0xD;
	s1 =	sshrl.u32 s1, $0x2  }
0xbd: {  	s3 =	sand.u32 $0x4000, s31;
	s1 =	sadd.s32 s1, s30  }
0xbe: {  	s0 =	sor.u32 s3, s0;
	s1 =	sshll.u32 s1, $0x11  }
0xbf: {  	s0 =	sor.u32 s1, s0  }
0xc0: {  	s0 =	sadd.s32 $0x8F2B, s0  }
0xc1: {  	[sflag:s0] =	ssyncadd.remote.s32 $0x1  }
0xc2: {  	_ =	sfence.sel $0xFFFF  }
0xc3: {  	[dreg:$0x0] =	wrdreg $0xFFFFFFFF;
	(pc) =	sbr.abs _section_cstart, $3  }
0xc4: {  	[dreg:$0x1] =	wrdreg $0xFFFFFFFF  }
0xc5: {  	_ =	task.clear_ibuf [dreg:s9], $0x2FFFF;
	_ =	strace $0x9FFFFFFF  }
0xc6: {  	(tm) =	ssettm $0x7FFFFFFF  }
0xc7: {  	_ =	shalt  }
tec
execute0_lowered:
.L_overlay_start_1:
0x0: {  	(tag) =	ssettag $0x1  }
0x1: {  	s3 =	rddreg [dreg:$0x0]  }
0x2: {  	s6 =	rddreg [dreg:$0x1]  }
0x3: {  	s7 =	rddreg [dreg:$0x2]  }
0x4: {  	s8 =	rddreg [dreg:$0x3]  }
0x5: {  	s2 =	srdreg.scid;
	s1 =	stileid.u32;
	s11 =	simm.s32 $0x1000  }
0x6: {  	s12 =	simm.s32 $0x5;
	s13 =	simm.s32 $0x1900;
	s14 =	simm.s32 $0x3200  }
0x7: {  	s15 =	simm.s32 $0x5200;
	s16 =	simm.s32 $0x7200;
	s17 =	simm.s32 $0xF200  }
0x8: {  	s18 =	simm.s32 $0xF280;
	s19 =	simm.s32 $0x1;
	s20 =	simm.s32 $0x9200  }
0x9: {  	s21 =	simm.s32 $0x2;
	s22 =	simm.s32 $0x3;
	s23 =	simm.s32 $0x4  }
0xa: {  	s24 =	simm.s32 $0xF300;
	s25 =	simm.s32 $0x0;
	s4 =	sand.u32 $0x1, s2  }
0xb: {  	v0 =	vimm.f32 $0.0e+00;
	s2 =	simm.s32 $0x0;
	s5 =	sshll.u32 s1, $0x5;
	s9 =	sshll.u32 s4, $0x4  }
0xc: {  	vm0 =	vmmov $0x1;
	vm1 =	vmmov $0x3;
	vm2 =	vmmov $0x7;
	[smem:$0x7FF] =	sst s2;
	s4 =	ssub.s32 $0x2, s4;
	s9 =	sor.u32 s9, s5  }
0xd: {  	vm3 =	vmmov $0xf;
	vm4 =	vmmov $0x1f;
	vm5 =	vmmov $0x3f;
	_ =	strace $0x80000047;
	s10 =	sshrl.u32 s4, $0x1;
	s5 =	sadd.s32 s9, s3  }
0xe: {  	vm6 =	vmmov $0x7f;
	vm7 =	vmmov $0xff;
	vm8 =	vmmov $0x1ff;
	s3 =	sadd.s32 $0xCC00, s3;
	s10 =	ssub.s32 s4, s10;
	s6 =	sadd.s32 s6, s9  }
0xf: {  	vm9 =	vmmov $0x3ff;
	vm10 =	vmmov $0x7ff;
	vm11 =	vmmov $0xfff;
	s7 =	sadd.s32 s7, s9;
	s8 =	sadd.s32 s8, s9;
	s4 =	sadd.s32 $0x400, s5  }
0x10: {  	vm12 =	vmmov $0x1fff;
	vm13 =	vmmov $0x3fff;
	vm14 =	vmmov $0x7fff;
	s5 =	sadd.s32 $0x6800, s5;
	s9 =	smax.u32 s10, $0x1;
	s10 =	simm.s32 $0x80  }
.LBB2_1:
0x11: {  	[tilespmem:s2], [sflag:$0x5] =	stream.strided.gather [hbm4b:s4+s10], $0x1900, s11, s10, $0x38;
	[tilespmem:$0xF380] =	vst v63  }
0x12: {  	_ =	swait.ge [sflag:s12], $0x1900  }
0x13: {  	[sflag:s12] =	ssyncset.done $0x0  }
0x14: {  	[sflag:s12] =	ssyncadd.s32 $0xFFFFE700  }
0x15: {  	[tilespmem:s13], [sflag:$0x5] =	stream.strided.gather [hbm4b:s5+s10], $0x1900, s11, s10, $0x38;
	[tilespmem:$0xF380] =	vst v63  }
0x16: {  	_ =	swait.ge [sflag:s12], $0x1900  }
0x17: {  	[sflag:s12] =	ssyncset.done $0x0  }
0x18: {  	[sflag:s12] =	ssyncadd.s32 $0xFFFFE700  }
0x19: {  	[tilespmem:s14], [sflag:$0x1] =	stream.indirect.gather [hbm4b:s3+s10], $0x40, s2, s10, $0xb8;
	[tilespmem:$0xF380] =	vst v63  }
0x1a: {  	_ = 	snop  }
0x1b: {  	[tilespmem:s15], [sflag:$0x2] =	stream.indirect.gather [hbm4b:s3+s10], $0x40, s13, s10, $0xb8;
	[tilespmem:$0xF380] =	vst v63  }
0x1c: {  	_ = 	snop  }
0x1d: {  	[tilespmem:s16], [sflag:$0x3] =	stream.indirect.gather [hbm4b:s3+s10], $0x40, s10, s10, $0xb8;
	[tilespmem:$0xF380] =	vst v63  }
0x1e: {  	_ = 	snop  }
0x1f: {  	[tilespmem:s17], [sflag:$0x5] =	stream.linear.gather [hbm4b:s6+s2], $0x80, $0x38;
	[tilespmem:$0xF380] =	vst v63  }
0x20: {  	_ =	swait.ge [sflag:s12], $0x80  }
0x21: {  	[sflag:s12] =	ssyncset.done $0x0  }
0x22: {  	[sflag:s12] =	ssyncadd.s32 $0xFFFFFF80  }
0x23: {  	[tilespmem:s18], [sflag:$0x5] =	stream.linear.gather [hbm4b:s7+s2], $0x80, $0x38;
	[tilespmem:$0xF380] =	vst v63  }
0x24: {  	_ =	swait.ge [sflag:s12], $0x80  }
0x25: {  	[sflag:s12] =	ssyncset.done $0x0  }
0x26: {  	s28 =	simm.s32 $0x0;
	s26 =	simm.s32 $0x400;
	[sflag:s12] =	ssyncadd.s32 $0xFFFFFF80  }
.LBB2_2:
0x27: {  	p0 =	sne.s32 s26, $0x7C00;
	[tilespmem:s28+$0xD2F0] =	vst v0  }
0x28: {  	[tilespmem:s28+$0xB200] =	vst v0  }
0x29: {  	[tilespmem:s28+$0xD200] =	vst v0  }
0x2a: {  	[tilespmem:s28+$0xB210] =	vst v0  }
0x2b: {  	[tilespmem:s28+$0xD210] =	vst v0  }
0x2c: {  	[tilespmem:s28+$0xB220] =	vst v0  }
0x2d: {  	[tilespmem:s28+$0xD220] =	vst v0  }
0x2e: {  	[tilespmem:s28+$0xB230] =	vst v0  }
0x2f: {  	[tilespmem:s28+$0xD230] =	vst v0  }
0x30: {  	[tilespmem:s28+$0xB240] =	vst v0  }
0x31: {  	[tilespmem:s28+$0xD240] =	vst v0  }
0x32: {  	[tilespmem:s28+$0xB250] =	vst v0  }
0x33: {  	[tilespmem:s28+$0xD250] =	vst v0  }
0x34: {  	[tilespmem:s28+$0xB260] =	vst v0  }
0x35: {  	[tilespmem:s28+$0xD260] =	vst v0  }
0x36: {  	[tilespmem:s28+$0xB270] =	vst v0  }
0x37: {  	[tilespmem:s28+$0xD270] =	vst v0  }
0x38: {  	[tilespmem:s28+$0xB280] =	vst v0  }
0x39: {  	[tilespmem:s28+$0xD280] =	vst v0  }
0x3a: {  	[tilespmem:s28+$0xB290] =	vst v0  }
0x3b: {  	[tilespmem:s28+$0xD290] =	vst v0  }
0x3c: {  	[tilespmem:s28+$0xB2A0] =	vst v0  }
0x3d: {  	[tilespmem:s28+$0xD2A0] =	vst v0  }
0x3e: {  	[tilespmem:s28+$0xB2B0] =	vst v0  }
0x3f: {  	[tilespmem:s28+$0xD2B0] =	vst v0  }
0x40: {  	[tilespmem:s28+$0xB2C0] =	vst v0  }
0x41: {  	[tilespmem:s28+$0xD2C0] =	vst v0  }
.Ltmp0:
0x42: {  	[tilespmem:s28+$0xB2D0] =	vst v0;
	(pc) =	sbr.rel @p0 .LBB2_2-.Ltmp0, $4  }
0x43: {  	[tilespmem:s28+$0xD2D0] =	vst v0  }
0x44: {  	[tilespmem:s28+$0xB2E0] =	vst v0  }
0x45: {  	[tilespmem:s28+$0xD2E0] =	vst v0  }
0x46: {  	[tilespmem:s28+$0xB2F0] =	vst v0;
	s28 =	sshra.s32 s26, $0x2;
	s26 =	sadd.s32 $0x400, s26  }
0x47: {  	[tilespmem:s28+$0xD2F0] =	vst v0  }
0x48: {  	[tilespmem:s28+$0xB200] =	vst v0  }
0x49: {  	[tilespmem:s28+$0xD200] =	vst v0  }
0x4a: {  	[tilespmem:s28+$0xB210] =	vst v0  }
0x4b: {  	[tilespmem:s28+$0xD210] =	vst v0  }
0x4c: {  	[tilespmem:s28+$0xB220] =	vst v0  }
0x4d: {  	[tilespmem:s28+$0xD220] =	vst v0  }
0x4e: {  	[tilespmem:s28+$0xB230] =	vst v0  }
0x4f: {  	[tilespmem:s28+$0xD230] =	vst v0  }
0x50: {  	[tilespmem:s28+$0xB240] =	vst v0  }
0x51: {  	[tilespmem:s28+$0xD240] =	vst v0  }
0x52: {  	[tilespmem:s28+$0xB250] =	vst v0  }
0x53: {  	[tilespmem:s28+$0xD250] =	vst v0  }
0x54: {  	[tilespmem:s28+$0xB260] =	vst v0  }
0x55: {  	[tilespmem:s28+$0xD260] =	vst v0  }
0x56: {  	[tilespmem:s28+$0xB270] =	vst v0  }
0x57: {  	[tilespmem:s28+$0xD270] =	vst v0  }
0x58: {  	[tilespmem:s28+$0xB280] =	vst v0  }
0x59: {  	[tilespmem:s28+$0xD280] =	vst v0  }
0x5a: {  	[tilespmem:s28+$0xB290] =	vst v0  }
0x5b: {  	[tilespmem:s28+$0xD290] =	vst v0  }
0x5c: {  	[tilespmem:s28+$0xB2A0] =	vst v0  }
0x5d: {  	[tilespmem:s28+$0xD2A0] =	vst v0  }
0x5e: {  	[tilespmem:s28+$0xB2B0] =	vst v0  }
0x5f: {  	[tilespmem:s28+$0xD2B0] =	vst v0  }
0x60: {  	[tilespmem:s28+$0xB2C0] =	vst v0  }
0x61: {  	[tilespmem:s28+$0xD2C0] =	vst v0  }
0x62: {  	[tilespmem:s28+$0xB2D0] =	vst v0  }
0x63: {  	[tilespmem:s28+$0xD2D0] =	vst v0  }
0x64: {  	[tilespmem:s28+$0xB2E0] =	vst v0  }
0x65: {  	[tilespmem:s28+$0xD2E0] =	vst v0  }
0x66: {  	s26 =	simm.s32 $0x0;
	[tilespmem:s28+$0xB2F0] =	vst v0  }
.LBB2_4:
0x67: {  	s29 =	sshll.u32 s26, $0xA;
	_ =	swait.ge [sflag:s19], $0x2000  }
0x68: {  	[sflag:s19] =	ssyncset.done $0x0;
	s28 =	sshrl.u32 s29, $0x2  }
0x69: {  	[sflag:s19] =	ssyncadd.s32 $0xFFFFE000;
	s30 =	sadd.s32 $0x1980, s28  }
0x6a: {  	[tilespmem:s20], [sflag:$0x4] =	stream.indirect.gather [hbm4b:s3+s10], $0x40, s30, s10, $0xb8;
	[tilespmem:$0xF380] =	vst v63  }
0x6b: {  	s31 =	simm.s32 $0x400;
	s30 =	simm.s32 $0x0  }
.LBB2_5:
0x6c: {  	p0 =	sne.s32 s31, $0x7C00;
	v0 =	vld [tilespmem:s30+$0x32F0]  }
0x6d: {  	v1 =	vld [tilespmem:s30+$0x3200]  }
0x6e: {  	v2 =	vld [tilespmem:s30+$0x3210]  }
0x6f: {  	v3 =	vld [tilespmem:s30+$0x3220]  }
0x70: {  	v4 =	vld [tilespmem:s30+$0x3230]  }
0x71: {  	[tilespmem:s30+$0xB2F0] =	vst.add.f32.msk $0xffff, v0  }
0x72: {  	v0 =	vld [tilespmem:s30+$0x3240]  }
0x73: {  	v5 =	vld [tilespmem:s30+$0x3250]  }
0x74: {  	v6 =	vld [tilespmem:s30+$0x3260]  }
0x75: {  	v7 =	vld [tilespmem:s30+$0x3270]  }
0x76: {  	v8 =	vld [tilespmem:s30+$0x3280]  }
0x77: {  	v9 =	vld [tilespmem:s30+$0x3290]  }
0x78: {  	v10 =	vld [tilespmem:s30+$0x32A0]  }
0x79: {  	v11 =	vld [tilespmem:s30+$0x32B0]  }
0x7a: {  	v12 =	vld [tilespmem:s30+$0x32C0]  }
0x7b: {  	v13 =	vld [tilespmem:s30+$0x32D0]  }
0x7c: {  	v14 =	vld [tilespmem:s30+$0x32E0]  }
0x7d: {  	[tilespmem:s30+$0xB200] =	vst.add.f32.msk $0xffff, v1  }
0x7e: {  	[tilespmem:s30+$0xB210] =	vst.add.f32.msk $0xffff, v2  }
0x7f: {  	[tilespmem:s30+$0xB220] =	vst.add.f32.msk $0xffff, v3  }
0x80: {  	[tilespmem:s30+$0xB230] =	vst.add.f32.msk $0xffff, v4  }
0x81: {  	[tilespmem:s30+$0xB240] =	vst.add.f32.msk $0xffff, v0  }
0x82: {  	[tilespmem:s30+$0xB250] =	vst.add.f32.msk $0xffff, v5  }
0x83: {  	[tilespmem:s30+$0xB260] =	vst.add.f32.msk $0xffff, v6  }
0x84: {  	[tilespmem:s30+$0xB270] =	vst.add.f32.msk $0xffff, v7  }
0x85: {  	[tilespmem:s30+$0xB280] =	vst.add.f32.msk $0xffff, v8  }
0x86: {  	[tilespmem:s30+$0xB290] =	vst.add.f32.msk $0xffff, v9  }
.Ltmp1:
0x87: {  	[tilespmem:s30+$0xB2A0] =	vst.add.f32.msk $0xffff, v10;
	(pc) =	sbr.rel @p0 .LBB2_5-.Ltmp1, $4  }
0x88: {  	[tilespmem:s30+$0xB2B0] =	vst.add.f32.msk $0xffff, v11  }
0x89: {  	[tilespmem:s30+$0xB2C0] =	vst.add.f32.msk $0xffff, v12  }
0x8a: {  	[tilespmem:s30+$0xB2D0] =	vst.add.f32.msk $0xffff, v13  }
0x8b: {  	[tilespmem:s30+$0xB2E0] =	vst.add.f32.msk $0xffff, v14;
	s30 =	sshra.s32 s31, $0x2;
	s31 =	sadd.s32 $0x400, s31  }
0x8c: {  	v0 =	vld [tilespmem:s30+$0x32F0]  }
0x8d: {  	v1 =	vld [tilespmem:s30+$0x3200]  }
0x8e: {  	v2 =	vld [tilespmem:s30+$0x3210]  }
0x8f: {  	v3 =	vld [tilespmem:s30+$0x3220]  }
0x90: {  	v4 =	vld [tilespmem:s30+$0x3230]  }
0x91: {  	v63 =	vld [tilespmem:s30+$0x3240]  }
0x92: {  	v5 =	vld [tilespmem:s30+$0x3250]  }
0x93: {  	v6 =	vld [tilespmem:s30+$0x3260]  }
0x94: {  	v7 =	vld [tilespmem:s30+$0x3270]  }
0x95: {  	v8 =	vld [tilespmem:s30+$0x3280]  }
0x96: {  	v9 =	vld [tilespmem:s30+$0x3290]  }
0x97: {  	v10 =	vld [tilespmem:s30+$0x32A0]  }
0x98: {  	v11 =	vld [tilespmem:s30+$0x32B0]  }
0x99: {  	v12 =	vld [tilespmem:s30+$0x32C0]  }
0x9a: {  	v13 =	vld [tilespmem:s30+$0x32D0]  }
0x9b: {  	v14 =	vld [tilespmem:s30+$0x32E0]  }
0x9c: {  	[tilespmem:s30+$0xB2F0] =	vst.add.f32.msk $0xffff, v0  }
0x9d: {  	[tilespmem:s30+$0xB200] =	vst.add.f32.msk $0xffff, v1  }
0x9e: {  	[tilespmem:s30+$0xB210] =	vst.add.f32.msk $0xffff, v2  }
0x9f: {  	[tilespmem:s30+$0xB220] =	vst.add.f32.msk $0xffff, v3  }
0xa0: {  	[tilespmem:s30+$0xB230] =	vst.add.f32.msk $0xffff, v4  }
0xa1: {  	[tilespmem:s30+$0xB240] =	vst.add.f32.msk $0xffff, v63  }
0xa2: {  	[tilespmem:s30+$0xB250] =	vst.add.f32.msk $0xffff, v5  }
0xa3: {  	[tilespmem:s30+$0xB260] =	vst.add.f32.msk $0xffff, v6  }
0xa4: {  	[tilespmem:s30+$0xB270] =	vst.add.f32.msk $0xffff, v7  }
0xa5: {  	[tilespmem:s30+$0xB280] =	vst.add.f32.msk $0xffff, v8  }
0xa6: {  	[tilespmem:s30+$0xB290] =	vst.add.f32.msk $0xffff, v9  }
0xa7: {  	[tilespmem:s30+$0xB2A0] =	vst.add.f32.msk $0xffff, v10  }
0xa8: {  	[tilespmem:s30+$0xB2B0] =	vst.add.f32.msk $0xffff, v11  }
0xa9: {  	[tilespmem:s30+$0xB2C0] =	vst.add.f32.msk $0xffff, v12  }
0xaa: {  	[tilespmem:s30+$0xB2D0] =	vst.add.f32.msk $0xffff, v13  }
0xab: {  	[tilespmem:s30+$0xB2E0] =	vst.add.f32.msk $0xffff, v14  }
0xac: {  	p0 =	seq.s32 s26, $0x18;
	_ =	swait.ge [sflag:s21], $0x2000  }
0xad: {  	s29 =	sshrl.u32 @!p0 s29, $0x2;
	s31 =	simm.s32 @!p0 $0x80;
	[sflag:s21] =	ssyncset.done $0x0  }
0xae: {  	s0 =	simm.s32 @!p0 $0x3200;
	s30 =	sadd.s32 @!p0 $0x100, s29;
	[sflag:s21] =	ssyncadd.s32 $0xFFFFE000  }
0xaf: {  	[tilespmem:s0], [sflag:$0x1] =	stream.indirect.gather @!p0 [hbm4b:s3+s31], $0x40, s30, s31, $0xb8;
	[tilespmem:$0xF380] =	vst v63  }
0xb0: {  	s30 =	simm.s32 $0x0;
	s31 =	simm.s32 $0x400  }
.LBB2_7:
0xb1: {  	p1 =	sne.s32 s31, $0x7C00;
	v0 =	vld [tilespmem:s30+$0x52F0]  }
0xb2: {  	v1 =	vld [tilespmem:s30+$0x5200]  }
0xb3: {  	v2 =	vld [tilespmem:s30+$0x5210]  }
0xb4: {  	v3 =	vld [tilespmem:s30+$0x5220]  }
0xb5: {  	v4 =	vld [tilespmem:s30+$0x5230]  }
0xb6: {  	[tilespmem:s30+$0xD2F0] =	vst.add.f32.msk $0xffff, v0  }
0xb7: {  	v0 =	vld [tilespmem:s30+$0x5240]  }
0xb8: {  	v5 =	vld [tilespmem:s30+$0x5250]  }
0xb9: {  	v6 =	vld [tilespmem:s30+$0x5260]  }
0xba: {  	v7 =	vld [tilespmem:s30+$0x5270]  }
0xbb: {  	v8 =	vld [tilespmem:s30+$0x5280]  }
0xbc: {  	v9 =	vld [tilespmem:s30+$0x5290]  }
0xbd: {  	v10 =	vld [tilespmem:s30+$0x52A0]  }
0xbe: {  	v11 =	vld [tilespmem:s30+$0x52B0]  }
0xbf: {  	v12 =	vld [tilespmem:s30+$0x52C0]  }
0xc0: {  	v13 =	vld [tilespmem:s30+$0x52D0]  }
0xc1: {  	v14 =	vld [tilespmem:s30+$0x52E0]  }
0xc2: {  	[tilespmem:s30+$0xD200] =	vst.add.f32.msk $0xffff, v1  }
0xc3: {  	[tilespmem:s30+$0xD210] =	vst.add.f32.msk $0xffff, v2  }
0xc4: {  	[tilespmem:s30+$0xD220] =	vst.add.f32.msk $0xffff, v3  }
0xc5: {  	[tilespmem:s30+$0xD230] =	vst.add.f32.msk $0xffff, v4  }
0xc6: {  	[tilespmem:s30+$0xD240] =	vst.add.f32.msk $0xffff, v0  }
0xc7: {  	[tilespmem:s30+$0xD250] =	vst.add.f32.msk $0xffff, v5  }
0xc8: {  	[tilespmem:s30+$0xD260] =	vst.add.f32.msk $0xffff, v6  }
0xc9: {  	[tilespmem:s30+$0xD270] =	vst.add.f32.msk $0xffff, v7  }
0xca: {  	[tilespmem:s30+$0xD280] =	vst.add.f32.msk $0xffff, v8  }
0xcb: {  	[tilespmem:s30+$0xD290] =	vst.add.f32.msk $0xffff, v9  }
.Ltmp2:
0xcc: {  	[tilespmem:s30+$0xD2A0] =	vst.add.f32.msk $0xffff, v10;
	(pc) =	sbr.rel @p1 .LBB2_7-.Ltmp2, $4  }
0xcd: {  	[tilespmem:s30+$0xD2B0] =	vst.add.f32.msk $0xffff, v11  }
0xce: {  	[tilespmem:s30+$0xD2C0] =	vst.add.f32.msk $0xffff, v12  }
0xcf: {  	[tilespmem:s30+$0xD2D0] =	vst.add.f32.msk $0xffff, v13  }
0xd0: {  	[tilespmem:s30+$0xD2E0] =	vst.add.f32.msk $0xffff, v14;
	s30 =	sshra.s32 s31, $0x2;
	s31 =	sadd.s32 $0x400, s31  }
0xd1: {  	v0 =	vld [tilespmem:s30+$0x52F0]  }
0xd2: {  	v1 =	vld [tilespmem:s30+$0x5200]  }
0xd3: {  	v2 =	vld [tilespmem:s30+$0x5210]  }
0xd4: {  	v3 =	vld [tilespmem:s30+$0x5220]  }
0xd5: {  	v4 =	vld [tilespmem:s30+$0x5230]  }
0xd6: {  	v63 =	vld [tilespmem:s30+$0x5240]  }
0xd7: {  	v5 =	vld [tilespmem:s30+$0x5250]  }
0xd8: {  	v6 =	vld [tilespmem:s30+$0x5260]  }
0xd9: {  	v7 =	vld [tilespmem:s30+$0x5270]  }
0xda: {  	v8 =	vld [tilespmem:s30+$0x5280]  }
0xdb: {  	v9 =	vld [tilespmem:s30+$0x5290]  }
0xdc: {  	v10 =	vld [tilespmem:s30+$0x52A0]  }
0xdd: {  	v11 =	vld [tilespmem:s30+$0x52B0]  }
0xde: {  	v12 =	vld [tilespmem:s30+$0x52C0]  }
0xdf: {  	v13 =	vld [tilespmem:s30+$0x52D0]  }
0xe0: {  	v14 =	vld [tilespmem:s30+$0x52E0]  }
0xe1: {  	[tilespmem:s30+$0xD2F0] =	vst.add.f32.msk $0xffff, v0  }
0xe2: {  	[tilespmem:s30+$0xD200] =	vst.add.f32.msk $0xffff, v1  }
0xe3: {  	[tilespmem:s30+$0xD210] =	vst.add.f32.msk $0xffff, v2  }
0xe4: {  	[tilespmem:s30+$0xD220] =	vst.add.f32.msk $0xffff, v3  }
0xe5: {  	[tilespmem:s30+$0xD230] =	vst.add.f32.msk $0xffff, v4  }
0xe6: {  	[tilespmem:s30+$0xD240] =	vst.add.f32.msk $0xffff, v63  }
0xe7: {  	[tilespmem:s30+$0xD250] =	vst.add.f32.msk $0xffff, v5  }
0xe8: {  	[tilespmem:s30+$0xD260] =	vst.add.f32.msk $0xffff, v6  }
0xe9: {  	[tilespmem:s30+$0xD270] =	vst.add.f32.msk $0xffff, v7  }
0xea: {  	[tilespmem:s30+$0xD280] =	vst.add.f32.msk $0xffff, v8  }
0xeb: {  	[tilespmem:s30+$0xD290] =	vst.add.f32.msk $0xffff, v9  }
0xec: {  	[tilespmem:s30+$0xD2A0] =	vst.add.f32.msk $0xffff, v10  }
0xed: {  	[tilespmem:s30+$0xD2B0] =	vst.add.f32.msk $0xffff, v11  }
0xee: {  	[tilespmem:s30+$0xD2C0] =	vst.add.f32.msk $0xffff, v12  }
0xef: {  	[tilespmem:s30+$0xD2D0] =	vst.add.f32.msk $0xffff, v13  }
0xf0: {  	[tilespmem:s30+$0xD2E0] =	vst.add.f32.msk $0xffff, v14  }
0xf1: {  	_ =	swait.ge [sflag:s22], $0x2000  }
0xf2: {  	s0 =	sadd.s32 @!p0 $0x1A00, s28;
	[sflag:s22] =	ssyncset.done $0x0  }
0xf3: {  	s28 =	simm.s32 @!p0 $0x80;
	s30 =	simm.s32 @!p0 $0x5200;
	[sflag:s22] =	ssyncadd.s32 $0xFFFFE000  }
0xf4: {  	[tilespmem:s30], [sflag:$0x2] =	stream.indirect.gather @!p0 [hbm4b:s3+s28], $0x40, s0, s28, $0xb8;
	[tilespmem:$0xF380] =	vst v63  }
0xf5: {  	s28 =	simm.s32 $0x0;
	s30 =	simm.s32 $0x400  }
.LBB2_9:
0xf6: {  	p1 =	sne.s32 s30, $0x7C00;
	v0 =	vld [tilespmem:s28+$0x72F0]  }
0xf7: {  	v1 =	vld [tilespmem:s28+$0x7200]  }
0xf8: {  	v2 =	vld [tilespmem:s28+$0x7210]  }
0xf9: {  	v3 =	vld [tilespmem:s28+$0x7220]  }
0xfa: {  	v4 =	vld [tilespmem:s28+$0x7230]  }
0xfb: {  	[tilespmem:s28+$0xB2F0] =	vst.add.f32.msk $0xffff, v0  }
0xfc: {  	v0 =	vld [tilespmem:s28+$0x7240]  }
0xfd: {  	v5 =	vld [tilespmem:s28+$0x7250]  }
0xfe: {  	v6 =	vld [tilespmem:s28+$0x7260]  }
0xff: {  	v7 =	vld [tilespmem:s28+$0x7270]  }
0x100: {  	v8 =	vld [tilespmem:s28+$0x7280]  }
0x101: {  	v9 =	vld [tilespmem:s28+$0x7290]  }
0x102: {  	v10 =	vld [tilespmem:s28+$0x72A0]  }
0x103: {  	v11 =	vld [tilespmem:s28+$0x72B0]  }
0x104: {  	v12 =	vld [tilespmem:s28+$0x72C0]  }
0x105: {  	v13 =	vld [tilespmem:s28+$0x72D0]  }
0x106: {  	v14 =	vld [tilespmem:s28+$0x72E0]  }
0x107: {  	[tilespmem:s28+$0xB200] =	vst.add.f32.msk $0xffff, v1  }
0x108: {  	[tilespmem:s28+$0xB210] =	vst.add.f32.msk $0xffff, v2  }
0x109: {  	[tilespmem:s28+$0xB220] =	vst.add.f32.msk $0xffff, v3  }
0x10a: {  	[tilespmem:s28+$0xB230] =	vst.add.f32.msk $0xffff, v4  }
0x10b: {  	[tilespmem:s28+$0xB240] =	vst.add.f32.msk $0xffff, v0  }
0x10c: {  	[tilespmem:s28+$0xB250] =	vst.add.f32.msk $0xffff, v5  }
0x10d: {  	[tilespmem:s28+$0xB260] =	vst.add.f32.msk $0xffff, v6  }
0x10e: {  	[tilespmem:s28+$0xB270] =	vst.add.f32.msk $0xffff, v7  }
0x10f: {  	[tilespmem:s28+$0xB280] =	vst.add.f32.msk $0xffff, v8  }
0x110: {  	[tilespmem:s28+$0xB290] =	vst.add.f32.msk $0xffff, v9  }
.Ltmp3:
0x111: {  	[tilespmem:s28+$0xB2A0] =	vst.add.f32.msk $0xffff, v10;
	(pc) =	sbr.rel @p1 .LBB2_9-.Ltmp3, $4  }
0x112: {  	[tilespmem:s28+$0xB2B0] =	vst.add.f32.msk $0xffff, v11  }
0x113: {  	[tilespmem:s28+$0xB2C0] =	vst.add.f32.msk $0xffff, v12  }
0x114: {  	[tilespmem:s28+$0xB2D0] =	vst.add.f32.msk $0xffff, v13  }
0x115: {  	[tilespmem:s28+$0xB2E0] =	vst.add.f32.msk $0xffff, v14;
	s28 =	sshra.s32 s30, $0x2;
	s30 =	sadd.s32 $0x400, s30  }
0x116: {  	v0 =	vld [tilespmem:s28+$0x72F0]  }
0x117: {  	v1 =	vld [tilespmem:s28+$0x7200]  }
0x118: {  	v2 =	vld [tilespmem:s28+$0x7210]  }
0x119: {  	v3 =	vld [tilespmem:s28+$0x7220]  }
0x11a: {  	v4 =	vld [tilespmem:s28+$0x7230]  }
0x11b: {  	v63 =	vld [tilespmem:s28+$0x7240]  }
0x11c: {  	v5 =	vld [tilespmem:s28+$0x7250]  }
0x11d: {  	v6 =	vld [tilespmem:s28+$0x7260]  }
0x11e: {  	v7 =	vld [tilespmem:s28+$0x7270]  }
0x11f: {  	v8 =	vld [tilespmem:s28+$0x7280]  }
0x120: {  	v9 =	vld [tilespmem:s28+$0x7290]  }
0x121: {  	v10 =	vld [tilespmem:s28+$0x72A0]  }
0x122: {  	v11 =	vld [tilespmem:s28+$0x72B0]  }
0x123: {  	v12 =	vld [tilespmem:s28+$0x72C0]  }
0x124: {  	v13 =	vld [tilespmem:s28+$0x72D0]  }
0x125: {  	v14 =	vld [tilespmem:s28+$0x72E0]  }
0x126: {  	[tilespmem:s28+$0xB2F0] =	vst.add.f32.msk $0xffff, v0  }
0x127: {  	[tilespmem:s28+$0xB200] =	vst.add.f32.msk $0xffff, v1  }
0x128: {  	[tilespmem:s28+$0xB210] =	vst.add.f32.msk $0xffff, v2  }
0x129: {  	[tilespmem:s28+$0xB220] =	vst.add.f32.msk $0xffff, v3  }
0x12a: {  	[tilespmem:s28+$0xB230] =	vst.add.f32.msk $0xffff, v4  }
0x12b: {  	[tilespmem:s28+$0xB240] =	vst.add.f32.msk $0xffff, v63  }
0x12c: {  	[tilespmem:s28+$0xB250] =	vst.add.f32.msk $0xffff, v5  }
0x12d: {  	[tilespmem:s28+$0xB260] =	vst.add.f32.msk $0xffff, v6  }
0x12e: {  	[tilespmem:s28+$0xB270] =	vst.add.f32.msk $0xffff, v7  }
0x12f: {  	[tilespmem:s28+$0xB280] =	vst.add.f32.msk $0xffff, v8  }
0x130: {  	[tilespmem:s28+$0xB290] =	vst.add.f32.msk $0xffff, v9  }
0x131: {  	[tilespmem:s28+$0xB2A0] =	vst.add.f32.msk $0xffff, v10  }
0x132: {  	[tilespmem:s28+$0xB2B0] =	vst.add.f32.msk $0xffff, v11  }
0x133: {  	[tilespmem:s28+$0xB2C0] =	vst.add.f32.msk $0xffff, v12  }
0x134: {  	[tilespmem:s28+$0xB2D0] =	vst.add.f32.msk $0xffff, v13  }
0x135: {  	[tilespmem:s28+$0xB2E0] =	vst.add.f32.msk $0xffff, v14  }
0x136: {  	_ =	swait.ge [sflag:s23], $0x2000  }
0x137: {  	s0 =	sadd.s32 @!p0 $0x180, s29;
	[sflag:s23] =	ssyncset.done $0x0  }
0x138: {  	s29 =	simm.s32 @!p0 $0x7200;
	s28 =	simm.s32 @!p0 $0x80;
	[sflag:s23] =	ssyncadd.s32 $0xFFFFE000  }
0x139: {  	[tilespmem:s29], [sflag:$0x3] =	stream.indirect.gather @!p0 [hbm4b:s3+s28], $0x40, s0, s28, $0xb8;
	[tilespmem:$0xF380] =	vst v63  }
0x13a: {  	s28 =	simm.s32 $0x0;
	s29 =	simm.s32 $0x400  }
.LBB2_11:
0x13b: {  	p0 =	sne.s32 s29, $0x7C00;
	v0 =	vld [tilespmem:s28+$0x92F0]  }
0x13c: {  	v1 =	vld [tilespmem:s28+$0x9200]  }
0x13d: {  	v2 =	vld [tilespmem:s28+$0x9210]  }
0x13e: {  	v3 =	vld [tilespmem:s28+$0x9220]  }
0x13f: {  	v4 =	vld [tilespmem:s28+$0x9230]  }
0x140: {  	[tilespmem:s28+$0xD2F0] =	vst.add.f32.msk $0xffff, v0  }
0x141: {  	v0 =	vld [tilespmem:s28+$0x9240]  }
0x142: {  	v5 =	vld [tilespmem:s28+$0x9250]  }
0x143: {  	v6 =	vld [tilespmem:s28+$0x9260]  }
0x144: {  	v7 =	vld [tilespmem:s28+$0x9270]  }
0x145: {  	v8 =	vld [tilespmem:s28+$0x9280]  }
0x146: {  	v9 =	vld [tilespmem:s28+$0x9290]  }
0x147: {  	v10 =	vld [tilespmem:s28+$0x92A0]  }
0x148: {  	v11 =	vld [tilespmem:s28+$0x92B0]  }
0x149: {  	v12 =	vld [tilespmem:s28+$0x92C0]  }
0x14a: {  	v13 =	vld [tilespmem:s28+$0x92D0]  }
0x14b: {  	v14 =	vld [tilespmem:s28+$0x92E0]  }
0x14c: {  	[tilespmem:s28+$0xD200] =	vst.add.f32.msk $0xffff, v1  }
0x14d: {  	[tilespmem:s28+$0xD210] =	vst.add.f32.msk $0xffff, v2  }
0x14e: {  	[tilespmem:s28+$0xD220] =	vst.add.f32.msk $0xffff, v3  }
0x14f: {  	[tilespmem:s28+$0xD230] =	vst.add.f32.msk $0xffff, v4  }
0x150: {  	[tilespmem:s28+$0xD240] =	vst.add.f32.msk $0xffff, v0  }
0x151: {  	[tilespmem:s28+$0xD250] =	vst.add.f32.msk $0xffff, v5  }
0x152: {  	[tilespmem:s28+$0xD260] =	vst.add.f32.msk $0xffff, v6  }
0x153: {  	[tilespmem:s28+$0xD270] =	vst.add.f32.msk $0xffff, v7  }
0x154: {  	[tilespmem:s28+$0xD280] =	vst.add.f32.msk $0xffff, v8  }
0x155: {  	[tilespmem:s28+$0xD290] =	vst.add.f32.msk $0xffff, v9  }
.Ltmp4:
0x156: {  	[tilespmem:s28+$0xD2A0] =	vst.add.f32.msk $0xffff, v10;
	(pc) =	sbr.rel @p0 .LBB2_11-.Ltmp4, $4  }
0x157: {  	[tilespmem:s28+$0xD2B0] =	vst.add.f32.msk $0xffff, v11  }
0x158: {  	[tilespmem:s28+$0xD2C0] =	vst.add.f32.msk $0xffff, v12  }
0x159: {  	[tilespmem:s28+$0xD2D0] =	vst.add.f32.msk $0xffff, v13  }
0x15a: {  	[tilespmem:s28+$0xD2E0] =	vst.add.f32.msk $0xffff, v14;
	s28 =	sshra.s32 s29, $0x2;
	s29 =	sadd.s32 $0x400, s29  }
0x15b: {  	v0 =	vld [tilespmem:s28+$0x92F0]  }
0x15c: {  	v1 =	vld [tilespmem:s28+$0x9200]  }
0x15d: {  	v2 =	vld [tilespmem:s28+$0x9210]  }
0x15e: {  	v3 =	vld [tilespmem:s28+$0x9220]  }
0x15f: {  	v4 =	vld [tilespmem:s28+$0x9230]  }
0x160: {  	v63 =	vld [tilespmem:s28+$0x9240]  }
0x161: {  	v5 =	vld [tilespmem:s28+$0x9250]  }
0x162: {  	v6 =	vld [tilespmem:s28+$0x9260]  }
0x163: {  	v7 =	vld [tilespmem:s28+$0x9270]  }
0x164: {  	v8 =	vld [tilespmem:s28+$0x9280]  }
0x165: {  	v9 =	vld [tilespmem:s28+$0x9290]  }
0x166: {  	v10 =	vld [tilespmem:s28+$0x92A0]  }
0x167: {  	v11 =	vld [tilespmem:s28+$0x92B0]  }
0x168: {  	v12 =	vld [tilespmem:s28+$0x92C0]  }
0x169: {  	v13 =	vld [tilespmem:s28+$0x92D0]  }
0x16a: {  	v14 =	vld [tilespmem:s28+$0x92E0]  }
0x16b: {  	[tilespmem:s28+$0xD2F0] =	vst.add.f32.msk $0xffff, v0  }
0x16c: {  	[tilespmem:s28+$0xD200] =	vst.add.f32.msk $0xffff, v1  }
0x16d: {  	[tilespmem:s28+$0xD210] =	vst.add.f32.msk $0xffff, v2  }
0x16e: {  	[tilespmem:s28+$0xD220] =	vst.add.f32.msk $0xffff, v3  }
0x16f: {  	[tilespmem:s28+$0xD230] =	vst.add.f32.msk $0xffff, v4  }
0x170: {  	[tilespmem:s28+$0xD240] =	vst.add.f32.msk $0xffff, v63  }
0x171: {  	[tilespmem:s28+$0xD250] =	vst.add.f32.msk $0xffff, v5  }
0x172: {  	[tilespmem:s28+$0xD260] =	vst.add.f32.msk $0xffff, v6  }
0x173: {  	[tilespmem:s28+$0xD270] =	vst.add.f32.msk $0xffff, v7  }
0x174: {  	s26 =	sadd.s32 $0x1, s26;
	[tilespmem:s28+$0xD280] =	vst.add.f32.msk $0xffff, v8  }
0x175: {  	p0 =	sne.s32 s26, $0x19;
	[tilespmem:s28+$0xD290] =	vst.add.f32.msk $0xffff, v9  }
.Ltmp5:
0x176: {  	[tilespmem:s28+$0xD2A0] =	vst.add.f32.msk $0xffff, v10;
	(pc) =	sbr.rel @p0 .LBB2_4-.Ltmp5, $4  }
0x177: {  	[tilespmem:s28+$0xD2B0] =	vst.add.f32.msk $0xffff, v11  }
0x178: {  	[tilespmem:s28+$0xD2C0] =	vst.add.f32.msk $0xffff, v12  }
0x179: {  	[tilespmem:s28+$0xD2D0] =	vst.add.f32.msk $0xffff, v13  }
0x17a: {  	[tilespmem:s28+$0xD2E0] =	vst.add.f32.msk $0xffff, v14  }
0x17b: {  	s26 =	simm.s32 $0x0  }
0x17c: {  	v24 =	vld [tilespmem:s26+$0xF280]  }
0x17d: {  	s29 =	simm.s32 $0xD400;
	v31 =	vld [tilespmem:s26+$0xF200]  }
0x17e: {  	s28 =	simm.s32 $0xB400;
	v42 =	vld [tilespmem:s29+$0x1F0]  }
0x17f: {  	v45 =	vld [tilespmem:s28+$0x1F0]  }
0x180: {  	v16 =	vld [tilespmem:s29+$0x1E0]  }
0x181: {  	v15 =	vld [tilespmem:s28+$0x1E0]  }
0x182: {  	v14 =	vld [tilespmem:s29+$0x1B0]  }
0x183: {  	v19 =	vld [tilespmem:s29+$0x1C0]  }
0x184: {  	v20 =	vld [tilespmem:s29+$0x1D0]  }
0x185: {  	v22 =	vld [tilespmem:s28+$0x1B0]  }
0x186: {  	v23 =	vld [tilespmem:s28+$0x1C0]  }
0x187: {  	v17 =	vld [tilespmem:s28+$0x1D0]  }
0x188: {  	v38 =	vld [tilespmem:s29+$0x170]  }
0x189: {  	v32 =	vld [tilespmem:s29+$0x1A0]  }
0x18a: {  	v39 =	vld [tilespmem:s28+$0x170]  }
0x18b: {  	v61 =	vld [tilespmem:s28+$0x1A0]  }
0x18c: {  	v7 =	vld [tilespmem:s29+$0x130]  }
0x18d: {  	v36 =	vld [tilespmem:s29+$0x160]  }
0x18e: {  	v28 =	vld [tilespmem:s29+$0x180]  }
0x18f: {  	v30 =	vld [tilespmem:s29+$0x190]  }
0x190: {  	v11 =	vld [tilespmem:s28+$0x130]  }
0x191: {  	v40 =	vld [tilespmem:s28+$0x160]  }
0x192: {  	v18 =	vld [tilespmem:s28+$0x180]  }
0x193: {  	v29 =	vld [tilespmem:s28+$0x190]  }
0x194: {  	v12 =	vld [tilespmem:s29+$0xF0]  }
0x195: {  	v21 =	vld [tilespmem:s29+$0x120]  }
0x196: {  	v6 =	vld [tilespmem:s29+$0x140]  }
0x197: {  	v35 =	vld [tilespmem:s29+$0x150]  }
0x198: {  	v13 =	vld [tilespmem:s28+$0xF0]  }
0x199: {  	v1 =	vld [tilespmem:s28+$0x120];
	[tilespmem:$0x1FD30] =	vst v32  }
0x19a: {  	v10 =	vld [tilespmem:s28+$0x140];
	[tilespmem:$0x1FD60] =	vst v7  }
0x19b: {  	v37 =	vld [tilespmem:s28+$0x150];
	[tilespmem:$0x1FD70] =	vst v11  }
0x19c: {  	v43 =	vld [tilespmem:s29+$0xB0];
	[tilespmem:$0x1FDF0] =	vst v12  }
0x19d: {  	v3 =	vld [tilespmem:s29+$0xE0];
	[tilespmem:$0x1FE30] =	vst v21  }
0x19e: {  	v5 =	vld [tilespmem:s29+$0x100];
	[tilespmem:$0x1FE60] =	vst v6  }
0x19f: {  	v2 =	vld [tilespmem:s29+$0x110];
	[tilespmem:$0x1FE00] =	vst v13  }
0x1a0: {  	v8 =	vld [tilespmem:s28+$0xE0];
	[tilespmem:$0x1FE40] =	vst v1  }
0x1a1: {  	v9 =	vld [tilespmem:s28+$0x100];
	[tilespmem:$0x1FE70] =	vst v10  }
0x1a2: {  	v4 =	vld [tilespmem:s28+$0x110];
	[tilespmem:$0x1FF70] =	vst v3  }
0x1a3: {  	v44 =	vld [tilespmem:s28+$0xB0];
	[tilespmem:$0x1FEB0] =	vst v5  }
0x1a4: {  	v56 =	vld [tilespmem:s29+$0x70];
	[tilespmem:$0x1FF20] =	vst v2  }
0x1a5: {  	v46 =	vld [tilespmem:s29+$0xA0];
	[tilespmem:$0x1FF80] =	vst v8  }
0x1a6: {  	v0 =	vld [tilespmem:s29+$0xC0];
	[tilespmem:$0x1FEC0] =	vst v9  }
0x1a7: {  	v51 =	vld [tilespmem:s29+$0xD0];
	[tilespmem:$0x1FF30] =	vst v4  }
0x1a8: {  	v59 =	vld [tilespmem:s28+$0x70];
	[tilespmem:$0x1F9F0] =	vst v35  }
0x1a9: {  	v47 =	vld [tilespmem:s28+$0xA0];
	v25 =	vmul.f32 v28, v28;
	v26 =	vmul.f32 v30, v30;
	[tilespmem:$0x1FA00] =	vst v36  }
0x1aa: {  	v58 =	vld [tilespmem:s28+$0xC0];
	v27 =	vmul.f32 v18, v18;
	v33 =	vmul.f32 v29, v29;
	[tilespmem:$0x1FA10] =	vst v37  }
0x1ab: {  	v57 =	vld [tilespmem:s28+$0xD0];
	v48 =	vmul.f32 v61, v61;
	v34 =	vmul.f32 v6, v6;
	[tilespmem:$0x1FA20] =	vst v38  }
0x1ac: {  	v54 =	vld [tilespmem:s29+$0x30];
	v35 =	vmul.f32 v35, v35;
	v49 =	vmul.f32 v22, v22;
	[tilespmem:$0x1FA30] =	vst v40  }
0x1ad: {  	v41 =	vld [tilespmem:s29+$0x90];
	v50 =	vmul.f32 v36, v36;
	v55 =	vmul.f32 v10, v10;
	[tilespmem:$0x1FA40] =	vst v39  }
0x1ae: {  	v52 =	vld [tilespmem:s29+$0x80];
	v37 =	vmul.f32 v37, v37;
	[tilespmem:$0x1FA60] =	vst v0;
	v25 =	vadd.f32 v26, v25;
	v26 =	vmul.f32 v32, v32  }
0x1af: {  	v53 =	vld [tilespmem:s29+$0x60];
	v6 =	vmul.f32 v38, v38;
	v24 =	vcvt.s32.f32 v24;
	[tilespmem:$0x1FA70] =	vst v51;
	v27 =	vadd.f32 v33, v27  }
0x1b0: {  	v62 =	vld [tilespmem:s28+$0x80];
	v40 =	vmul.f32 v40, v40;
	[tilespmem:$0x1FA80] =	vst v58;
	v25 =	vadd.f32 v26, v25;
	v26 =	vmul.f32 v14, v14  }
0x1b1: {  	v60 =	vld [tilespmem:s28+$0x60];
	v36 =	vmul.f32 v11, v11;
	[tilespmem:$0x1FA90] =	vst v57;
	v34 =	vadd.f32 v35, v34;
	v27 =	vadd.f32 v48, v27  }
0x1b2: {  	v10 =	vld [tilespmem:s29+$0xFFFFFFB0];
	[tilespmem:$0x1FAB0] =	vst v41;
	v41 =	vmul.f32 v41, v41;
	v63 =	vadd.f32 v37, v55;
	v26 =	vadd.f32 v26, v25  }
0x1b3: {  	[tilespmem:$0x1FAA0] =	vst v52;
	v11 =	vld [tilespmem:s29+$0xFFFFFEB0];
	v55 =	vmul.f32 v5, v5;
	v25 =	vadd.f32 v49, v27;
	v27 =	vadd.f32 v50, v34  }
0x1b4: {  	[tilespmem:$0x1FAC0] =	vst v46;
	v32 =	vld [tilespmem:s28+$0x30];
	v37 =	vcvt.s32.f32 v31;
	(erf) = vrcp.f32 v24;
	v31 =	vadd.f32 v40, v63  }
0x1b5: {  	[tilespmem:$0x1FAD0] =	vst v62;
	v5 =	vld [tilespmem:s28+$0x20];
	v40 =	vmul.f32 v39, v39;
	v27 =	vadd.f32 v6, v27;
	v6 =	vmul.f32 v2, v2  }
0x1b6: {  	[tilespmem:$0x1FAF0] =	vst v42;
	v48 =	vld [tilespmem:s28+$0x90];
	v24 =	vmul.f32 v24, v37;
	v50 =	vmul.f32 v21, v21  }
0x1b7: {  	[tilespmem:$0x1FB00] =	vst v43;
	v31 =	vadd.f32 v40, v31;
	v40 =	vmul.f32 v4, v4;
	v4 =	vld [tilespmem:s29+$0xFFFFFFA0];
	v33 =	vadd.f32 v6, v55  }
0x1b8: {  	[tilespmem:$0x1FB10] =	vst v47;
	v63 =	vld [tilespmem:s29+$0x20];
	(erf) = vrcp.f32 v37;
	v6 =	vmul.f32 v9, v9  }
0x1b9: {  	v39 =	vmul.f32 v19, v19;
	v49 =	vld [tilespmem:s29+$0xFFFFFFF0];
	[tilespmem:$0x1FA50] =	vst v24;
	v24 =	vmul.f32 v7, v7;
	v33 =	vadd.f32 v50, v33  }
0x1ba: {  	v7 =	vmul.f32 v51, v51;
	v51 =	vld [tilespmem:s28+$0x40];
	(xrf2) =	vadd.scan.msk.f32 $0xffff, v26;
	v34 =	vadd.f32 v40, v6;
	v6 =	vmul.f32 v0, v0  }
0x1bb: {  	v37 =	vmul.f32 v13, v13;
	v21 =	vld [tilespmem:s28+$0xFFFFFFA0];
	(xrf2) =	vadd.scan.msk.f32 $0xffff, v25;
	v33 =	vadd.f32 v24, v33;
	v24 =	vmul.f32 v1, v1  }
0x1bc: {  	v2 =	vld [tilespmem:s29+$0x40];
	(xrf2) =	vadd.scan.msk.f32 $0xffff, v27;
	v27 =	vmul.f32 v4, v4;
	v40 =	vmul.f32 v3, v3;
	v35 =	vadd.f32 v7, v6  }
0x1bd: {  	[tilespmem:$0x1FB40] =	vst v44;
	v55 =	vld [tilespmem:s29+$0x50];
	v6 =	vmul.f32 v57, v57;
	v24 =	vadd.f32 v24, v34;
	v34 =	vmul.f32 v58, v58  }
0x1be: {  	[tilespmem:$0x1FB60] =	vst v53;
	v9 =	vld [tilespmem:s28+$0xFFFFFF70];
	v7 =	vmul.f32 v12, v12;
	v35 =	vadd.f32 v40, v35;
	v40 =	vmul.f32 v20, v20  }
0x1bf: {  	[tilespmem:$0x1FD00] =	vst v4;
	v4 =	vld [tilespmem:s29+$0xFFFFFF10];
	v34 =	vadd.f32 v6, v34;
	v36 =	vadd.f32 v36, v24;
	v24 =	vmul.f32 v52, v52  }
0x1c0: {  	[tilespmem:$0x1FB90] =	vst v56;
	v50 =	vld [tilespmem:s28+$0xFFFFFFF0];
	v6 =	vmul.f32 v8, v8;
	v35 =	vadd.f32 v7, v35;
	v38 =	vadd.f32 v40, v39  }
0x1c1: {  	[tilespmem:$0x1FBA0] =	vst v60;
	v0 =	vld [tilespmem:s28+$0x50];
	v7 =	vmul.f32 v46, v46;
	v46 =	vmul.f32 v62, v62;
	v24 =	vadd.f32 v41, v24  }
0x1c2: {  	[tilespmem:$0x1FBD0] =	vst v59;
	v3 =	vld [tilespmem:s29+$0x10];
	v62 =	vmul.f32 v48, v48;
	v39 =	vmul.f32 v42, v42;
	v34 =	vadd.f32 v6, v34  }
0x1c3: {  	[tilespmem:$0x1FC30] =	vst v45;
	v57 =	vld [tilespmem:s29+$0xFFFFFFE0];
	v40 =	vmul.f32 v43, v43;
	v24 =	vadd.f32 v7, v24;
	v7 =	vmul.f32 v16, v16  }
0x1c4: {  	[tilespmem:$0x1FAE0] =	vst v48;
	v1 =	vld [tilespmem:s28+$0x0];
	v42 =	vmul.f32 v47, v47;
	v34 =	vadd.f32 v37, v34;
	v37 =	vadd.f32 v62, v46  }
0x1c5: {  	[tilespmem:$0x1FBE0] =	vst v63;
	v58 =	vld [tilespmem:s29+$0x0];
	v47 =	vmul.f32 v55, v55;
	v46 =	vmul.f32 v2, v2;
	v38 =	vadd.f32 v7, v38  }
0x1c6: {  	[tilespmem:$0x1FB70] =	vst v51;
	v52 =	vld [tilespmem:s28+$0xFFFFFFE0];
	v40 =	vadd.f32 v40, v24;
	v24 =	vadd.f32 v42, v37;
	v7 =	vmul.f32 v44, v44  }
0x1c7: {  	[tilespmem:$0x1FCB0] =	vst v49;
	(xrf2) =	vadd.scan.msk.f32 $0xffff, v31;
	v48 =	vld [tilespmem:s28+$0x10];
	v41 =	vadd.f32 v47, v46  }
0x1c8: {  	[tilespmem:$0x1FB30] =	vst v55;
	v55 =	vld [tilespmem:s29+$0xFFFFFFC0];
	v47 =	vmul.f32 v0, v0;
	v37 =	vadd.f32 v7, v24;
	v24 =	vmul.f32 v51, v51  }
0x1c9: {  	[tilespmem:$0x1FB20] =	vst v2;
	v12 =	vmul.f32 v59, v59;
	(xrf2) =	vadd.scan.msk.f32 $0xffff, v33;
	v6 =	vld [tilespmem:s28+$0xFFFFFFB0];
	v44 =	vmul.f32 v53, v53  }
0x1ca: {  	[tilespmem:$0x1FBB0] =	vst v58;
	v58 =	vmul.f32 v58, v58;
	v62 =	vld [tilespmem:s29+$0xFFFFFF70];
	v53 =	vmul.f32 v60, v60;
	v24 =	vadd.f32 v47, v24  }
0x1cb: {  	[tilespmem:$0x1FDE0] =	vst v4;
	v46 =	vld [tilespmem:s29+$0xFFFFFFD0];
	v60 =	vmul.f32 v3, v3;
	v2 =	vadd.f32 v39, v38;
	v38 =	vadd.f32 v44, v41  }
0x1cc: {  	[tilespmem:$0x1FB80] =	vst v0;
	v0 =	vld [tilespmem:s28+$0xFFFFFFC0];
	v51 =	vmul.f32 v56, v56;
	v7 =	vmul.f32 v23, v23;
	v24 =	vadd.f32 v53, v24  }
0x1cd: {  	[tilespmem:$0x1FBC0] =	vst v3;
	v3 =	vld [tilespmem:s28+$0xFFFFFF60];
	v56 =	vmul.f32 v17, v17;
	v39 =	vmul.f32 v14, v22;
	v22 =	vadd.f32 v60, v58  }
0x1ce: {  	[tilespmem:$0x1FC00] =	vst v48;
	v60 =	vmul.f32 v48, v48;
	v48 =	vld [tilespmem:s29+$0xFFFFFF90];
	v43 =	vadd.f32 v12, v24;
	v24 =	vmul.f32 v1, v1  }
0x1cf: {  	[tilespmem:$0x1FCF0] =	vst v50;
	v58 =	vld [tilespmem:s28+$0xFFFFFF90];
	v41 =	vadd.f32 v56, v7;
	v7 =	vmul.f32 v63, v63;
	v12 =	vmul.f32 v16, v15  }
0x1d0: {  	[tilespmem:$0x1FBF0] =	vst v1;
	v38 =	vadd.f32 v51, v38;
	v47 =	vld [tilespmem:s28+$0xFFFFFFD0];
	v63 =	vmul.f32 v45, v45;
	v45 =	vmul.f32 v4, v4  }
0x1d1: {  	v51 =	vld [tilespmem:s29+$0xFFFFFF60];
	v42 =	vadd.f32 v7, v22;
	[tilespmem:$0x1FC10] =	vst v12;
	v12 =	vmul.f32 v19, v23;
	v23 =	vmul.f32 v54, v54  }
0x1d2: {  	v56 =	vld [tilespmem:s29+$0xFFFFFF80];
	v7 =	vmul.f32 v5, v5;
	v19 =	vadd.f32 v60, v24;
	v24 =	vmovc v5;
	v5 =	vmul.f32 v20, v17  }
0x1d3: {  	[tilespmem:$0x1FB50] =	vst v2;
	v4 =	vld [tilespmem:$0x1FE00];
	v59 =	vmul.f32 v46, v46;
	v42 =	vadd.f32 v23, v42;
	v23 =	vmul.f32 v55, v55  }
0x1d4: {  	v2 =	vmul.f32 v30, v29;
	v29 =	vld [tilespmem:s28+$0xFFFFFEA0];
	v19 =	vadd.f32 v7, v19;
	[tilespmem:$0x1FC60] =	vst v5;
	v5 =	vmul.f32 v32, v32  }
0x1d5: {  	[tilespmem:$0x1FC80] =	vst v57;
	(xrf2) =	vadd.scan.msk.f32 $0xffff, v36;
	v14 =	vmul.f32 v15, v15;
	v30 =	vld [tilespmem:s29+$0xFFFFFE00];
	v13 =	vadd.f32 v59, v23  }
0x1d6: {  	[tilespmem:$0x1FC90] =	vst v0;
	v23 =	vmul.f32 v47, v47;
	v60 =	vadd.f32 v5, v19;
	v19 =	vmul.f32 v0, v0;
	v0 =	vld [tilespmem:$0x1FD30]  }
0x1d7: {  	(xrf2) =	vadd.scan.msk.f32 $0xffff, v35;
	[tilespmem:$0x1FC40] =	vst v55;
	v8 =	vmul.f32 v52, v52;
	v14 =	vadd.f32 v14, v41;
	v16 =	vld [tilespmem:s29+$0xFFFFFF50]  }
0x1d8: {  	(xrf2) =	vadd.scan.msk.f32 $0xffff, v34;
	v26 =	vmul.f32 v48, v48;
	v25 =	vmul.f32 v56, v56;
	v5 =	vld [tilespmem:s29+$0xFFFFFF40];
	v23 =	vadd.f32 v23, v19  }
0x1d9: {  	[tilespmem:$0x1FCC0] =	vst v52;
	(xrf2) =	vadd.scan.msk.f32 $0xffff, v40;
	v53 =	vld [tilespmem:s29+$0xFFFFFF30];
	v1 =	vadd.f32 v63, v14;
	v63 =	vmul.f32 v28, v18  }
0x1da: {  	[tilespmem:$0x1FC50] =	vst v46;
	v22 =	vld [tilespmem:s29+$0xFFFFFEF0];
	v25 =	vadd.f32 v26, v25;
	v8 =	vadd.f32 v8, v23;
	v23 =	vmul.f32 v50, v50  }
0x1db: {  	(xrf2) =	vadd.scan.msk.f32 $0xffff, v37;
	v46 =	vmovc v32;
	v18 =	vld [tilespmem:s28+$0xFFFFFEC0];
	[tilespmem:$0x1FC70] =	vst v1;
	v1 =	vadd.f32 v2, v63;
	v0 =	vmul.f32 v0, v61  }
0x1dc: {  	[tilespmem:$0x1FDC0] =	vst v3;
	(xrf2) =	vadd.scan.msk.f32 $0xffff, v38;
	v38 =	vmovc v46;
	v46 =	vld [tilespmem:s28+$0xFFFFFE50];
	v2 =	vadd.f32 v23, v8;
	v23 =	vadd.f32 v27, v25  }
0x1dd: {  	v15 =	vmovc v54;
	v54 =	vld [tilespmem:s28+$0xFFFFFF80];
	v27 =	vmul.f32 v16, v16;
	v0 =	vadd.f32 v0, v1;
	v1 =	vmul.f32 v5, v5  }
0x1de: {  	v14 =	vmul.f32 v57, v57;
	[tilespmem:$0x1FC20] =	vst v12;
	v12 =	vld [tilespmem:s29+$0xFFFFFF20]  }
0x1df: {  	[tilespmem:$0x1FD20] =	vst v58;
	v31 =	vmul.f32 v58, v58;
	v55 =	vld [tilespmem:s29+$0xFFFFFEE0];
	v1 =	vadd.f32 v27, v1  }
0x1e0: {  	v58 =	vmul.f32 v62, v62;
	v20 =	vmovc v62;
	v62 =	vld [tilespmem:$0x1FF30];
	v13 =	vadd.f32 v14, v13;
	v14 =	vmul.f32 v49, v49  }
0x1e1: {  	[tilespmem:$0x1FCE0] =	vst v48;
	v52 =	vmul.f32 v51, v51;
	v32 =	vld [tilespmem:s28+$0xFFFFFE80];
	v0 =	vadd.f32 v39, v0  }
0x1e2: {  	[tilespmem:$0x1FCA0] =	vst v47;
	v13 =	vadd.f32 v14, v13;
	v14 =	vld [tilespmem:s28+$0xFFFFFF40]  }
0x1e3: {  	[tilespmem:$0x1FDB0] =	vst v0;
	v0 =	vadd.f32 v52, v1;
	v1, _, _ =	vpop (xrf2);
	(xrf2) =	vadd.scan.msk.f32 $0xffff, v43;
	v43 =	vmul.f32 v3, v3;
	v3 =	vld [tilespmem:$0x1FDF0]  }
0x1e4: {  	[tilespmem:$0x1FCD0] =	vst v56;
	v19 =	vld [tilespmem:s28+$0xFFFFFF50];
	v35, _, _ =	vpop (xrf2);
	(xrf2) =	vadd.scan.msk.f32 $0xffff, v42  }
0x1e5: {  	[tilespmem:$0x1FD10] =	vst v54;
	v26 =	vmul.f32 v54, v54;
	v54 =	vld [tilespmem:s29+$0xFFFFFEC0];
	v33, _, _ =	vpop (xrf2);
	(xrf2) =	vadd.scan.msk.f32 $0xffff, v60  }
0x1e6: {  	[tilespmem:$0x1FD80] =	vst v51;
	v50 =	vld [tilespmem:s29+$0xFFFFFF00];
	v41, _, _ =	vpop (xrf2);
	(xrf2) =	vadd.scan.msk.f32 $0xffff, v13  }
0x1e7: {  	[tilespmem:$0x1FED0] =	vst v53;
	v25 =	vadd.f32 v31, v26;
	v26 =	vmul.f32 v10, v10;
	v42, _, _ =	vpop (xrf2);
	(xrf2) =	vadd.scan.msk.f32 $0xffff, v2;
	v2 =	vld [tilespmem:$0x1FE30]  }
0x1e8: {  	[tilespmem:$0x1FEE0] =	vst v22;
	v51 =	vmul.f32 v3, v4;
	v3 =	vld [tilespmem:$0x1FE40]  }
0x1e9: {  	[tilespmem:$0x1FD50] =	vst v16;
	v49 =	vld [tilespmem:s29+$0xFFFFFE80];
	v56 =	vmul.f32 v14, v14;
	v57 =	vmul.f32 v19, v19  }
0x1ea: {  	[tilespmem:$0x1FE50] =	vst v12;
	v28 =	vmul.f32 v12, v12;
	v12 =	vld [tilespmem:s29+$0xFFFFFE90]  }
0x1eb: {  	[tilespmem:$0x1FE90] =	vst v18;
	v31 =	vadd.f32 v26, v23;
	v34 =	vadd.f32 v57, v56;
	v26 =	vmov v10;
	v10 =	vld [tilespmem:s29+$0xFFFFFED0]  }
0x1ec: {  	[tilespmem:$0x1FE10] =	vst v54;
	v16 =	vmul.f32 v21, v21;
	v4 =	vld [tilespmem:$0x1FE70]  }
0x1ed: {  	[tilespmem:$0x1FD40] =	vst v5;
	v44 =	vmul.f32 v50, v50;
	v34 =	vadd.f32 v43, v34;
	v43 =	vmul.f32 v2, v3;
	v3 =	vld [tilespmem:$0x1FE60]  }
0x1ee: {  	v8 =	vld [tilespmem:$0x1FD70];
	[tilespmem:$0x1FD90] =	vst v14;
	v23 =	vmul.f32 v6, v6;
	v25 =	vadd.f32 v16, v25  }
0x1ef: {  	[tilespmem:$0x1FDA0] =	vst v19;
	v19 =	vld [tilespmem:s28+$0xFFFFFED0];
	v13 =	vadd.f32 v45, v44;
	v45, _, _ =	vpop (xrf2)  }
0x1f0: {  	v48 =	vmul.f32 v9, v9;
	v61 =	vmul.f32 v12, v12;
	v5 =	vld [tilespmem:$0x1FD60];
	[tilespmem:$0x1FDD0] =	vst v50;
	v59 =	vadd.f32 v23, v25;
	v60, _, _ =	vpop (xrf2)  }
0x1f1: {  	v14 =	vld [tilespmem:s28+$0xFFFFFEE0];
	v50 =	vmul.f32 v54, v54;
	v54 =	vmul.f32 v18, v18;
	v0 =	vadd.f32 v58, v0;
	(xrf2) =	vadd.scan.msk.f32 $0xffff, v31;
	v37, _, _ =	vpop (xrf2)  }
0x1f2: {  	v52 =	vmul.f32 v10, v10;
	v39, _, _ =	vpop (xrf2);
	(xrf2) =	vadd.scan.msk.f32 $0xffff, v59;
	v2 =	vadd.f32 v48, v34;
	v3 =	vmul.f32 v3, v4;
	v4 =	vld [tilespmem:s29+$0xFFFFFEA0]  }
0x1f3: {  	v57 =	vld [tilespmem:$0x1FEC0];
	v25 =	vmov v9;
	v9 =	vmul.f32 v53, v53;
	v13 =	vadd.f32 v28, v13;
	v40, _, _ =	vpop (xrf2);
	(xrf2) =	vadd.scan.msk.f32 $0xffff, v0  }
0x1f4: {  	v56 =	vmul.f32 v19, v19;
	[tilespmem:$0x1FE20] =	vst v10;
	v10 =	vadd.f32 v52, v50;
	(xrf2) =	vadd.scan.msk.f32 $0xffff, v2;
	v2 =	vld [tilespmem:$0x1FF20]  }
0x1f5: {  	v31 =	vmul.f32 v55, v55;
	v0 =	vadd.f32 v9, v13;
	v13 =	vmul.f32 v49, v49;
	[tilespmem:$0x1FE80] =	vst v3;
	v3 =	vld [tilespmem:$0x1FEB0]  }
0x1f6: {  	v17 =	vld [tilespmem:s28+$0xFFFFFEF0];
	v47 =	vmov v6;
	[tilespmem:$0x1FF60] =	vst v32;
	v58 =	vmul.f32 v22, v22;
	v1 =	vbroadcast v1, $0xF  }
0x1f7: {  	v28 =	vld [tilespmem:s28+$0xFFFFFE90];
	v31 =	vadd.f32 v31, v10;
	(xrf2) =	vadd.scan.msk.f32 $0xffff, v0;
	v0 =	vadd.f32 v61, v13;
	v7 =	vmul.f32 v4, v4  }
0x1f8: {  	[tilespmem:$0x1FF00] =	vst v49;
	v16 =	vld [tilespmem:s28+$0xFFFFFF00];
	v5 =	vmul.f32 v5, v8;
	v59 =	vmul.f32 v14, v14;
	v34 =	vadd.f32 v56, v54  }
0x1f9: {  	v6 =	vld [tilespmem:s29+$0xFFFFFE30];
	[tilespmem:$0x1FF90] =	vst v1;
	v1 =	vmul.f32 v11, v11;
	v53 =	vadd.f32 v58, v31;
	v9, _, _ =	vpop (xrf2);
	v0 =	vadd.f32 v7, v0  }
0x1fa: {  	[tilespmem:$0x1FF10] =	vst v12;
	v27 =	vld [tilespmem:s29+$0xFFFFFE70];
	v63, _, _ =	vpop (xrf2);
	v34 =	vadd.f32 v59, v34;
	v2 =	vmul.f32 v2, v62;
	v3 =	vmul.f32 v3, v57  }
0x1fb: {  	v8 =	vld [tilespmem:s28+$0xFFFFFEB0];
	[tilespmem:$0x1FEA0] =	vst v19;
	v48, _, _ =	vpop (xrf2);
	v13 =	vmul.f32 v17, v17;
	v0 =	vadd.f32 v1, v0;
	v1 =	vbroadcast v33, $0xF  }
0x1fc: {  	[tilespmem:$0x1FEF0] =	vst v14;
	v31 =	vld [tilespmem:s29+$0xFFFFFE10];
	v50, _, _ =	vpop (xrf2);
	v61 =	vmul.f32 v28, v28;
	v44 =	vadd.f32 v2, v3;
	v3 =	vmul.f32 v32, v32  }
0x1fd: {  	v54, _, _ =	vpop (xrf2);
	v13 =	vadd.f32 v13, v34;
	v34 =	vld [tilespmem:s29+$0xFFFFFE20];
	[tilespmem:$0x1FFB0] =	vst v1;
	v1 =	vbroadcast v41, $0xF  }
0x1fe: {  	v23 =	vmov v17;
	v56, _, _ =	vpop (xrf2);
	[tilespmem:$0x1FF50] =	vst v4;
	v4 =	vld [tilespmem:$0x1FF80];
	v17 =	vadd.f32 v61, v3;
	v3 =	vbroadcast v35, $0xF  }
0x1ff: {  	[tilespmem:$0x1FF40] =	vst v63;
	v58, _, _ =	vpop (xrf2);
	v2 =	vld [tilespmem:$0x1FF70]  }
0x200: {  	v36 =	vmov v11;
	v49 =	vbroadcast v42, $0xF;
	v62 =	vmul.f32 v29, v29;
	v57, _, _ =	vpop (xrf2);
	v35 =	vld [tilespmem:s29+$0xFFFFFE50];
	[tilespmem:$0x1FFA0] =	vst v3  }
0x201: {  	v63 =	vmul.f32 v31, v31;
	(xrf2) =	vadd.scan.msk.f32 $0xffff, v53;
	v32 =	vld [tilespmem:s29+$0xFFFFFE40];
	v43 =	vadd.f32 v43, v44;
	[tilespmem:$0x1FFC0] =	vst v1;
	v1 =	vpop (erf)  }
0x202: {  	v42 =	vld [tilespmem:s28+$0xFFFFFE10];
	v61, _, _ =	vpop (xrf2);
	v3 =	vmul.f32 v8, v8;
	[tilespmem:$0x1FFD0] =	vst v1;
	v1 =	vadd.f32 v62, v17;
	v17 =	vmul.f32 v30, v30  }
0x203: {  	[tilespmem:$0x1FFF0] =	vst v6;
	v59 =	vbroadcast v60, $0xF;
	(xrf2) =	vadd.scan.msk.f32 $0xffff, v13;
	v7 =	vmul.f32 v34, v34;
	v33 =	vld [tilespmem:s29+$0xFFFFFE60];
	v60, _, _ =	vpop (xrf2)  }
0x204: {  	v41 =	vld [tilespmem:s28+$0xFFFFFE00];
	v52 =	vadd.f32 v5, v43;
	v44 =	vmovc v8;
	v2 =	vmul.f32 v2, v4;
	v62 =	vadd.f32 v63, v17  }
0x205: {  	(xrf2) =	vadd.scan.msk.f32 $0xffff, v0;
	v43 =	vld [tilespmem:s28+$0xFFFFFE40];
	v4 =	vpop (erf);
	v0 =	vmul.f32 v35, v35;
	v17 =	vbroadcast v45, $0xF;
	v53 =	vadd.f32 v3, v1  }
0x206: {  	s30 =	simm.s32 $0x40;
	[tilespmem:$0x1FFE0] =	vst v4;
	v45 =	vld [tilespmem:s28+$0xFFFFFE20];
	v63 =	vmul.f32 v32, v32;
	v3, _, _ =	vpop (xrf2);
	v1 =	vmul.f32 v6, v6;
	v13 =	vadd.f32 v7, v62  }
.LBB2_14:
0x207: {  	v5 =	vld [tilespmem:$0x1FB90]  }
0x208: {  	v6 =	vld [tilespmem:$0x1FBD0]  }
0x209: {  	v62 =	vld [tilespmem:s28+$0xFFFFFE30]  }
0x20a: {  	v10 =	vld [tilespmem:$0x1FA80]  }
0x20b: {  	v11 =	vld [tilespmem:$0x1FA70];
	v0 =	vadd.f32 v0, v63;
	v4 =	vmul.f32 v33, v33  }
0x20c: {  	v12 =	vld [tilespmem:$0x1FA90];
	(xrf2) =	vadd.scan.msk.f32 $0xffff, v53;
	v53 =	vmul.f32 v41, v41  }
0x20d: {  	v5 =	vmul.f32 v5, v6;
	v6 =	vmul.f32 v42, v42;
	v4 =	vadd.f32 v4, v0;
	v0 =	vld [tilespmem:$0x1FA60];
	_ =	sdelay $0x1  }
0x20e: {  	v14 =	vmul.f32 v27, v27;
	v6 =	vadd.f32 v6, v53;
	v53 =	vmul.f32 v45, v45  }
0x20f: {  	v22 =	vmul.f32 v15, v38;
	v1 =	vadd.f32 v1, v13;
	v63 =	vld [tilespmem:s28+$0xFFFFFE60];
	v19 =	vmul.f32 v43, v43  }
0x210: {  	v15 =	vld [tilespmem:$0x1FB60];
	v7, _, _ =	vpop (xrf2);
	v4 =	vadd.f32 v14, v4;
	v14 =	vmul.f32 v62, v62;
	v6 =	vadd.f32 v53, v6  }
0x211: {  	(xrf2) =	vadd.scan.msk.f32 $0xffff, v1;
	[tilespmem:$0x1F960] =	vst v27;
	v27 =	vmovc v16;
	v11 =	vmul.f32 v11, v12;
	v10 =	vmul.f32 v0, v10;
	v0 =	vld [tilespmem:s28+$0xFFFFFE70]  }
0x212: {  	v12 =	vmul.f32 v46, v46;
	v8, _, _ =	vpop (xrf2);
	(xrf2) =	vadd.scan.msk.f32 $0xffff, v4;
	v4 =	vadd.f32 v14, v6;
	v6 =	vmul.f32 v16, v16;
	v16 =	vld [tilespmem:$0x1FBA0];
	_ =	sdelay $0x1  }
0x213: {  	v12 =	vadd.f32 v12, v19;
	v19 =	vmul.f32 v63, v63;
	_ =	sdelay $0x1  }
0x214: {  	v12 =	vadd.f32 v19, v12;
	v19 =	vmul.f32 v0, v0  }
0x215: {  	v15 =	vmul.f32 v15, v16;
	v16 =	vld [tilespmem:$0x1FAD0]  }
0x216: {  	v18 =	vmov v36;
	v36, _, _ =	vpop (xrf2);
	(xrf2) =	vadd.scan.msk.f32 $0xffff, v4;
	v4 =	vadd.f32 v19, v12;
	v12 =	vld [tilespmem:$0x1FAA0];
	_ =	sdelay $0x1  }
0x217: {  	v13 =	vld [tilespmem:s28+$0xFFFFFF10];
	_ =	sdelay $0x1  }
0x218: {  	v1 =	vld [tilespmem:s28+$0xFFFFFF20]  }
0x219: {  	v12 =	vmul.f32 v12, v16;
	v16 =	vbroadcast v9, $0xF;
	v9 =	vld [tilespmem:$0x1FBE0]  }
0x21a: {  	v53 =	vbroadcast v37, $0xF;
	v37 =	vld [tilespmem:s28+$0xFFFFFF30]  }
0x21b: {  	v14 =	vmul.f32 v13, v13;
	_ =	sdelay $0x1  }
0x21c: {  	v6 =	vadd.f32 v14, v6;
	v14 =	vmul.f32 v1, v1  }
0x21d: {  	v38 =	vmul.f32 v9, v24;
	v9 =	vld [tilespmem:$0x1FB20]  }
0x21e: {  	v6 =	vadd.f32 v14, v6;
	v14 =	vmul.f32 v37, v37;
	v24 =	vld [tilespmem:$0x1FB70]  }
0x21f: {  	v10 =	vadd.f32 v11, v10;
	v11 =	vld [tilespmem:$0x1FB80]  }
0x220: {  	v19 =	vbroadcast v40, $0xF;
	v40, _, _ =	vpop (xrf2);
	(xrf2) =	vadd.scan.msk.f32 $0xffff, v4;
	v4 =	vadd.f32 v14, v6;
	v6 =	vld [tilespmem:$0x1FB30];
	_ =	sdelay $0x1  }
0x221: {  	v2 =	vadd.f32 v2, v10;
	v10 =	vld [tilespmem:$0x1FBB0]  }
0x222: {  	v9 =	vmul.f32 v9, v24;
	v24 =	vld [tilespmem:$0x1FBF0];
	_ =	sdelay $0x1  }
0x223: {  	v6 =	vmul.f32 v6, v11  }
0x224: {  	v47 =	vmul.f32 v26, v47;
	v26 =	vld [tilespmem:$0x1FC00]  }
0x225: {  	v6 =	vadd.f32 v6, v9;
	v9 =	vld [tilespmem:$0x1FD00]  }
0x226: {  	v10 =	vmul.f32 v10, v24;
	v24 =	vld [tilespmem:$0x1FBC0];
	_ =	sdelay $0x3  }
0x227: {  	v14, _, _ =	vpop (xrf2);
	(xrf2) =	vadd.scan.msk.f32 $0xffff, v4;
	v4 =	vbroadcast v54, $0xF;
	v54 =	vmul.f32 v20, v25;
	v20 =	vld [tilespmem:$0x1FCD0]  }
0x228: {  	v24 =	vmul.f32 v24, v26;
	v26 =	vmul.f32 v9, v21;
	v21 =	vld [tilespmem:$0x1FD10];
	_ =	sdelay $0x2  }
0x229: {  	v25 =	vadd.f32 v15, v6;
	v15 =	vld [tilespmem:$0x1FC90]  }
0x22a: {  	v9 =	vld [tilespmem:$0x1FC40]  }
0x22b: {  	v10 =	vadd.f32 v24, v10;
	v24 =	vmul.f32 v20, v21;
	v20 =	vld [tilespmem:$0x1FCE0]  }
0x22c: {  	v21 =	vld [tilespmem:$0x1FD20];
	_ =	sdelay $0x3  }
0x22d: {  	v9 =	vmul.f32 v9, v15  }
0x22e: {  	v15 =	vbroadcast v56, $0xF;
	v56 =	vmul.f32 v20, v21  }
0x22f: {  	v2 =	vadd.f32 v51, v2  }
0x230: {  	v51, _, _ =	vpop (xrf2);
	v10 =	vadd.f32 v38, v10;
	v24 =	vadd.f32 v56, v24;
	v56 =	vld [tilespmem:$0x1FB50]  }
0x231: {  	v6, _, _ =	vpop (xrf2)  }
0x232: {  	v10 =	vadd.f32 v22, v10;
	v22, _, _ =	vpop (xrf2)  }
0x233: {  	v6 =	vbroadcast v6, $0xF;
	v21 =	vbroadcast v22, $0xF  }
0x234: {  	v8 =	vbroadcast v8, $0xF;
	v24 =	vadd.f32 v26, v24;
	v26 =	vbroadcast v40, $0xF  }
0x235: {  	v14 =	vbroadcast v14, $0xF;
	v6 =	vsel vm0, v6, v21;
	(xrf2) =	vadd.scan.msk.f32 $0xffff, v56;
	v56 =	vbroadcast v51, $0xF  }
0x236: {  	v36 =	vbroadcast v36, $0xF;
	v20 =	vld [tilespmem:$0x1FC70];
	v6 =	vsel vm1, v6, v26  }
0x237: {  	v7 =	vbroadcast v7, $0xF;
	v6 =	vsel vm2, v6, v8;
	v8 =	vld [tilespmem:$0x1FDB0];
	v14 =	vsel vm0, v14, v56  }
0x238: {  	v3 =	vbroadcast v3, $0xF;
	v14 =	vsel vm1, v14, v36  }
0x239: {  	v61 =	vbroadcast v61, $0xF;
	v22, _, _ =	vpop (xrf2);
	v7 =	vsel vm2, v14, v7  }
0x23a: {  	v58 =	vbroadcast v58, $0xF;
	v14 =	vbroadcast v22, $0xF;
	v3 =	vsel vm3, v7, v3  }
0x23b: {  	v11 =	vld [tilespmem:$0x1FF40];
	v40 =	vbroadcast v60, $0xF;
	(xrf2) =	vadd.scan.msk.f32 $0xffff, v20;
	v3 =	vsel vm4, v3, v61  }
0x23c: {  	v20 =	vld [tilespmem:$0x1FDC0];
	(xrf2) =	vadd.scan.msk.f32 $0xffff, v8;
	v8 =	vbroadcast v57, $0xF;
	v6 =	vsel vm3, v6, v14;
	v3 =	vsel vm5, v3, v58  }
0x23d: {  	v6 =	vsel vm4, v6, v40;
	v3 =	vsel vm6, v3, v4;
	v4 =	vld [tilespmem:$0x1FD40]  }
0x23e: {  	v6 =	vsel vm5, v6, v8;
	v8 =	vld [tilespmem:$0x1FD90]  }
0x23f: {  	v50 =	vbroadcast v50, $0xF;
	v14 =	vld [tilespmem:$0x1FD80]  }
0x240: {  	v11 =	vbroadcast v11, $0xF;
	v6 =	vsel vm6, v6, v15  }
0x241: {  	v6 =	vsel vm7, v6, v50  }
0x242: {  	(xrf2) =	vadd.scan.msk.f32 $0xffff, v52;
	v6 =	vsel vm8, v6, v11  }
0x243: {  	v48 =	vbroadcast v48, $0xF;
	v15 =	vld [tilespmem:$0x1FD50];
	v4 =	vmul.f32 v4, v8;
	v8, _, _ =	vpop (xrf2);
	(xrf2) =	vadd.scan.msk.f32 $0xffff, v2;
	v2 =	vsel vm9, v6, v19  }
0x244: {  	v14 =	vmul.f32 v14, v20;
	v20 =	vld [tilespmem:$0x1FDA0];
	v2 =	vsel vm10, v2, v53  }
0x245: {  	v39 =	vbroadcast v39, $0xF;
	v3 =	vsel vm7, v3, v48;
	v2 =	vsel vm11, v2, v17;
	v17 =	vld [tilespmem:$0x1FFB0]  }
0x246: {  	v3 =	vsel vm8, v3, v16  }
0x247: {  	v3 =	vsel vm9, v3, v39  }
0x248: {  	v3 =	vsel vm10, v3, v59  }
0x249: {  	v3 =	vsel vm11, v3, v49  }
0x24a: {  	v15 =	vmul.f32 v15, v20;
	v3 =	vsel vm12, v3, v17;
	v17 =	vld [tilespmem:$0x1FFC0]  }
0x24b: {  	v52 =	vld [tilespmem:$0x1FE10]  }
0x24c: {  	v5 =	vadd.f32 v5, v25;
	v4 =	vadd.f32 v15, v4;
	v15 =	vld [tilespmem:$0x1FE90]  }
0x24d: {  	v19 =	vld [tilespmem:$0x1FEA0]  }
0x24e: {  	v11, _, _ =	vpop (xrf2);
	(xrf2) =	vadd.scan.msk.f32 $0xffff, v5;
	v5 =	vld [tilespmem:$0x1FEF0]  }
0x24f: {  	v17 =	vsel vm12, v2, v17;
	v2 =	vld [tilespmem:$0x1FF90]  }
0x250: {  	v53 =	vld [tilespmem:$0x1FFA0]  }
0x251: {  	v6 =	vmul.f32 v52, v15;
	v15 =	vld [tilespmem:$0x1FE20];
	_ =	sdelay $0x2  }
0x252: {  	v3 =	vsel vm13, v3, v2  }
0x253: {  	v21 =	vld [tilespmem:$0x1FF60];
	v5 =	vmul.f32 v55, v5;
	v55 =	vsel vm14, v3, v8  }
0x254: {  	v16 =	vld [tilespmem:$0x1FEE0];
	v17 =	vsel vm13, v17, v53;
	v15 =	vmul.f32 v15, v19;
	v20 =	vshrl.u32 v55, $0x1  }
0x255: {  	v8 =	vsel vm14, v17, v11;
	v19 =	vsub.s32 $0x5F3759DF, v20;
	v20 =	vld [tilespmem:$0x1FF00]  }
0x256: {  	v2, _, _ =	vpop (xrf2);
	v15 =	vadd.f32 v15, v6;
	(xrf2) =	vadd.scan.msk.f32 $0xffff, v10;
	v10 =	vshrl.u32 v8, $0x1;
	v17 =	vmul.f32 $5.000000000e-01, v8  }
0x257: {  	v10 =	vsub.s32 $0x5F3759DF, v10  }
0x258: {  	v22 =	vadd.f32 v14, v4;
	v5 =	vadd.f32 v5, v15;
	v15 =	vmul.f32 v10, v17  }
0x259: {  	v51 =	vadd.f32 v47, v24;
	v16 =	vmul.f32 v16, v23;
	v11 =	vmul.f32 $5.000000000e-01, v55  }
0x25a: {  	v23 =	vmul.f32 v10, v15;
	v20 =	vmul.f32 v20, v21;
	v21 =	vadd.f32 v54, v22  }
0x25b: {  	v56 =	vld [tilespmem:$0x1FF10];
	v3, _, _ =	vpop (xrf2);
	(xrf2) =	vadd.scan.msk.f32 $0xffff, v51;
	v14 =	vmul.f32 v19, v11  }
0x25c: {  	v4, _, _ =	vpop (xrf2);
	(xrf2) =	vadd.scan.msk.f32 $0xffff, v21;
	v21 =	vsub.f32 $1.500000000e+00, v23  }
0x25d: {  	v14 =	vmul.f32 v19, v14;
	v15 =	vld [tilespmem:$0x1FF50]  }
0x25e: {  	v24 =	vmul.f32 v31, v42;
	v10 =	vmul.f32 v10, v21;
	v21 =	vld [tilespmem:$0x1FFF0]  }
0x25f: {  	v22 =	vmul.f32 v18, v44;
	v14 =	vsub.f32 $1.500000000e+00, v14;
	v18 =	vmul.f32 v30, v41  }
0x260: {  	v7 =	vmul.f32 v56, v28;
	v16 =	vadd.f32 v16, v5;
	v23 =	vmul.f32 v34, v45  }
0x261: {  	v18 =	vadd.f32 v24, v18;
	v14 =	vmul.f32 v19, v14;
	v19 =	vmul.f32 v35, v46  }
0x262: {  	v5, _, _ =	vpop (xrf2);
	v7 =	vadd.f32 v7, v20;
	v15 =	vmul.f32 v15, v29;
	(xrf2) =	vadd.scan.msk.f32 $0xffff, v16;
	v16 =	vmul.f32 v32, v43  }
0x263: {  	v18 =	vadd.f32 v23, v18;
	v24 =	vmul.f32 v21, v62  }
0x264: {  	v7 =	vadd.f32 v15, v7;
	v15 =	vld [tilespmem:$0x1FDD0];
	v16 =	vadd.f32 v19, v16;
	v19 =	vmul.f32 v33, v63  }
0x265: {  	v57 =	vadd.f32 v24, v18;
	v18 =	vld [tilespmem:$0x1FDE0]  }
0x266: {  	v16 =	vadd.f32 v19, v16;
	v19 =	vld [tilespmem:$0x1F960];
	_ =	sdelay $0x3  }
0x267: {  	v15 =	vmul.f32 v15, v27;
	v13 =	vmul.f32 v18, v13  }
0x268: {  	v58 =	vld [tilespmem:$0x1FC50];
	v0 =	vmul.f32 v19, v0  }
0x269: {  	v13 =	vadd.f32 v13, v15;
	v15 =	vld [tilespmem:$0x1FE50]  }
0x26a: {  	v0 =	vadd.f32 v0, v16;
	v16 =	vld [tilespmem:$0x1FCA0];
	_ =	sdelay $0x1  }
0x26b: {  	v7 =	vadd.f32 v22, v7;
	v22 =	vmul.f32 v10, v17;
	_ =	sdelay $0x1  }
0x26c: {  	v22 =	vmul.f32 v22, v10;
	v1 =	vmul.f32 v15, v1  }
0x26d: {  	v20, _, _ =	vpop (xrf2);
	(xrf2) =	vadd.scan.msk.f32 $0xffff, v7;
	v7 =	vmul.f32 v58, v16  }
0x26e: {  	v23 =	vmul.f32 v14, v11;
	v15 =	vsub.f32 $1.500000000e+00, v22;
	v1 =	vadd.f32 v1, v13;
	v13 =	vld [tilespmem:$0x1FED0]  }
0x26f: {  	v7 =	vadd.f32 v7, v9;
	v9 =	vld [tilespmem:$0x1FC80]  }
0x270: {  	v19 =	vmul.f32 v23, v14;
	v10 =	vmul.f32 v15, v10;
	v15 =	vld [tilespmem:$0x1FCC0];
	_ =	sdelay $0x1  }
0x271: {  	v16 =	vsub.f32 $1.500000000e+00, v19  }
0x272: {  	v13 =	vmul.f32 v13, v37  }
0x273: {  	v21, _, _ =	vpop (xrf2);
	(xrf2) =	vadd.scan.msk.f32 $0xffff, v57;
	v14 =	vmul.f32 v16, v14;
	v16 =	vld [tilespmem:$0x1FCF0]  }
0x274: {  	v18, _, _ =	vpop (xrf2);
	(xrf2) =	vadd.scan.msk.f32 $0xffff, v0;
	v9 =	vmul.f32 v9, v15;
	v0 =	vadd.f32 v13, v1;
	v1 =	vld [tilespmem:$0x1FAB0]  }
0x275: {  	v13 =	vld [tilespmem:$0x1FAE0]  }
0x276: {  	v7 =	vadd.f32 v9, v7;
	v9 =	vld [tilespmem:$0x1FCB0];
	_ =	sdelay $0x3  }
0x277: {  	v1 =	vmul.f32 v1, v13  }
0x278: {  	v9 =	vmul.f32 v9, v16;
	v16 =	vld [tilespmem:$0x1FB10]  }
0x279: {  	v1 =	vadd.f32 v1, v12;
	v12 =	vld [tilespmem:$0x1FAC0];
	_ =	sdelay $0x4  }
0x27a: {  	v12 =	vmul.f32 v12, v16  }
0x27b: {  	v16 =	vld [tilespmem:$0x1FB40]  }
0x27c: {  	v1 =	vadd.f32 v12, v1;
	v12 =	vld [tilespmem:$0x1FB00];
	_ =	sdelay $0x1  }
0x27d: {  	v59 =	vld [tilespmem:$0x1F9F0]  }
0x27e: {  	v15, _, _ =	vpop (xrf2);
	(xrf2) =	vadd.scan.msk.f32 $0xffff, v0;
	v0 =	vadd.f32 v9, v7;
	v9 =	vld [tilespmem:$0x1FA10];
	_ =	sdelay $0x1  }
0x27f: {  	v12 =	vmul.f32 v12, v16;
	v16 =	vld [tilespmem:$0x1FE80]  }
0x280: {  	v13 =	vmul.f32 v10, v17  }
0x281: {  	v17 =	vmul.f32 v14, v11  }
0x282: {  	v13 =	vmul.f32 v13, v10;
	v7 =	vmul.f32 v59, v9  }
0x283: {  	v9 =	vmul.f32 v17, v14;
	v17 =	vld [tilespmem:$0x1FA30]  }
0x284: {  	v13 =	vsub.f32 $1.500000000e+00, v13;
	v7 =	vadd.f32 v7, v16;
	v16 =	vld [tilespmem:$0x1FA00];
	_ =	sdelay $0x1  }
0x285: {  	v10 =	vmul.f32 v13, v10;
	v13 =	vld [tilespmem:$0x1FA20]  }
0x286: {  	v11, _, _ =	vpop (xrf2);
	(xrf2) =	vadd.scan.msk.f32 $0xffff, v0;
	v0 =	vadd.f32 v12, v1;
	v1 =	vld [tilespmem:$0x1FC20]  }
0x287: {  	v9 =	vsub.f32 $1.500000000e+00, v9;
	v12 =	vld [tilespmem:$0x1FC60]  }
0x288: {  	v8 =	vmul.f32 v10, v8;
	v10 =	vld [tilespmem:$0x1FFE0];
	v16 =	vmul.f32 v16, v17  }
0x289: {  	v17 =	vmul.f32 v9, v14;
	v14 =	vld [tilespmem:$0x1FC10]  }
0x28a: {  	v7 =	vadd.f32 v16, v7;
	v16 =	vld [tilespmem:$0x1FA40];
	_ =	sdelay $0x1  }
0x28b: {  	v1 =	vadd.f32 v12, v1  }
0x28c: {  	v12, _, _ =	vpop (xrf2)  }
0x28d: {  	v8 =	vmul.f32 v8, v10;
	(xrf2) =	vadd.scan.msk.f32 $0xffff, v0;
	v0 =	vbroadcast v12, $0xF;
	v9, _, _ =	vpop (xrf2);
	v1 =	vadd.f32 v14, v1;
	v14 =	vld [tilespmem:$0x1FAF0]  }
0x28e: {  	v9 =	vbroadcast v9, $0xF;
	v13 =	vmul.f32 v13, v16;
	v16 =	vld [tilespmem:$0x1FC30]  }
0x28f: {  	v60 =	vmax.f32 v8, $9.999999930e-09;
	v8 =	vld [tilespmem:$0x1FFD0]  }
0x290: {  	v0 =	vsel vm0, v0, v9;
	v9 =	vld [tilespmem:$0x1FA50]  }
0x291: {  	v7 =	vadd.f32 v13, v7  }
0x292: {  	v10 =	vbroadcast v11, $0xF;
	v6 =	vmul.f32 v17, v55  }
0x293: {  	(xrf2) =	vadd.scan.msk.f32 $0xffff, v7;
	v14 =	vmul.f32 v14, v16  }
0x294: {  	v11 =	vbroadcast v15, $0xF;
	v6 =	vmul.f32 v6, v8;
	v8, _, _ =	vpop (xrf2);
	v0 =	vsel vm1, v0, v10  }
0x295: {  	v8 =	vbroadcast v8, $0xF;
	v10 =	vmul.f32 v60, v9;
	v1 =	vadd.f32 v14, v1  }
0x296: {  	v0 =	vsel vm2, v0, v11;
	v6 =	vmax.f32 v6, $9.999999930e-09;
	v9 =	vbroadcast v18, $0xF  }
0x297: {  	v61, _, _ =	vpop (xrf2);
	v0 =	vsel vm3, v0, v8;
	v8 =	vbroadcast v21, $0xF;
	v6 =	vmul.f32 v6, v10;
	(xrf2) =	vadd.scan.msk.f32 $0xffff, v1  }
0x298: {  	v0 =	vsel vm4, v0, v9;
	v1 =	vbroadcast v61, $0xF  }
0x299: {  	v62 =	vbroadcast v20, $0xF;
	v0 =	vsel vm5, v0, v8;
	(erf) = vrcp.f32 v6  }
0x29a: {  	v0 =	vsel vm6, v0, v1;
	v1 =	vbroadcast v5, $0xF;
	v5, _, _ =	vpop (xrf2)  }
0x29b: {  	v0 =	vsel vm7, v0, v62;
	v5 =	vbroadcast v5, $0xF  }
0x29c: {  	v0 =	vsel vm8, v0, v1;
	v1 =	vbroadcast v4, $0xF  }
0x29d: {  	v3 =	vbroadcast v3, $0xF;
	v0 =	vsel vm9, v0, v5;
	v4, _, _ =	vpop (xrf2)  }
0x29e: {  	v0 =	vsel vm10, v0, v1;
	v4 =	vbroadcast v4, $0xF  }
0x29f: {  	v2 =	vbroadcast v2, $0xF;
	v0 =	vsel vm11, v0, v3  }
0x2a0: {  	v0 =	vsel vm12, v0, v4  }
0x2a1: {  	v0 =	vsel vm13, v0, v2;
	v1, _, _ =	vpop (xrf2)  }
0x2a2: {  	v0 =	vsel vm14, v0, v1;
	v1 =	vpop (erf)  }
0x2a3: {  	v0 =	vmul.f32 v1, v0;
	_ =	sdelay $0x1  }
0x2a4: {  	s0 =	sshra.s32 s30, $0x2;
	v0 =	vmul.f32 $5.000000000e+00, v0  }
0x2a5: {  	v19 =	vld [tilespmem:s0+$0xF280]  }
0x2a6: {  	s29 =	sadd.s32 $0x400, s29;
	v2 =	vld [tilespmem:s0+$0xF200];
	[tilespmem:s26+$0xF300] =	vst v0  }
0x2a7: {  	s28 =	sadd.s32 $0x400, s28;
	v35 =	vld [tilespmem:s29+$0x1F0]  }
0x2a8: {  	v36 =	vld [tilespmem:s28+$0x1F0]  }
0x2a9: {  	v0 =	vld [tilespmem:s29+$0x1E0]  }
0x2aa: {  	v8 =	vld [tilespmem:s28+$0x1E0]  }
0x2ab: {  	v12 =	vld [tilespmem:s29+$0x1B0]  }
0x2ac: {  	v9 =	vld [tilespmem:s29+$0x1C0]  }
0x2ad: {  	v18 =	vld [tilespmem:s29+$0x1D0]  }
0x2ae: {  	v13 =	vld [tilespmem:s28+$0x1B0]  }
0x2af: {  	v15 =	vld [tilespmem:s28+$0x1C0]  }
0x2b0: {  	v10 =	vld [tilespmem:s28+$0x1D0]  }
0x2b1: {  	v37 =	vld [tilespmem:s29+$0x170]  }
0x2b2: {  	v28 =	vld [tilespmem:s29+$0x1A0]  }
0x2b3: {  	v38 =	vld [tilespmem:s28+$0x170]  }
0x2b4: {  	v20 =	vld [tilespmem:s28+$0x1A0]  }
0x2b5: {  	v31 =	vld [tilespmem:s29+$0x130]  }
0x2b6: {  	v39 =	vld [tilespmem:s29+$0x160]  }
0x2b7: {  	v14 =	vld [tilespmem:s29+$0x180]  }
0x2b8: {  	v11 =	vld [tilespmem:s29+$0x190]  }
0x2b9: {  	v63 =	vld [tilespmem:s29+$0x140]  }
0x2ba: {  	v29 =	vld [tilespmem:s28+$0x140]  }
0x2bb: {  	v1 =	vld [tilespmem:s29+$0xE0]  }
0x2bc: {  	v5 =	vld [tilespmem:s29+$0x100]  }
0x2bd: {  	v3 =	vld [tilespmem:s29+$0x110]  }
0x2be: {  	v4 =	vld [tilespmem:s28+$0xE0];
	[tilespmem:$0x1F970] =	vst v63  }
0x2bf: {  	v21 =	vld [tilespmem:s28+$0x100];
	[tilespmem:$0x1F980] =	vst v29  }
0x2c0: {  	v7 =	vld [tilespmem:s28+$0x110];
	[tilespmem:$0x1F9D0] =	vst v1  }
0x2c1: {  	v27 =	vld [tilespmem:s29+$0x150];
	[tilespmem:$0x1F990] =	vst v5  }
0x2c2: {  	v30 =	vld [tilespmem:s28+$0x130];
	[tilespmem:$0x1F9B0] =	vst v3  }
0x2c3: {  	v43 =	vld [tilespmem:s28+$0x150];
	[tilespmem:$0x1F9E0] =	vst v4  }
0x2c4: {  	v40 =	vld [tilespmem:s28+$0x160];
	[tilespmem:$0x1F9A0] =	vst v21  }
0x2c5: {  	v17 =	vld [tilespmem:s28+$0x180];
	[tilespmem:$0x1F9C0] =	vst v7  }
0x2c6: {  	v16 =	vld [tilespmem:s28+$0x190];
	[tilespmem:$0x1F9F0] =	vst v27  }
0x2c7: {  	v54 =	vld [tilespmem:s29+$0xC0];
	[tilespmem:$0x1FA00] =	vst v39  }
0x2c8: {  	v50 =	vld [tilespmem:s29+$0xD0];
	[tilespmem:$0x1FA10] =	vst v43  }
0x2c9: {  	v33 =	vld [tilespmem:s29+$0xF0];
	[tilespmem:$0x1FA20] =	vst v37  }
0x2ca: {  	v41 =	vld [tilespmem:s29+$0x120];
	[tilespmem:$0x1FA30] =	vst v40  }
0x2cb: {  	v57 =	vld [tilespmem:s28+$0xC0];
	[tilespmem:$0x1FA40] =	vst v38  }
0x2cc: {  	v56 =	vld [tilespmem:s28+$0xD0];
	[tilespmem:$0x1FA60] =	vst v54  }
0x2cd: {  	v52 =	vld [tilespmem:s29+$0x80];
	[tilespmem:$0x1FA70] =	vst v50  }
0x2ce: {  	v47 =	vld [tilespmem:s29+$0x90];
	[tilespmem:$0x1FAF0] =	vst v35  }
0x2cf: {  	v19 =	vcvt.s32.f32 v19;
	v45 =	vld [tilespmem:s29+$0xA0];
	[tilespmem:$0x1FC30] =	vst v36  }
0x2d0: {  	v2 =	vcvt.s32.f32 v2;
	v61 =	vld [tilespmem:s28+$0x80];
	[tilespmem:$0x1FA80] =	vst v57  }
0x2d1: {  	(erf) = vrcp.f32 v19;
	v44 =	vld [tilespmem:s28+$0xB0];
	[tilespmem:$0x1FA90] =	vst v56  }
0x2d2: {  	(erf) = vrcp.f32 v2;
	v42 =	vld [tilespmem:s29+$0xB0];
	[tilespmem:$0x1FAA0] =	vst v52  }
0x2d3: {  	v55 =	vld [tilespmem:s29+$0x70];
	v22 =	vmul.f32 v14, v14;
	v23 =	vmul.f32 v11, v11;
	[tilespmem:$0x1FAB0] =	vst v47  }
0x2d4: {  	v46 =	vld [tilespmem:s28+$0xA0];
	v24 =	vmul.f32 v17, v17;
	v25 =	vmul.f32 v16, v16;
	[tilespmem:$0x1FAC0] =	vst v45  }
0x2d5: {  	v6 =	vld [tilespmem:s29+$0x50];
	v26 =	vmul.f32 v63, v63;
	[tilespmem:$0x1FAD0] =	vst v61;
	v22 =	vadd.f32 v23, v22;
	v23 =	vmul.f32 v28, v28  }
0x2d6: {  	v51 =	vld [tilespmem:s29+$0x60];
	v27 =	vmul.f32 v27, v27;
	[tilespmem:$0x1FB40] =	vst v44;
	v44 =	vmul.f32 v44, v44;
	v24 =	vadd.f32 v25, v24  }
0x2d7: {  	v59 =	vld [tilespmem:s28+$0x60];
	[tilespmem:$0x1FB00] =	vst v42;
	v25 =	vmul.f32 v20, v20;
	v22 =	vadd.f32 v23, v22;
	v23 =	vmul.f32 v12, v12  }
0x2d8: {  	v58 =	vld [tilespmem:s28+$0x70];
	[tilespmem:$0x1FB90] =	vst v55;
	v55 =	vmul.f32 v55, v55;
	v14 =	vmul.f32 v14, v17  }
0x2d9: {  	v34 =	vld [tilespmem:s28+$0xF0];
	[tilespmem:$0x1FB10] =	vst v46;
	v22 =	vadd.f32 v23, v22;
	v23 =	vadd.f32 v25, v24;
	v24 =	vmul.f32 v13, v13  }
0x2da: {  	v62 =	vld [tilespmem:s29+$0x20];
	[tilespmem:$0x1FB30] =	vst v6;
	v25 =	vadd.f32 v27, v26;
	v26 =	vmul.f32 v39, v39;
	v27 =	vmul.f32 v43, v43  }
0x2db: {  	v48 =	vld [tilespmem:s29+$0xFFFFFFF0];
	[tilespmem:$0x1FB60] =	vst v51;
	v39 =	vmul.f32 v47, v47;
	(xrf2) =	vadd.scan.msk.f32 $0xffff, v22;
	v22 =	vmul.f32 v29, v29  }
0x2dc: {  	v32 =	vld [tilespmem:s28+$0x120];
	[tilespmem:$0x1FBA0] =	vst v59;
	v23 =	vadd.f32 v24, v23;
	v24 =	vadd.f32 v26, v25;
	v25 =	vmul.f32 v37, v37  }
0x2dd: {  	v53 =	vld [tilespmem:s29+$0x30];
	[tilespmem:$0x1FBD0] =	vst v58;
	v26 =	vmul.f32 v40, v40;
	v40 =	vmul.f32 v56, v56  }
0x2de: {  	v49 =	vld [tilespmem:s28+$0xFFFFFFF0];
	v22 =	vadd.f32 v27, v22;
	(xrf2) =	vadd.scan.msk.f32 $0xffff, v23;
	v23 =	vmul.f32 v5, v5;
	v27 =	vmul.f32 v3, v3  }
0x2df: {  	v63 =	vld [tilespmem:s29+$0x40];
	[tilespmem:$0x1FBE0] =	vst v62;
	v37 =	vmul.f32 v9, v9;
	v24 =	vadd.f32 v25, v24;
	v25 =	vmul.f32 v38, v38  }
0x2e0: {  	v60 =	vld [tilespmem:s28+$0x30];
	[tilespmem:$0x1FCB0] =	vst v48;
	v38 =	vmul.f32 v18, v18;
	v23 =	vadd.f32 v27, v23;
	v27 =	vmul.f32 v19, v2  }
0x2e1: {  	v43 =	vld [tilespmem:s28+$0x90];
	v22 =	vadd.f32 v26, v22;
	v26 =	vmul.f32 v41, v41;
	(xrf2) =	vadd.scan.msk.f32 $0xffff, v24;
	v24 =	vmul.f32 v21, v21  }
0x2e2: {  	v47 =	vld [tilespmem:s28+$0xFFFFFFE0];
	v2 =	vmul.f32 v54, v54;
	v37 =	vadd.f32 v38, v37;
	[tilespmem:$0x1FA50] =	vst v27;
	v27 =	vmul.f32 v7, v7  }
0x2e3: {  	[tilespmem:$0x1FCF0] =	vst v49;
	v56 =	vld [tilespmem:s29+$0x0];
	v22 =	vadd.f32 v25, v22;
	v23 =	vadd.f32 v26, v23;
	v25 =	vmul.f32 v31, v31  }
0x2e4: {  	v17 =	vld [tilespmem:s28+$0xFFFFFEF0];
	[tilespmem:$0x1FB20] =	vst v63;
	v38 =	vmul.f32 v61, v61;
	v19 =	vadd.f32 v27, v24;
	v24 =	vmul.f32 v32, v32  }
0x2e5: {  	v5 =	vld [tilespmem:s28+$0x40];
	(xrf2) =	vadd.scan.msk.f32 $0xffff, v22;
	v22 =	vmul.f32 v50, v50;
	v23 =	vadd.f32 v25, v23;
	v25 =	vmul.f32 v30, v30  }
0x2e6: {  	v3 =	vld [tilespmem:s28+$0x50];
	[tilespmem:$0x1FAE0] =	vst v43;
	v27 =	vmul.f32 v35, v35;
	v35 =	vmul.f32 v57, v57;
	v24 =	vadd.f32 v24, v19  }
0x2e7: {  	[tilespmem:$0x1FCC0] =	vst v47;
	v61 =	vld [tilespmem:s29+$0xFFFFFF70];
	v21 =	vmul.f32 v0, v8;
	v2 =	vadd.f32 v22, v2;
	v22 =	vmul.f32 v1, v1  }
0x2e8: {  	[tilespmem:$0x1FBB0] =	vst v56;
	v26 =	vld [tilespmem:s28+$0x20];
	v19 =	vmul.f32 v36, v36;
	v35 =	vadd.f32 v40, v35;
	v24 =	vadd.f32 v25, v24  }
0x2e9: {  	v7 =	vld [tilespmem:s29+$0xFFFFFFB0];
	v54, _, _ =	vpop (xrf2);
	(xrf2) =	vadd.scan.msk.f32 $0xffff, v23;
	v36 =	vmul.f32 v4, v4;
	v2 =	vadd.f32 v22, v2;
	v22 =	vmul.f32 v33, v33  }
0x2ea: {  	v12 =	vmul.f32 v12, v13;
	[tilespmem:$0x1FC10] =	vst v21;
	v21 =	vld [tilespmem:s28+$0xFFFFFFA0];
	v29, _, _ =	vpop (xrf2);
	(xrf2) =	vadd.scan.msk.f32 $0xffff, v24;
	v24 =	vmul.f32 v52, v52  }
0x2eb: {  	[tilespmem:$0x1FB70] =	vst v5;
	v50 =	vld [tilespmem:s29+$0xFFFFFFE0];
	v40 =	vpop (erf);
	v1 =	vadd.f32 v22, v2;
	v22 =	vadd.f32 v36, v35;
	v35 =	vmul.f32 v34, v34  }
0x2ec: {  	v8 =	vmul.f32 v8, v8;
	[tilespmem:$0x1FB80] =	vst v3;
	v57 =	vld [tilespmem:s29+$0x10];
	v52, _, _ =	vpop (xrf2);
	v36 =	vmul.f32 v0, v0;
	v24 =	vadd.f32 v39, v24  }
0x2ed: {  	v4 =	vld [tilespmem:s28+$0x0];
	v39 =	vmul.f32 v45, v45;
	(xrf2) =	vadd.scan.msk.f32 $0xffff, v1;
	v2 =	vpop (erf);
	v45 =	vmul.f32 v43, v43;
	v22 =	vadd.f32 v35, v22  }
0x2ee: {  	v23 =	vld [tilespmem:s28+$0xFFFFFF70];
	v35 =	vmul.f32 v42, v42;
	v36 =	vadd.f32 v36, v37;
	v37 =	vmul.f32 v15, v15;
	[tilespmem:$0x1FFE0] =	vst v2  }
0x2ef: {  	v1 =	vld [tilespmem:s28+$0x10];
	v2, _, _ =	vpop (xrf2);
	v24 =	vadd.f32 v39, v24;
	v39 =	vmul.f32 v46, v46;
	(xrf2) =	vadd.scan.msk.f32 $0xffff, v22;
	v22 =	vmul.f32 v63, v63  }
0x2f0: {  	[tilespmem:$0x1FFD0] =	vst v40;
	v40 =	vld [tilespmem:s29+$0xFFFFFFD0];
	v38 =	vadd.f32 v45, v38;
	v63 =	vmul.f32 v6, v6;
	v46 =	vmul.f32 v51, v51  }
0x2f1: {  	v25 =	vld [tilespmem:s28+$0xFFFFFFB0];
	[tilespmem:$0x1FBC0] =	vst v57;
	v51 =	vadd.f32 v27, v36;
	v27 =	vmul.f32 v3, v3;
	v24 =	vadd.f32 v35, v24  }
0x2f2: {  	[tilespmem:$0x1FC80] =	vst v50;
	v43 =	vld [tilespmem:s29+$0xFFFFFFA0];
	v6 =	vmul.f32 v56, v56;
	v42 =	vadd.f32 v39, v38;
	v22 =	vadd.f32 v63, v22  }
0x2f3: {  	v45 =	vld [tilespmem:s29+$0xFFFFFFC0];
	v0, _, _ =	vpop (xrf2);
	[tilespmem:$0x1FB50] =	vst v51;
	v38 =	vmul.f32 v10, v10;
	(xrf2) =	vadd.scan.msk.f32 $0xffff, v24;
	v24 =	vmul.f32 v5, v5  }
0x2f4: {  	v3 =	vld [tilespmem:s28+$0xFFFFFFC0];
	v51 =	vmul.f32 v57, v57;
	[tilespmem:$0x1FC00] =	vst v1;
	v1 =	vmul.f32 v1, v1  }
0x2f5: {  	[tilespmem:$0x1FBF0] =	vst v4;
	v56 =	vld [tilespmem:s29+$0xFFFFFF90];
	v22 =	vadd.f32 v46, v22;
	v24 =	vadd.f32 v27, v24;
	v27 =	vmul.f32 v59, v59  }
0x2f6: {  	[tilespmem:$0x1FC50] =	vst v40;
	v57 =	vld [tilespmem:s28+$0xFFFFFF80];
	v35 =	vadd.f32 v44, v42;
	v13 =	vadd.f32 v51, v6;
	v6 =	vmul.f32 v62, v62  }
0x2f7: {  	[tilespmem:$0x1FD00] =	vst v43;
	v42 =	vld [tilespmem:s28+$0xFFFFFFD0];
	v22 =	vadd.f32 v55, v22;
	v24 =	vadd.f32 v27, v24;
	v27 =	vmul.f32 v58, v58  }
0x2f8: {  	v44 =	vld [tilespmem:s29+$0xFFFFFF30];
	v36 =	vadd.f32 v38, v37;
	v62 =	vmul.f32 v9, v15;
	v15 =	vmul.f32 v26, v26;
	v63, _, _ =	vpop (xrf2);
	(xrf2) =	vadd.scan.msk.f32 $0xffff, v35  }
0x2f9: {  	v46 =	vld [tilespmem:s29+$0xFFFFFF60];
	[tilespmem:$0x1FC40] =	vst v45;
	v59, _, _ =	vpop (xrf2);
	(xrf2) =	vadd.scan.msk.f32 $0xffff, v22;
	v22 =	vmul.f32 v4, v4;
	v24 =	vadd.f32 v27, v24  }
0x2fa: {  	v51 =	vld [tilespmem:s28+$0xFFFFFF60];
	v5 =	vmul.f32 v40, v40;
	[tilespmem:$0x1FC90] =	vst v3;
	v13 =	vadd.f32 v6, v13;
	v4 =	vmul.f32 v18, v10  }
0x2fb: {  	v55 =	vld [tilespmem:s29+$0xFFFFFF80];
	v37, _, _ =	vpop (xrf2);
	v27 =	vmul.f32 v53, v53;
	v35 =	vadd.f32 v1, v22;
	v1 =	vadd.f32 v8, v36;
	(xrf2) =	vadd.scan.msk.f32 $0xffff, v24  }
0x2fc: {  	[tilespmem:$0x1FC20] =	vst v62;
	v62 =	vld [tilespmem:s28+$0xFFFFFF90];
	v10 =	vmul.f32 v11, v16;
	v22 =	vmul.f32 v45, v45  }
0x2fd: {  	v18 =	vld [tilespmem:s29+$0xFFFFFF50];
	v16 =	vmul.f32 v56, v56;
	[tilespmem:$0x1FCA0] =	vst v42;
	v13 =	vadd.f32 v27, v13;
	v1 =	vadd.f32 v19, v1  }
0x2fe: {  	v11 =	vmul.f32 v49, v49;
	[tilespmem:$0x1FC60] =	vst v4;
	v4 =	vadd.f32 v5, v22;
	v5 =	vmul.f32 v50, v50;
	v50 =	vld [tilespmem:s29+$0xFFFFFF40]  }
0x2ff: {  	v19 =	vld [tilespmem:s28+$0xFFFFFF40];
	v39, _, _ =	vpop (xrf2);
	[tilespmem:$0x1FC70] =	vst v1;
	(xrf2) =	vadd.scan.msk.f32 $0xffff, v13;
	v1 =	vmul.f32 v3, v3;
	v13 =	vmul.f32 v42, v42  }
0x300: {  	[tilespmem:$0x1FDC0] =	vst v51;
	v45 =	vld [tilespmem:s29+$0xFFFFFEF0];
	v6 =	vadd.f32 v15, v35;
	v15 =	vmul.f32 v60, v60;
	v4 =	vadd.f32 v5, v4  }
0x301: {  	v36 =	vld [tilespmem:s29+$0xFFFFFEB0];
	[tilespmem:$0x1FCD0] =	vst v55;
	v5 =	vmul.f32 v48, v48;
	v1 =	vadd.f32 v13, v1;
	v13 =	vmul.f32 v47, v47  }
0x302: {  	v8 =	vmul.f32 v43, v43;
	v43 =	vld [tilespmem:$0x1F990];
	v55 =	vmul.f32 v55, v55;
	[tilespmem:$0x1FD20] =	vst v62;
	v6 =	vadd.f32 v15, v6  }
0x303: {  	v35 =	vld [tilespmem:s29+$0xFFFFFF20];
	v24 =	vmov v26;
	v40, _, _ =	vpop (xrf2);
	v4 =	vadd.f32 v5, v4;
	[tilespmem:$0x1FD40] =	vst v50;
	v1 =	vadd.f32 v13, v1  }
0x304: {  	v22 =	vld [tilespmem:s28+$0xFFFFFF50];
	v3 =	vmul.f32 v28, v20;
	(xrf2) =	vadd.scan.msk.f32 $0xffff, v6;
	v6 =	vadd.f32 v16, v55;
	[tilespmem:$0x1FD90] =	vst v19;
	v9, _, _ =	vpop (xrf2)  }
0x305: {  	v27 =	vld [tilespmem:s29+$0xFFFFFE70];
	v13 =	vadd.f32 v10, v14;
	(xrf2) =	vadd.scan.msk.f32 $0xffff, v4;
	v4 =	vmul.f32 v57, v57;
	v1 =	vadd.f32 v11, v1;
	v5, _, _ =	vpop (xrf2)  }
0x306: {  	v26 =	vmovc v7;
	v28 =	vld [tilespmem:s28+$0xFFFFFED0];
	v14 =	vmul.f32 v62, v62;
	[tilespmem:$0x1FF40] =	vst v5;
	v5 =	vadd.f32 v8, v6;
	v8 =	vbroadcast v54, $0xF  }
0x307: {  	v42 =	vld [tilespmem:s28+$0xFFFFFE80];
	v3 =	vadd.f32 v3, v13;
	v13 =	vmul.f32 v18, v18;
	(xrf2) =	vadd.scan.msk.f32 $0xffff, v1;
	v1 =	vmul.f32 v50, v50  }
0x308: {  	v58 =	vmul.f32 v26, v26;
	v10 =	vld [tilespmem:s29+$0xFFFFFF10];
	v4 =	vadd.f32 v14, v4;
	[tilespmem:$0x1FF90] =	vst v8;
	v8 =	vmul.f32 v21, v21  }
0x309: {  	v7 =	vmul.f32 v31, v30;
	v30 =	vld [tilespmem:s29+$0xFFFFFE00];
	[tilespmem:$0x1FDA0] =	vst v22;
	v3 =	vadd.f32 v12, v3;
	v1 =	vadd.f32 v13, v1  }
0x30a: {  	v31 =	vld [tilespmem:s29+$0xFFFFFE10];
	[tilespmem:$0x1FE50] =	vst v35;
	v5 =	vadd.f32 v58, v5;
	v4 =	vadd.f32 v8, v4;
	v8 =	vmul.f32 v46, v46  }
0x30b: {  	v38 =	vmov v60;
	v60 =	vmul.f32 v25, v25;
	[tilespmem:$0x1FDB0] =	vst v3;
	v13 =	vld [tilespmem:s29+$0xFFFFFEC0];
	v3 =	vmul.f32 v19, v19  }
0x30c: {  	v48, _, _ =	vpop (xrf2);
	v19 =	vld [tilespmem:s29+$0xFFFFFED0];
	(xrf2) =	vadd.scan.msk.f32 $0xffff, v5;
	v5 =	vmul.f32 v22, v22;
	v1 =	vadd.f32 v8, v1;
	v8 =	vbroadcast v29, $0xF  }
0x30d: {  	v2 =	vbroadcast v2, $0xF;
	v55 =	vld [tilespmem:s29+$0xFFFFFEE0];
	v62 =	vmul.f32 v61, v61;
	[tilespmem:$0x1FDE0] =	vst v10;
	v4 =	vadd.f32 v60, v4  }
0x30e: {  	v11 =	vld [tilespmem:s29+$0xFFFFFF00];
	v3 =	vadd.f32 v5, v3;
	v5 =	vmul.f32 v51, v51;
	[tilespmem:$0x1FFA0] =	vst v8;
	v8 =	vbroadcast v52, $0xF  }
0x30f: {  	v50, _, _ =	vpop (xrf2);
	v22 =	vld [tilespmem:s28+$0xFFFFFEC0];
	v51 =	vmul.f32 v33, v34;
	v34 =	vmul.f32 v35, v35;
	(xrf2) =	vadd.scan.msk.f32 $0xffff, v4;
	v1 =	vadd.f32 v62, v1  }
0x310: {  	v35 =	vld [tilespmem:$0x1F970];
	v3 =	vadd.f32 v5, v3;
	v5 =	vmul.f32 v23, v23;
	[tilespmem:$0x1FFB0] =	vst v8;
	v8 =	vmul.f32 v10, v10  }
0x311: {  	v54, _, _ =	vpop (xrf2);
	[tilespmem:$0x1FE10] =	vst v13;
	(xrf2) =	vadd.scan.msk.f32 $0xffff, v1;
	v1 =	vmul.f32 v13, v13;
	v10 =	vmul.f32 v19, v19;
	v13 =	vld [tilespmem:$0x1F980]  }
0x312: {  	[tilespmem:$0x1FD50] =	vst v18;
	v18 =	vld [tilespmem:s28+$0xFFFFFEE0]  }
0x313: {  	[tilespmem:$0x1FFC0] =	vst v2;
	v3 =	vadd.f32 v5, v3;
	v1 =	vadd.f32 v10, v1;
	v10 =	vld [tilespmem:$0x1F9A0]  }
0x314: {  	[tilespmem:$0x1FCE0] =	vst v56;
	v16 =	vld [tilespmem:s28+$0xFFFFFF00]  }
0x315: {  	[tilespmem:$0x1FD10] =	vst v57;
	v14 =	vld [tilespmem:s28+$0xFFFFFEB0];
	v56, _, _ =	vpop (xrf2);
	v2 =	vmul.f32 v22, v22;
	(xrf2) =	vadd.scan.msk.f32 $0xffff, v3;
	v3 =	vmul.f32 v28, v28  }
0x316: {  	[tilespmem:$0x1FDD0] =	vst v11;
	v4 =	vmul.f32 v11, v11;
	v11 =	vld [tilespmem:s29+$0xFFFFFE80];
	v6 =	vmul.f32 v35, v13  }
0x317: {  	[tilespmem:$0x1FEF0] =	vst v18;
	v2 =	vadd.f32 v3, v2;
	v3 =	vmul.f32 v18, v18;
	v18 =	vld [tilespmem:$0x1F9C0]  }
0x318: {  	v4 =	vadd.f32 v8, v4;
	[tilespmem:$0x1FE80] =	vst v6;
	v6 =	vmul.f32 v43, v10;
	v10 =	vld [tilespmem:$0x1F9B0]  }
0x319: {  	[tilespmem:$0x1FE20] =	vst v19;
	v19 =	vld [tilespmem:s29+$0xFFFFFE90]  }
0x31a: {  	v49 =	vbroadcast v0, $0xF;
	[tilespmem:$0x1FD80] =	vst v46;
	v29 =	vld [tilespmem:s28+$0xFFFFFEA0];
	v5 =	vmul.f32 v44, v44;
	v4 =	vadd.f32 v34, v4  }
0x31b: {  	[tilespmem:$0x1FED0] =	vst v44;
	v8 =	vmul.f32 v41, v32;
	v41 =	vmul.f32 v55, v55;
	v13 =	vld [tilespmem:s29+$0xFFFFFEA0]  }
0x31c: {  	[tilespmem:$0x1FEA0] =	vst v28;
	v28 =	vld [tilespmem:s28+$0xFFFFFE90];
	v4 =	vadd.f32 v5, v4;
	v2 =	vadd.f32 v3, v2;
	v3 =	vmul.f32 v17, v17  }
0x31d: {  	v12 =	vld [tilespmem:s29+$0xFFFFFE30];
	[tilespmem:$0x1FF00] =	vst v11;
	v1 =	vadd.f32 v41, v1;
	v5 =	vmul.f32 v45, v45;
	v10 =	vmul.f32 v10, v18  }
0x31e: {  	v58, _, _ =	vpop (xrf2);
	(xrf2) =	vadd.scan.msk.f32 $0xffff, v4;
	v4 =	vmul.f32 v11, v11;
	v11 =	vmul.f32 v19, v19;
	v3 =	vadd.f32 v3, v2;
	v2 =	vld [tilespmem:$0x1F9D0]  }
0x31f: {  	v59 =	vbroadcast v59, $0xF;
	[tilespmem:$0x1FEE0] =	vst v45;
	v1 =	vadd.f32 v5, v1;
	v5 =	vadd.f32 v10, v6;
	v10 =	vld [tilespmem:$0x1F9E0]  }
0x320: {  	v47 =	vmovc v25;
	v34 =	vld [tilespmem:s29+$0xFFFFFE20];
	v45 =	vmul.f32 v29, v29;
	v0 =	vadd.f32 v11, v4;
	v4 =	vmul.f32 v13, v13  }
0x321: {  	v25 =	vmov v23;
	v32 =	vld [tilespmem:s29+$0xFFFFFE40];
	v44 =	vmul.f32 v28, v28;
	v57, _, _ =	vpop (xrf2);
	(xrf2) =	vadd.scan.msk.f32 $0xffff, v1;
	v1 =	vmul.f32 v42, v42  }
0x322: {  	[tilespmem:$0x1FF60] =	vst v42;
	v23 =	vmovc v17;
	v35 =	vld [tilespmem:s29+$0xFFFFFE50];
	v17 =	vbroadcast v63, $0xF;
	v0 =	vadd.f32 v4, v0;
	v4 =	vmul.f32 v36, v36  }
0x323: {  	p0 =	sne.s32 s30, $0x1C0;
	[tilespmem:$0x1FFF0] =	vst v12;
	v33 =	vld [tilespmem:s29+$0xFFFFFE60];
	v1 =	vadd.f32 v44, v1;
	v5 =	vadd.f32 v8, v5;
	v8 =	vmul.f32 v31, v31  }
.Ltmp6:
0x324: {  	v20 =	vmovc v61;
	v15 =	vmov v53;
	[tilespmem:$0x1FE90] =	vst v22;
	v41 =	vld [tilespmem:s28+$0xFFFFFE00];
	v2 =	vmul.f32 v2, v10;
	v10 =	vmul.f32 v30, v30;
	(pc) =	sbr.rel @p0 .LBB2_14-.Ltmp6, $4  }
0x325: {  	[tilespmem:$0x1FF10] =	vst v19;
	v43 =	vld [tilespmem:s28+$0xFFFFFE40];
	v46 =	vmul.f32 v34, v34;
	v0 =	vadd.f32 v4, v0;
	v1 =	vadd.f32 v45, v1  }
0x326: {  	v61, _, _ =	vpop (xrf2);
	v42 =	vld [tilespmem:s28+$0xFFFFFE10];
	(xrf2) =	vadd.scan.msk.f32 $0xffff, v3;
	v4 =	vmul.f32 v14, v14;
	v52 =	vadd.f32 v7, v5;
	v5 =	vadd.f32 v8, v10  }
0x327: {  	v63 =	vmul.f32 v32, v32;
	v60, _, _ =	vpop (xrf2);
	v44 =	vmov v14;
	v45 =	vld [tilespmem:s28+$0xFFFFFE20];
	(xrf2) =	vadd.scan.msk.f32 $0xffff, v0;
	v0 =	vmul.f32 v35, v35  }
0x328: {  	s30 =	sadd.s32 $0x40, s30;
	s26 =	smov.u32 s0;
	[tilespmem:$0x1FF50] =	vst v13;
	v53 =	vadd.f32 v4, v1;
	v1 =	vmul.f32 v12, v12;
	v3, _, _ =	vpop (xrf2);
	v13 =	vadd.f32 v46, v5;
	v46 =	vld [tilespmem:s28+$0xFFFFFE50]  }
0x329: {  	v10 =	vld [tilespmem:s28+$0xFFFFFE60]  }
0x32a: {  	v0 =	vadd.f32 v0, v63;
	v4 =	vmul.f32 v33, v33;
	v63 =	vld [tilespmem:s28+$0xFFFFFF10]  }
0x32b: {  	v62 =	vld [tilespmem:s28+$0xFFFFFE30];
	v5 =	vmul.f32 v41, v41;
	v7 =	vmul.f32 v27, v27  }
0x32c: {  	v12 =	vld [tilespmem:s28+$0xFFFFFE70];
	v22 =	vmul.f32 v43, v43;
	v6 =	vmul.f32 v42, v42;
	v0 =	vadd.f32 v4, v0  }
0x32d: {  	v1 =	vadd.f32 v1, v13;
	v13 =	vld [tilespmem:s28+$0xFFFFFF20];
	v11 =	vmul.f32 v45, v45;
	v8 =	vmul.f32 v46, v46  }
0x32e: {  	v5 =	vadd.f32 v6, v5;
	v0 =	vadd.f32 v7, v0;
	v7 =	vmul.f32 v15, v38;
	v38 =	vld [tilespmem:$0x1FBA0]  }
0x32f: {  	[tilespmem:$0x1F940] =	vst v10;
	v18 =	vmul.f32 v10, v10;
	v14 =	vmul.f32 v63, v63;
	v10 =	vld [tilespmem:$0x1FA60]  }
0x330: {  	(xrf2) =	vadd.scan.msk.f32 $0xffff, v53;
	v4 =	vadd.f32 v8, v22;
	v5 =	vadd.f32 v11, v5;
	v11 =	vld [tilespmem:s28+$0xFFFFFF30];
	v22 =	vmul.f32 v16, v16  }
0x331: {  	(xrf2) =	vadd.scan.msk.f32 $0xffff, v1;
	v8 =	vld [tilespmem:$0x1FBD0]  }
0x332: {  	v19 =	vmul.f32 v62, v62;
	(xrf2) =	vadd.scan.msk.f32 $0xffff, v0;
	v0 =	vadd.f32 v14, v22;
	v22 =	vld [tilespmem:$0x1FB90]  }
0x333: {  	v53 =	vmov v12;
	v4 =	vadd.f32 v18, v4;
	v18 =	vmul.f32 v12, v12;
	v12 =	vld [tilespmem:$0x1FA70]  }
0x334: {  	v1 =	vadd.f32 v19, v5;
	v19 =	vmul.f32 v13, v13;
	v14 =	vld [tilespmem:$0x1FA90]  }
0x335: {  	v4 =	vadd.f32 v18, v4;
	v18 =	vld [tilespmem:$0x1FB30]  }
0x336: {  	v0 =	vadd.f32 v19, v0;
	v19 =	vld [tilespmem:$0x1FB80]  }
0x337: {  	(xrf2) =	vadd.scan.msk.f32 $0xffff, v1;
	[tilespmem:$0x1F950] =	vst v11;
	v1 =	vmul.f32 v11, v11;
	v11 =	vld [tilespmem:$0x1FA80]  }
0x338: {  	(xrf2) =	vadd.scan.msk.f32 $0xffff, v4;
	v4 =	vmul.f32 v22, v8;
	v22 =	vld [tilespmem:$0x1FB60];
	_ =	sdelay $0x1  }
0x339: {  	v6 =	vmul.f32 v12, v14;
	v14 =	vld [tilespmem:$0x1FAD0]  }
0x33a: {  	v8 =	vmul.f32 v18, v19;
	v18 =	vld [tilespmem:$0x1FAA0]  }
0x33b: {  	v19 =	vld [tilespmem:$0x1FBB0]  }
0x33c: {  	v5 =	vmul.f32 v10, v11;
	v11 =	vmul.f32 v22, v38;
	v22 =	vld [tilespmem:$0x1FBF0];
	_ =	sdelay $0x1  }
0x33d: {  	v15 =	vld [tilespmem:$0x1FB70]  }
0x33e: {  	v0 =	vadd.f32 v1, v0;
	v1 =	vld [tilespmem:$0x1FB20]  }
0x33f: {  	v38 =	vmul.f32 v18, v14;
	v18 =	vld [tilespmem:$0x1FBC0]  }
0x340: {  	v5 =	vadd.f32 v6, v5;
	v6 =	vmul.f32 v19, v22;
	v22 =	vld [tilespmem:$0x1FBE0]  }
0x341: {  	v19 =	vld [tilespmem:$0x1FC00];
	_ =	sdelay $0x1  }
0x342: {  	v1 =	vmul.f32 v1, v15  }
0x343: {  	v15 =	vmul.f32 v26, v47;
	v26 =	vmov v16;
	v16 =	vmul.f32 v20, v25;
	v25 =	vld [tilespmem:$0x1FCE0]  }
0x344: {  	v14 =	vmul.f32 v22, v24;
	v24 =	vld [tilespmem:$0x1FCD0]  }
0x345: {  	v10, _, _ =	vpop (xrf2);
	v12 =	vmul.f32 v18, v19;
	v18 =	vld [tilespmem:$0x1FD10]  }
0x346: {  	(xrf2) =	vadd.scan.msk.f32 $0xffff, v0;
	v0, _, _ =	vpop (xrf2);
	v19 =	vld [tilespmem:$0x1FD20]  }
0x347: {  	v47 =	vld [tilespmem:$0x1FD00];
	v1 =	vadd.f32 v8, v1;
	v8, _, _ =	vpop (xrf2)  }
0x348: {  	v2 =	vadd.f32 v2, v5;
	v5, _, _ =	vpop (xrf2)  }
0x349: {  	v1 =	vadd.f32 v11, v1;
	v11, _, _ =	vpop (xrf2)  }
0x34a: {  	v8 =	vbroadcast v8, $0xF;
	v11 =	vbroadcast v11, $0xF;
	v6 =	vadd.f32 v12, v6  }
0x34b: {  	v2 =	vadd.f32 v51, v2;
	v22, _, _ =	vpop (xrf2);
	v12 =	vmul.f32 v24, v18;
	v19 =	vmul.f32 v25, v19  }
0x34c: {  	v51 =	vadd.f32 v14, v6;
	v14 =	vld [tilespmem:$0x1FC70];
	v24 =	vmul.f32 v47, v21;
	v21, _, _ =	vpop (xrf2);
	v25 =	vbroadcast v22, $0xF  }
0x34d: {  	v1 =	vadd.f32 v4, v1;
	v22 =	vbroadcast v61, $0xF;
	v61 =	vbroadcast v54, $0xF;
	v54 =	vld [tilespmem:$0x1FE90];
	v47, _, _ =	vpop (xrf2)  }
0x34e: {  	v4 =	vadd.f32 v7, v51;
	v6 =	vbroadcast v21, $0xF;
	v51 =	vbroadcast v47, $0xF;
	v47 =	vld [tilespmem:$0x1FD80]  }
0x34f: {  	v18 =	vbroadcast v10, $0xF;
	v11 =	vsel vm0, v11, v25;
	v25 =	vbroadcast v60, $0xF;
	v60 =	vld [tilespmem:$0x1FB50]  }
0x350: {  	v12 =	vadd.f32 v19, v12;
	v8 =	vsel vm1, v11, v8;
	v6 =	vsel vm0, v6, v51;
	v51 =	vld [tilespmem:$0x1FDC0]  }
0x351: {  	v3 =	vbroadcast v3, $0xF;
	v5 =	vbroadcast v5, $0xF;
	v20 =	vsel vm2, v8, v18;
	v18 =	vld [tilespmem:$0x1FD40]  }
0x352: {  	v12 =	vadd.f32 v24, v12;
	v19, _, _ =	vpop (xrf2);
	v24 =	vbroadcast v58, $0xF;
	v58 =	vbroadcast v57, $0xF;
	v57 =	vld [tilespmem:$0x1FEA0]  }
0x353: {  	v21 =	vbroadcast v19, $0xF;
	v3 =	vsel vm3, v20, v3;
	v19 =	vld [tilespmem:$0x1FD90];
	v20 =	vbroadcast v48, $0xF  }
0x354: {  	v48 =	vbroadcast v37, $0xF;
	v37 =	vmul.f32 v36, v44;
	v44 =	vld [tilespmem:$0x1FF50]  }
0x355: {  	v0 =	vbroadcast v0, $0xF;
	v36 =	vld [tilespmem:$0x1FB10]  }
0x356: {  	v5 =	vsel vm1, v6, v5;
	v3 =	vsel vm4, v3, v22;
	v22 =	vld [tilespmem:$0x1FDA0]  }
0x357: {  	v0 =	vsel vm2, v5, v0;
	v7 =	vadd.f32 v15, v12;
	v15 =	vbroadcast v56, $0xF;
	v56 =	vld [tilespmem:$0x1FE20]  }
0x358: {  	v0 =	vsel vm3, v0, v21;
	v21 =	vld [tilespmem:$0x1FD50]  }
0x359: {  	v3 =	vsel vm5, v3, v24;
	v24 =	vbroadcast v50, $0xF;
	v50 =	vld [tilespmem:$0x1FEE0]  }
0x35a: {  	v0 =	vsel vm4, v0, v25;
	v25 =	vld [tilespmem:$0x1FF40]  }
0x35b: {  	v3 =	vsel vm6, v3, v61;
	v61 =	vld [tilespmem:$0x1FEF0]  }
0x35c: {  	v9 =	vbroadcast v9, $0xF;
	v5 =	vmul.f32 v47, v51;
	v51 =	vld [tilespmem:$0x1FE10]  }
0x35d: {  	v39 =	vbroadcast v39, $0xF;
	v0 =	vsel vm5, v0, v58;
	v3 =	vsel vm7, v3, v20;
	v58 =	vld [tilespmem:$0x1FFB0]  }
0x35e: {  	v6 =	vmul.f32 v18, v19;
	v0 =	vsel vm6, v0, v15;
	v3 =	vsel vm8, v3, v9;
	v18 =	vld [tilespmem:$0x1FFA0]  }
0x35f: {  	(xrf2) =	vadd.scan.msk.f32 $0xffff, v60;
	v3 =	vsel vm9, v3, v39;
	v9 =	vmul.f32 v56, v57;
	v56 =	vld [tilespmem:$0x1FFF0];
	v10 =	vbroadcast v25, $0xF  }
0x360: {  	v47 =	vbroadcast v40, $0xF;
	v0 =	vsel vm7, v0, v24;
	v3 =	vsel vm10, v3, v59;
	v59 =	vld [tilespmem:$0x1FFC0]  }
0x361: {  	v8 =	vmul.f32 v21, v22;
	v21 =	vld [tilespmem:$0x1FF00];
	v0 =	vsel vm8, v0, v10  }
0x362: {  	(xrf2) =	vadd.scan.msk.f32 $0xffff, v14;
	v22 =	vld [tilespmem:$0x1FF60];
	v0 =	vsel vm9, v0, v47  }
0x363: {  	v25 =	vld [tilespmem:$0x1FF10];
	v0 =	vsel vm10, v0, v48  }
0x364: {  	v0 =	vsel vm11, v0, v17;
	v17 =	vld [tilespmem:$0x1FF90]  }
0x365: {  	v3 =	vsel vm11, v3, v49;
	v49 =	vmul.f32 v31, v42;
	v31 =	vld [tilespmem:$0x1FCB0]  }
0x366: {  	v12 =	vmul.f32 v55, v61;
	v55 =	vmul.f32 v35, v46;
	v35 =	vld [tilespmem:$0x1FAC0]  }
0x367: {  	v42 =	vld [tilespmem:$0x1FB40];
	v6 =	vadd.f32 v8, v6;
	v8 =	vmul.f32 v51, v54  }
0x368: {  	v46 =	vld [tilespmem:$0x1FA30];
	v3 =	vsel vm12, v3, v58;
	v54 =	vmul.f32 v32, v43;
	v10 =	vmul.f32 v50, v23  }
0x369: {  	v50 =	vmul.f32 v34, v45;
	v8 =	vadd.f32 v9, v8;
	v60, _, _ =	vpop (xrf2);
	v48 =	vld [tilespmem:$0x1FDB0];
	v3 =	vsel vm13, v3, v17  }
0x36a: {  	v51 =	vld [tilespmem:$0x1FDD0];
	v5 =	vadd.f32 v5, v6;
	v47 =	vmul.f32 v30, v41;
	v3 =	vsel vm14, v3, v60  }
0x36b: {  	v58 =	vld [tilespmem:$0x1F940];
	v0 =	vsel vm12, v0, v59;
	v23 =	vshrl.u32 v3, $0x1;
	v14 =	vmul.f32 $5.000000000e-01, v3  }
0x36c: {  	v32 =	vld [tilespmem:$0x1FCF0];
	v19, _, _ =	vpop (xrf2);
	v8 =	vadd.f32 v12, v8;
	v0 =	vsel vm13, v0, v18;
	v12 =	vsub.s32 $0x5F3759DF, v23  }
0x36d: {  	v45 =	vld [tilespmem:$0x1FA00];
	v11 =	vmul.f32 v21, v22;
	v0 =	vsel vm14, v0, v19;
	v39 =	vmul.f32 v12, v14  }
0x36e: {  	v21 =	vld [tilespmem:$0x1FCA0];
	v20 =	vshrl.u32 v0, $0x1;
	v9 =	vmul.f32 $5.000000000e-01, v0;
	(xrf2) =	vadd.scan.msk.f32 $0xffff, v48;
	v17 =	vmul.f32 v25, v28  }
0x36f: {  	v22 =	vld [tilespmem:$0x1FED0];
	v5 =	vadd.f32 v16, v5;
	v6 =	vsub.s32 $0x5F3759DF, v20;
	(xrf2) =	vadd.scan.msk.f32 $0xffff, v52;
	v16 =	vmul.f32 v12, v39  }
0x370: {  	v19 =	vld [tilespmem:$0x1FC40];
	v24 =	vmul.f32 v6, v9;
	(xrf2) =	vadd.scan.msk.f32 $0xffff, v2;
	v40 =	vadd.f32 v17, v11;
	v11 =	vmul.f32 v44, v29  }
0x371: {  	v2 =	vadd.f32 v49, v47;
	v60 =	vld [tilespmem:$0x1FDE0];
	(xrf2) =	vadd.scan.msk.f32 $0xffff, v1;
	v52 =	vsub.f32 $1.500000000e+00, v16  }
0x372: {  	v8 =	vadd.f32 v10, v8;
	v20 =	vld [tilespmem:$0x1FC90];
	v15 =	vmul.f32 v6, v24;
	(xrf2) =	vadd.scan.msk.f32 $0xffff, v4;
	v10 =	vadd.f32 v11, v40  }
0x373: {  	v25 =	vld [tilespmem:$0x1FC80];
	v2 =	vadd.f32 v50, v2;
	(xrf2) =	vadd.scan.msk.f32 $0xffff, v7;
	v1 =	vmul.f32 v12, v52;
	v12 =	vmul.f32 v56, v62  }
0x374: {  	v17 =	vld [tilespmem:$0x1FE50];
	v15 =	vsub.f32 $1.500000000e+00, v15;
	(xrf2) =	vadd.scan.msk.f32 $0xffff, v5;
	v10 =	vadd.f32 v37, v10  }
0x375: {  	v28 =	vld [tilespmem:$0x1FAB0];
	v11 =	vmul.f32 v51, v26;
	(xrf2) =	vadd.scan.msk.f32 $0xffff, v8;
	v61 =	vmul.f32 v1, v14;
	v2 =	vadd.f32 v12, v2  }
0x376: {  	v23 =	vld [tilespmem:$0x1F950];
	v7 =	vmul.f32 v60, v63;
	v6 =	vmul.f32 v6, v15;
	(xrf2) =	vadd.scan.msk.f32 $0xffff, v10  }
0x377: {  	v57 =	vadd.f32 v55, v54;
	v16 =	vmul.f32 v61, v1;
	(xrf2) =	vadd.scan.msk.f32 $0xffff, v2;
	v2 =	vld [tilespmem:$0x1FC50]  }
0x378: {  	v29 =	vld [tilespmem:$0x1FAE0];
	v15 =	vmul.f32 v33, v58;
	v7 =	vadd.f32 v7, v11;
	v59 =	vmul.f32 v6, v9  }
0x379: {  	v26 =	vld [tilespmem:$0x1FCC0];
	v10 =	vmul.f32 v17, v13;
	v11 =	vmul.f32 v19, v20;
	v8 =	vsub.f32 $1.500000000e+00, v16  }
0x37a: {  	v41 =	vld [tilespmem:$0x1FB00];
	v4 =	vadd.f32 v15, v57;
	v62 =	vmul.f32 v27, v53;
	v63 =	vmul.f32 v59, v6  }
0x37b: {  	v54 =	vld [tilespmem:$0x1FAF0];
	v7 =	vadd.f32 v10, v7;
	v10 =	vmul.f32 v22, v23;
	v1 =	vmul.f32 v8, v1  }
0x37c: {  	v55 =	vld [tilespmem:$0x1FC30];
	v4 =	vadd.f32 v62, v4;
	v18 =	vsub.f32 $1.500000000e+00, v63;
	v2 =	vmul.f32 v2, v21  }
0x37d: {  	v48 =	vld [tilespmem:$0x1FC60];
	v7 =	vadd.f32 v10, v7;
	v10 =	vmul.f32 v28, v29;
	v34 =	vmul.f32 v1, v14  }
0x37e: {  	v47 =	vld [tilespmem:$0x1FC20];
	v5 =	vmul.f32 v18, v6;
	v6 =	vmul.f32 v25, v26;
	v2 =	vadd.f32 v2, v11  }
0x37f: {  	v39 =	vld [tilespmem:$0x1FA10];
	v10 =	vadd.f32 v10, v38;
	v13 =	vmul.f32 v34, v1  }
0x380: {  	v24, _, _ =	vpop (xrf2);
	v38 =	vld [tilespmem:$0x1F9F0];
	(xrf2) =	vadd.scan.msk.f32 $0xffff, v4;
	v9 =	vmul.f32 v5, v9;
	v2 =	vadd.f32 v6, v2;
	v6 =	vmul.f32 v31, v32  }
0x381: {  	v44 =	vld [tilespmem:$0x1FE80];
	v27, _, _ =	vpop (xrf2);
	v13 =	vsub.f32 $1.500000000e+00, v13  }
0x382: {  	v50 =	vld [tilespmem:$0x1FA20];
	v30, _, _ =	vpop (xrf2);
	v9 =	vmul.f32 v9, v5;
	v14 =	vmul.f32 v35, v36;
	v2 =	vadd.f32 v6, v2  }
0x383: {  	v53 =	vld [tilespmem:$0x1FC10];
	v33, _, _ =	vpop (xrf2);
	(xrf2) =	vadd.scan.msk.f32 $0xffff, v7;
	v1 =	vmul.f32 v13, v1  }
0x384: {  	v51 =	vld [tilespmem:$0x1FA40];
	v37, _, _ =	vpop (xrf2);
	v9 =	vsub.f32 $1.500000000e+00, v9;
	v10 =	vadd.f32 v14, v10;
	v14 =	vmul.f32 v41, v42;
	(xrf2) =	vadd.scan.msk.f32 $0xffff, v2  }
0x385: {  	v40, _, _ =	vpop (xrf2);
	v6 =	vmul.f32 v38, v39;
	v1 =	vmul.f32 v1, v3;
	v3 =	vld [tilespmem:$0x1FFE0]  }
0x386: {  	v43, _, _ =	vpop (xrf2);
	v5 =	vmul.f32 v9, v5;
	v10 =	vadd.f32 v14, v10;
	v14 =	vadd.f32 v48, v47  }
0x387: {  	v17 =	vmul.f32 v45, v46;
	v6 =	vadd.f32 v6, v44;
	v2, _, _ =	vpop (xrf2)  }
0x388: {  	v59 =	vld [tilespmem:$0x1FFD0];
	v18 =	vmul.f32 v54, v55;
	v0 =	vmul.f32 v5, v0;
	v14 =	vadd.f32 v53, v14;
	v49, _, _ =	vpop (xrf2)  }
0x389: {  	v61 =	vld [tilespmem:$0x1FA50];
	(xrf2) =	vadd.scan.msk.f32 $0xffff, v10;
	v6 =	vadd.f32 v17, v6;
	v17 =	vmul.f32 v50, v51;
	v52, _, _ =	vpop (xrf2)  }
0x38a: {  	v63 =	vbroadcast v43, $0xF;
	v56, _, _ =	vpop (xrf2);
	v0 =	vmul.f32 v0, v3;
	v3 =	vadd.f32 v18, v14  }
0x38b: {  	v6 =	vadd.f32 v17, v6;
	v57 =	vbroadcast v52, $0xF;
	v5 =	vbroadcast v56, $0xF  }
0x38c: {  	v2 =	vbroadcast v2, $0xF;
	v58 =	vbroadcast v49, $0xF  }
0x38d: {  	v1 =	vmul.f32 v1, v59;
	(xrf2) =	vadd.scan.msk.f32 $0xffff, v6;
	v60, _, _ =	vpop (xrf2);
	v5 =	vsel vm0, v57, v5;
	v0 =	vmax.f32 v0, $9.999999930e-09  }
0x38e: {  	v62 =	vbroadcast v60, $0xF;
	(xrf2) =	vadd.scan.msk.f32 $0xffff, v3;
	v5 =	vsel vm1, v5, v58;
	v0 =	vmul.f32 v0, v61;
	v3, _, _ =	vpop (xrf2)  }
0x38f: {  	v1 =	vmax.f32 v1, $9.999999930e-09;
	v2 =	vsel vm2, v5, v2;
	v3 =	vbroadcast v3, $0xF  }
0x390: {  	v2 =	vsel vm3, v2, v62;
	v0 =	vmul.f32 v1, v0;
	v1 =	vbroadcast v40, $0xF  }
0x391: {  	v2 =	vsel vm4, v2, v63  }
0x392: {  	v1 =	vsel vm5, v2, v1;
	(erf) = vrcp.f32 v0;
	v0 =	vbroadcast v37, $0xF  }
0x393: {  	v2 =	vbroadcast v33, $0xF;
	v1 =	vsel vm6, v1, v3;
	v3, _, _ =	vpop (xrf2)  }
0x394: {  	v0 =	vsel vm7, v1, v0;
	v1 =	vbroadcast v3, $0xF  }
0x395: {  	v0 =	vsel vm8, v0, v2;
	v2 =	vbroadcast v30, $0xF  }
0x396: {  	v0 =	vsel vm9, v0, v1;
	v1 =	vbroadcast v27, $0xF  }
0x397: {  	v0 =	vsel vm10, v0, v2  }
0x398: {  	v3, _, _ =	vpop (xrf2);
	v0 =	vsel vm11, v0, v1;
	v1 =	vbroadcast v24, $0xF  }
0x399: {  	v2 =	vbroadcast v3, $0xF;
	_ =	sdelay $0x1  }
0x39a: {  	v0 =	vsel vm12, v0, v2  }
0x39b: {  	v0 =	vsel vm13, v0, v1;
	v1, _, _ =	vpop (xrf2)  }
0x39c: {  	v0 =	vsel vm14, v0, v1;
	v1 =	vpop (erf)  }
0x39d: {  	v0 =	vmul.f32 v1, v0;
	_ =	sdelay $0x1  }
0x39e: {  	s25 =	sadd.s32 $0x1, s25;
	v0 =	vmul.f32 $5.000000000e+00, v0  }
0x39f: {  	p0 =	sne.s32 s25, s9  }
.Ltmp7:
0x3a0: {  	[tilespmem:s26+$0xF300] =	vst v0;
	(pc) =	sbr.rel @p0 .LBB2_1-.Ltmp7, $4  }
0x3a1: {  	[hbm4b:s8+s2] =	stream.linear.scatter [tilespmem:s24], [sflag:$0x5], $0x80, $0x38;
	[tilespmem:$0xF380] =	vst v63  }
0x3a2: {  	_ =	swait.ge [sflag:s12], $0x80  }
0x3a3: {  	[sflag:s12] =	ssyncset.done $0x0  }
0x3a4: {  	v0 =	vimm.f32 $0.0e+00;
	[sflag:s12] =	ssyncadd.s32 $0xFFFFFF80  }
0x3a5: {  	_ =	sfence.sel $0x180000  }
0x3a6: {  	[bflag:$0x0] =	sbarrier.arrive $0xFFFF  }
0x3a7: {  	_ =	strace $0x90000047  }
0x3a8: {  	[bflag:$0x2] =	sbarrier.arrive $0xFFFF  }
0x3a9: {  	p0 =	sne.s32 s1, $0x0;
	s0 =	rddreg [dreg:$0x4]  }
0x3aa: {  	s0 =	sadd.s32 @!p0 $0x100000, s0  }
0x3ab: {  	[sflag:s0] =	ssyncadd.tile.s32 @!p0 $0x1;
	_ =	shalt  }
.Lfunc_end2:
_tile_overlayer_lowered:
.L_overlay_start_2:
0x3ac: {  	(tag) =	ssettag $0x2  }
0x3ad: {  	s0 =	rddreg [dreg:$0x0];
	s2 =	stileid.u32  }
0x3ae: {  	s1 =	rddreg [dreg:$0x1];
	p0 =	sne.s32 s2, $0x0  }
0x3af: {  	s3 =	rddreg [dreg:$0x2];
	[bflag:$0x3] =	sbarrier.arrive $0xFFFF;
	s2 =	simm.s32 @!p0 $0x1C05  }
0x3b0: {  	[timem:s3], [sflag:s2] =	dma.local @!p0 [hbm:s0], s1  }
0x3b1: {  	s0 =	simm.s32 @!p0 $0x5  }
0x3b2: {  	_ =	swait.ge @!p0 [sflag:s0], s1  }
0x3b3: {  	s1 =	ssub.s32 @!p0 $0x0, s1;
	[sflag:s0] =	ssyncset.done @!p0 $0x0  }
0x3b4: {  	[sflag:s0] =	ssyncadd.s32 @!p0 s1  }
0x3b5: {  	[bflag:$0x3] =	sbarrier.arrive $0xFFFF  }
0x3b6: {  	_ =	shalt  }

</sc_bundles>
